<compile_context>
chip_gen: v7x
topology: tpu7x:2x2x1
jax: 0.10.2.dev20260603
libtpu: 0.0.44.dev20260713+nightly
codegen_flags: <defaults>
</compile_context>

<pallas_src>
import functools

import jax
import jax.numpy as jnp
from jax import lax
from jax.experimental import pallas as pl
from jax.experimental.pallas import tpu as pltpu
from jax.experimental.pallas import tpu_sc as plsc

NUM_CLASSES = 1000000
FEAT_DIM = 64
BATCH = 16384

NC = 2
NS = 16
LANES = 16
NW = NC * NS
BLK = 512
BLK_SHIFT = 9
NBLK = (NUM_CLASSES + BLK - 1) // BLK
BLK_PER_W = (NBLK + NW - 1) // NW
CLS_PAD = ((NUM_CLASSES + 127) // 128) * 128
MAX_START = CLS_PAD - BLK
NVREG = BATCH // LANES
FLUSH = 64
SCAT_ROWS = BATCH + FLUSH


def _sc_body(cent_hbm, tgt_hbm, scat_hbm,
             tgt_v, tm_un, bm_un, bufs, outbuf, bm_chunk,
             ssem, scsem, tsem):
    wid = lax.axis_index("s") * NC + lax.axis_index("c")
    lo = wid * BLK_PER_W
    nblk = jnp.minimum(NBLK - lo, BLK_PER_W)

    lane = lax.iota(jnp.int32, LANES)
    dvecs = [q * LANES + lane for q in range(FEAT_DIM // LANES)]

    def blk_start(g):
        return pl.multiple_of(jnp.minimum((lo + g) * BLK, MAX_START), 128)

    def issue_blk(g, p):
        s = blk_start(g)
        pltpu.async_copy(cent_hbm.at[pl.ds(0, 32), pl.ds(s, BLK)],
                         bufs.at[p].at[pl.ds(0, 32)], ssem)
        pltpu.async_copy(cent_hbm.at[pl.ds(32, 32), pl.ds(s, BLK)],
                         bufs.at[p].at[pl.ds(32, 32)], ssem)

    def wait_blk(p):
        pltpu.make_async_copy(cent_hbm.at[pl.ds(0, 64), pl.ds(0, BLK)],
                              bufs.at[p], ssem).wait()

    tcopy = pltpu.async_copy(tgt_hbm, tgt_v, tsem)
    issue_blk(0, 0)
    issue_blk(1, 1)
    tcopy.wait()

    def extract(j, cnt):
        tv = tgt_v[pl.ds(j * LANES, LANES)]
        civ = lax.shift_right_logical(tv, BLK_SHIFT)
        inm = (civ >= lo) & (civ < lo + nblk)
        cs = plsc.cumsum(inm.astype(jnp.int32))
        pos = cnt + cs - 1
        plsc.store_scatter(tm_un, [pos], tv, mask=inm)
        plsc.store_scatter(bm_un, [pos], j * LANES + lane, mask=inm)
        return cnt + cs[15]

    nm = lax.fori_loop(0, NVREG, extract, jnp.int32(0))
    tm_un[pl.ds(nm, LANES)] = jnp.full((LANES,), 0x40000000, jnp.int32)
    nmv = (nm + LANES - 1) // LANES

    def reset_chunk():
        for r in range(FLUSH // LANES):
            bm_chunk[pl.ds(r * LANES, LANES)] = BATCH + r * LANES + lane

    reset_chunk()

    zeros = jnp.zeros((LANES,), jnp.float32)
    for r in range(FLUSH):
        for q in range(FEAT_DIM // LANES):
            outbuf[r, pl.ds(FEAT_DIM + q * LANES, LANES)] = zeros

    def stream(g, cnt_rows):
        wait_blk(g & 1)

        gbuf = jnp.full((LANES,), g & 1, jnp.int32)
        start_cls = blk_start(g)

        def scan_vreg(k, cnt_rows):
            tmv = tm_un[pl.ds(k * LANES, LANES)]
            civ = lax.shift_right_logical(tmv, BLK_SHIFT)
            m = civ == lo + g

            def cond(carry):
                m, _ = carry
                return plsc.all_reduce_population_count(m)[0] > 0

            def body(carry):
                m, cnt_rows = carry
                lf = plsc.all_reduce_ffs(m)
                idx = k * LANES + lf
                tmval = plsc.load_gather(tm_un, [idx])
                bmval = plsc.load_gather(bm_un, [idx])
                l_spl = tmval - start_cls
                row = cnt_rows & (FLUSH - 1)
                for q in range(FEAT_DIM // LANES):
                    cv = plsc.load_gather(bufs, [gbuf, dvecs[q], l_spl])
                    outbuf[row, pl.ds(q * LANES, LANES)] = cv
                plsc.store_scatter(bm_chunk, [jnp.full((LANES,), row, jnp.int32)],
                                   bmval, mask=lane == 0)
                cnt_rows = cnt_rows + 1

                @pl.when((cnt_rows & (FLUSH - 1)) == 0)
                def _():
                    pltpu.async_copy(outbuf, scat_hbm.at[bm_chunk], scsem).wait()
                    reset_chunk()

                return m & (lane != lf), cnt_rows

            _, cnt_rows = lax.while_loop(cond, body, (m, cnt_rows))
            return cnt_rows

        cnt_rows = lax.fori_loop(0, nmv, scan_vreg, cnt_rows)

        @pl.when(g + 2 < nblk)
        def _():
            issue_blk(g + 2, g & 1)

        return cnt_rows

    cnt_rows = lax.fori_loop(0, nblk, stream, jnp.int32(0))

    @pl.when((cnt_rows & (FLUSH - 1)) != 0)
    def _():
        pltpu.async_copy(outbuf, scat_hbm.at[bm_chunk], scsem).wait()


_sc_gather = functools.partial(
    pl.kernel,
    out_type=jax.ShapeDtypeStruct((SCAT_ROWS, 128), jnp.float32),
    mesh=plsc.VectorSubcoreMesh(core_axis_name="c", subcore_axis_name="s"),
    compiler_params=pltpu.CompilerParams(needs_layout_passes=False),
    scratch_types=[
        pltpu.VMEM((BATCH,), jnp.int32),
        pltpu.VMEM((BATCH + LANES,), jnp.int32),
        pltpu.VMEM((BATCH + LANES,), jnp.int32),
        pltpu.VMEM((2, FEAT_DIM, BLK), jnp.float32),
        pltpu.VMEM((FLUSH, 128), jnp.float32),
        pltpu.VMEM((FLUSH,), jnp.int32),
        pltpu.SemaphoreType.DMA,
        pltpu.SemaphoreType.DMA,
        pltpu.SemaphoreType.DMA,
    ],
)(_sc_body)


GRID = 4
FBLK = BATCH // GRID


def _tc_body(ft_ref, sc_ref, o_ref, acc_ref, s_ref):
    i = pl.program_id(0)

    @pl.when(i == 0)
    def _():
        acc_ref[...] = jnp.zeros_like(acc_ref)
        s_ref[0] = 0.0
        s_ref[1] = 0.0

    f = ft_ref[...]
    c = sc_ref[...]
    acc_ref[...] += lax.dot_general(
        f, c, (((1,), (0,)), ((), ())),
        preferred_element_type=jnp.float32)
    s_ref[0] += jnp.sum(f * f)
    s_ref[1] += jnp.sum(c[:, :FEAT_DIM] * c[:, :FEAT_DIM])

    @pl.when(i == GRID - 1)
    def _():
        r = lax.broadcasted_iota(jnp.int32, (FEAT_DIM, 128), 0)
        col = lax.broadcasted_iota(jnp.int32, (FEAT_DIM, 128), 1)
        tr = jnp.sum(jnp.where(r == col, acc_ref[...], 0.0))
        o_ref[0, 0] = (s_ref[0] + s_ref[1] - 2.0 * tr) * (1.0 / BATCH)


_tc_finish = pl.pallas_call(
    _tc_body,
    grid=(GRID,),
    in_specs=[
        pl.BlockSpec((FEAT_DIM, FBLK), lambda i: (0, i)),
        pl.BlockSpec((FBLK, 128), lambda i: (i, 0)),
    ],
    out_specs=pl.BlockSpec(memory_space=pltpu.SMEM),
    out_shape=jax.ShapeDtypeStruct((1, 1), jnp.float32),
    scratch_shapes=[
        pltpu.VMEM((FEAT_DIM, 128), jnp.float32),
        pltpu.SMEM((2,), jnp.float32),
    ],
)


def kernel(features, targets, centers):
    tgt = targets.astype(jnp.int32)
    scat = _sc_gather(centers.T, tgt)
    return _tc_finish(features.T, scat)[0, 0]

# --- scband reference (transcript-rebuilt; emitter-appended) ---
"""Pipeline reference for scband-center-loss-57784490000732 (READ-ONLY COPY).

The authoritative reference and input builder live on the scoring server;
editing this copy changes nothing except your own understanding.
"""

import jax, jax.numpy as jnp
import numpy as np

NUM_CLASSES = 1000000
FEAT_DIM = 64
BATCH = 16384

def _xavier_uniform(key, shape):
    fan_in, fan_out = shape[1], shape[0]
    limit = float(np.sqrt(6.0 / (fan_in + fan_out)))
    return jax.random.uniform(key, shape, dtype=jnp.float32, minval=-limit, maxval=limit)

def setup_inputs(seed: int = 0) -> dict:
    key = jax.random.key(seed)
    k1, k2, k3 = jax.random.split(key, 3)
    features = jax.random.normal(k1, (BATCH, FEAT_DIM), dtype=jnp.float32)
    targets = jax.random.randint(k2, (BATCH,), 0, NUM_CLASSES, dtype=jnp.int64)
    centers = _xavier_uniform(k3, (NUM_CLASSES, FEAT_DIM))
    return {"features": features, "targets": targets, "centers": centers}

def reference(features, targets, centers):
    # centers_batch = self.centers[targets]  (gather)
    centers_batch = jnp.take(centers, targets, axis=0)
    # ((features - centers_batch) ** 2).sum(dim=1).mean()
    diff = features - centers_batch
    loss = jnp.mean(jnp.sum(diff * diff, axis=1))
    return loss

if __name__ == "__main__":
    import jax
    _d = setup_inputs()
    print(jax.jit(kernel)(*tuple(_d.values())))

</pallas_src>

<mosaic_0001>
#map = affine_map<(d0, d1) -> (0, 0)>
#map1 = affine_map<(d0, d1) -> (0)>
module attributes {stable_mosaic.version = 14 : i64} {
  func.func @_sc_body(%arg0: i32, %arg1: i32, %arg2: memref<64x1000000xf32, #tpu.memory_space<hbm>>, %arg3: memref<16384xi32, #tpu.memory_space<hbm>>, %arg4: memref<16448x128xf32, #tpu.memory_space<hbm>>, %arg5: memref<16384xi32, #tpu.memory_space<vmem>>, %arg6: memref<16400xi32, #tpu.memory_space<vmem>>, %arg7: memref<16400xi32, #tpu.memory_space<vmem>>, %arg8: memref<2x64x512xf32, #tpu.memory_space<vmem>>, %arg9: memref<64x128xf32, #tpu.memory_space<vmem>>, %arg10: memref<64xi32, #tpu.memory_space<vmem>>, %arg11: memref<!tpu.dma_semaphore, #tpu.memory_space<semaphore_mem>>, %arg12: memref<!tpu.dma_semaphore, #tpu.memory_space<semaphore_mem>>, %arg13: memref<!tpu.dma_semaphore, #tpu.memory_space<semaphore_mem>>) attributes {dimension_semantics = [#tpu.dimension_semantics<core_parallel>, #tpu.dimension_semantics<subcore_parallel>], iteration_bounds = array<i64: 2, 16>, scalar_prefetch = 0 : i64, scratch_operands = 9 : i64, tpu.core_type = #tpu.core_type<sc_vector_subcore>, window_params = [{transform_indices = #map}, {transform_indices = #map1}, {transform_indices = #map}]} {
    %mul3A = arith.constant 2 : i32
    %mul3A_0 = arith.muli %arg1, %mul3A : i32
    %add3A = arith.addi %mul3A_0, %arg0 : i32
    %mul3A_1 = arith.constant 62 : i32
    %mul3A_2 = arith.muli %add3A, %mul3A_1 : i32
    %sub3A = arith.constant 1954 : i32
    %sub3A_3 = arith.subi %sub3A, %mul3A_2 : i32
    %min3A = arith.constant 62 : i32
    %min3A_4 = arith.minsi %sub3A_3, %min3A : i32
    %iota3A = tpu.iota {dimensions = array<i32: 0>} : vector<16xi32>
    %add3A_5 = arith.constant 0 : i32
    %add3A_6 = vector.broadcast %add3A_5 : i32 to vector<16xi32>
    %add3A_7 = arith.addi %add3A_6, %iota3A : vector<16xi32>
    %add3A_8 = arith.constant 16 : i32
    %add3A_9 = vector.broadcast %add3A_8 : i32 to vector<16xi32>
    %add3A_10 = arith.addi %add3A_9, %iota3A : vector<16xi32>
    %add3A_11 = arith.constant 32 : i32
    %add3A_12 = vector.broadcast %add3A_11 : i32 to vector<16xi32>
    %add3A_13 = arith.addi %add3A_12, %iota3A : vector<16xi32>
    %add3A_14 = arith.constant 48 : i32
    %add3A_15 = vector.broadcast %add3A_14 : i32 to vector<16xi32>
    %add3A_16 = arith.addi %add3A_15, %iota3A : vector<16xi32>
    tpu.enqueue_dma source(%arg3 : memref<16384xi32, #tpu.memory_space<hbm>>) target(%arg5 : memref<16384xi32, #tpu.memory_space<vmem>>) target_semaphore(%arg13 : memref<!tpu.dma_semaphore, #tpu.memory_space<semaphore_mem>>)
    %add3A_17 = arith.constant 0 : i32
    %add3A_18 = arith.addi %mul3A_2, %add3A_17 : i32
    %mul3A_19 = arith.constant 512 : i32
    %mul3A_20 = arith.muli %add3A_18, %mul3A_19 : i32
    %min3A_21 = arith.constant 999552 : i32
    %min3A_22 = arith.minsi %mul3A_20, %min3A_21 : i32
    %multiple_of3A = tpu.assume_multiple %min3A_22, 128 : i32
    %dma_start3A = arith.constant 0 : i32
    %dma_start3A_23 = arith.constant 0 : i32
    %dma_start3A_24 = arith.constant 0 : i32
    %dma_start3A_25 = tpu.memref_slice %arg8[%dma_start3A, %dma_start3A_23, %dma_start3A_24] : memref<2x64x512xf32, #tpu.memory_space<vmem>> -> memref<1x64x512xf32, #tpu.memory_space<vmem>>
    %dma_start3A_26 = tpu.memref_squeeze %dma_start3A_25 : memref<1x64x512xf32, #tpu.memory_space<vmem>> -> memref<64x512xf32, #tpu.memory_space<vmem>>
    %dma_start3A_27 = arith.constant 0 : i32
    %dma_start3A_28 = arith.constant 0 : i32
    %dma_start3A_29 = tpu.memref_slice %dma_start3A_26[%dma_start3A_27, %dma_start3A_28] : memref<64x512xf32, #tpu.memory_space<vmem>> -> memref<32x512xf32, #tpu.memory_space<vmem>>
    %dma_start3A_30 = arith.constant 0 : i32
    %dma_start3A_31 = tpu.memref_slice %arg2[%dma_start3A_30, %multiple_of3A] : memref<64x1000000xf32, #tpu.memory_space<hbm>> -> memref<32x512xf32, #tpu.memory_space<hbm>>
    %dma_start3A_32 = arith.constant 0 : i32
    %dma_start3A_33 = arith.constant 0 : i32
    %dma_start3A_34 = tpu.memref_slice %arg8[%dma_start3A, %dma_start3A_32, %dma_start3A_33] : memref<2x64x512xf32, #tpu.memory_space<vmem>> -> memref<1x64x512xf32, #tpu.memory_space<vmem>>
    %dma_start3A_35 = tpu.memref_squeeze %dma_start3A_34 : memref<1x64x512xf32, #tpu.memory_space<vmem>> -> memref<64x512xf32, #tpu.memory_space<vmem>>
    %dma_start3A_36 = arith.constant 0 : i32
    %dma_start3A_37 = arith.constant 0 : i32
    %dma_start3A_38 = tpu.memref_slice %dma_start3A_35[%dma_start3A_36, %dma_start3A_37] : memref<64x512xf32, #tpu.memory_space<vmem>> -> memref<32x512xf32, #tpu.memory_space<vmem>>
    %dma_start3A_39 = arith.constant 0 : i32
    %dma_start3A_40 = tpu.memref_slice %arg2[%dma_start3A_39, %multiple_of3A] : memref<64x1000000xf32, #tpu.memory_space<hbm>> -> memref<32x512xf32, #tpu.memory_space<hbm>>
    tpu.enqueue_dma source(%dma_start3A_40 : memref<32x512xf32, #tpu.memory_space<hbm>>) target(%dma_start3A_38 : memref<32x512xf32, #tpu.memory_space<vmem>>) target_semaphore(%arg11 : memref<!tpu.dma_semaphore, #tpu.memory_space<semaphore_mem>>)
    %dma_start3A_41 = arith.constant 0 : i32
    %dma_start3A_42 = arith.constant 0 : i32
    %dma_start3A_43 = arith.constant 0 : i32
    %dma_start3A_44 = tpu.memref_slice %arg8[%dma_start3A_41, %dma_start3A_42, %dma_start3A_43] : memref<2x64x512xf32, #tpu.memory_space<vmem>> -> memref<1x64x512xf32, #tpu.memory_space<vmem>>
    %dma_start3A_45 = tpu.memref_squeeze %dma_start3A_44 : memref<1x64x512xf32, #tpu.memory_space<vmem>> -> memref<64x512xf32, #tpu.memory_space<vmem>>
    %dma_start3A_46 = arith.constant 32 : i32
    %dma_start3A_47 = arith.constant 0 : i32
    %dma_start3A_48 = tpu.memref_slice %dma_start3A_45[%dma_start3A_46, %dma_start3A_47] : memref<64x512xf32, #tpu.memory_space<vmem>> -> memref<32x512xf32, #tpu.memory_space<vmem>>
    %dma_start3A_49 = arith.constant 32 : i32
    %dma_start3A_50 = tpu.memref_slice %arg2[%dma_start3A_49, %multiple_of3A] : memref<64x1000000xf32, #tpu.memory_space<hbm>> -> memref<32x512xf32, #tpu.memory_space<hbm>>
    %dma_start3A_51 = arith.constant 0 : i32
    %dma_start3A_52 = arith.constant 0 : i32
    %dma_start3A_53 = tpu.memref_slice %arg8[%dma_start3A_41, %dma_start3A_51, %dma_start3A_52] : memref<2x64x512xf32, #tpu.memory_space<vmem>> -> memref<1x64x512xf32, #tpu.memory_space<vmem>>
    %dma_start3A_54 = tpu.memref_squeeze %dma_start3A_53 : memref<1x64x512xf32, #tpu.memory_space<vmem>> -> memref<64x512xf32, #tpu.memory_space<vmem>>
    %dma_start3A_55 = arith.constant 32 : i32
    %dma_start3A_56 = arith.constant 0 : i32
    %dma_start3A_57 = tpu.memref_slice %dma_start3A_54[%dma_start3A_55, %dma_start3A_56] : memref<64x512xf32, #tpu.memory_space<vmem>> -> memref<32x512xf32, #tpu.memory_space<vmem>>
    %dma_start3A_58 = arith.constant 32 : i32
    %dma_start3A_59 = tpu.memref_slice %arg2[%dma_start3A_58, %multiple_of3A] : memref<64x1000000xf32, #tpu.memory_space<hbm>> -> memref<32x512xf32, #tpu.memory_space<hbm>>
    tpu.enqueue_dma source(%dma_start3A_59 : memref<32x512xf32, #tpu.memory_space<hbm>>) target(%dma_start3A_57 : memref<32x512xf32, #tpu.memory_space<vmem>>) target_semaphore(%arg11 : memref<!tpu.dma_semaphore, #tpu.memory_space<semaphore_mem>>)
    %add3A_60 = arith.constant 1 : i32
    %add3A_61 = arith.addi %mul3A_2, %add3A_60 : i32
    %mul3A_62 = arith.constant 512 : i32
    %mul3A_63 = arith.muli %add3A_61, %mul3A_62 : i32
    %min3A_64 = arith.constant 999552 : i32
    %min3A_65 = arith.minsi %mul3A_63, %min3A_64 : i32
    %multiple_of3A_66 = tpu.assume_multiple %min3A_65, 128 : i32
    %dma_start3A_67 = arith.constant 1 : i32
    %dma_start3A_68 = arith.constant 0 : i32
    %dma_start3A_69 = arith.constant 0 : i32
    %dma_start3A_70 = tpu.memref_slice %arg8[%dma_start3A_67, %dma_start3A_68, %dma_start3A_69] : memref<2x64x512xf32, #tpu.memory_space<vmem>> -> memref<1x64x512xf32, #tpu.memory_space<vmem>>
    %dma_start3A_71 = tpu.memref_squeeze %dma_start3A_70 : memref<1x64x512xf32, #tpu.memory_space<vmem>> -> memref<64x512xf32, #tpu.memory_space<vmem>>
    %dma_start3A_72 = arith.constant 0 : i32
    %dma_start3A_73 = arith.constant 0 : i32
    %dma_start3A_74 = tpu.memref_slice %dma_start3A_71[%dma_start3A_72, %dma_start3A_73] : memref<64x512xf32, #tpu.memory_space<vmem>> -> memref<32x512xf32, #tpu.memory_space<vmem>>
    %dma_start3A_75 = arith.constant 0 : i32
    %dma_start3A_76 = tpu.memref_slice %arg2[%dma_start3A_75, %multiple_of3A_66] : memref<64x1000000xf32, #tpu.memory_space<hbm>> -> memref<32x512xf32, #tpu.memory_space<hbm>>
    %dma_start3A_77 = arith.constant 0 : i32
    %dma_start3A_78 = arith.constant 0 : i32
    %dma_start3A_79 = tpu.memref_slice %arg8[%dma_start3A_67, %dma_start3A_77, %dma_start3A_78] : memref<2x64x512xf32, #tpu.memory_space<vmem>> -> memref<1x64x512xf32, #tpu.memory_space<vmem>>
    %dma_start3A_80 = tpu.memref_squeeze %dma_start3A_79 : memref<1x64x512xf32, #tpu.memory_space<vmem>> -> memref<64x512xf32, #tpu.memory_space<vmem>>
    %dma_start3A_81 = arith.constant 0 : i32
    %dma_start3A_82 = arith.constant 0 : i32
    %dma_start3A_83 = tpu.memref_slice %dma_start3A_80[%dma_start3A_81, %dma_start3A_82] : memref<64x512xf32, #tpu.memory_space<vmem>> -> memref<32x512xf32, #tpu.memory_space<vmem>>
    %dma_start3A_84 = arith.constant 0 : i32
    %dma_start3A_85 = tpu.memref_slice %arg2[%dma_start3A_84, %multiple_of3A_66] : memref<64x1000000xf32, #tpu.memory_space<hbm>> -> memref<32x512xf32, #tpu.memory_space<hbm>>
    tpu.enqueue_dma source(%dma_start3A_85 : memref<32x512xf32, #tpu.memory_space<hbm>>) target(%dma_start3A_83 : memref<32x512xf32, #tpu.memory_space<vmem>>) target_semaphore(%arg11 : memref<!tpu.dma_semaphore, #tpu.memory_space<semaphore_mem>>)
    %dma_start3A_86 = arith.constant 1 : i32
    %dma_start3A_87 = arith.constant 0 : i32
    %dma_start3A_88 = arith.constant 0 : i32
    %dma_start3A_89 = tpu.memref_slice %arg8[%dma_start3A_86, %dma_start3A_87, %dma_start3A_88] : memref<2x64x512xf32, #tpu.memory_space<vmem>> -> memref<1x64x512xf32, #tpu.memory_space<vmem>>
    %dma_start3A_90 = tpu.memref_squeeze %dma_start3A_89 : memref<1x64x512xf32, #tpu.memory_space<vmem>> -> memref<64x512xf32, #tpu.memory_space<vmem>>
    %dma_start3A_91 = arith.constant 32 : i32
    %dma_start3A_92 = arith.constant 0 : i32
    %dma_start3A_93 = tpu.memref_slice %dma_start3A_90[%dma_start3A_91, %dma_start3A_92] : memref<64x512xf32, #tpu.memory_space<vmem>> -> memref<32x512xf32, #tpu.memory_space<vmem>>
    %dma_start3A_94 = arith.constant 32 : i32
    %dma_start3A_95 = tpu.memref_slice %arg2[%dma_start3A_94, %multiple_of3A_66] : memref<64x1000000xf32, #tpu.memory_space<hbm>> -> memref<32x512xf32, #tpu.memory_space<hbm>>
    %dma_start3A_96 = arith.constant 0 : i32
    %dma_start3A_97 = arith.constant 0 : i32
    %dma_start3A_98 = tpu.memref_slice %arg8[%dma_start3A_86, %dma_start3A_96, %dma_start3A_97] : memref<2x64x512xf32, #tpu.memory_space<vmem>> -> memref<1x64x512xf32, #tpu.memory_space<vmem>>
    %dma_start3A_99 = tpu.memref_squeeze %dma_start3A_98 : memref<1x64x512xf32, #tpu.memory_space<vmem>> -> memref<64x512xf32, #tpu.memory_space<vmem>>
    %dma_start3A_100 = arith.constant 32 : i32
    %dma_start3A_101 = arith.constant 0 : i32
    %dma_start3A_102 = tpu.memref_slice %dma_start3A_99[%dma_start3A_100, %dma_start3A_101] : memref<64x512xf32, #tpu.memory_space<vmem>> -> memref<32x512xf32, #tpu.memory_space<vmem>>
    %dma_start3A_103 = arith.constant 32 : i32
    %dma_start3A_104 = tpu.memref_slice %arg2[%dma_start3A_103, %multiple_of3A_66] : memref<64x1000000xf32, #tpu.memory_space<hbm>> -> memref<32x512xf32, #tpu.memory_space<hbm>>
    tpu.enqueue_dma source(%dma_start3A_104 : memref<32x512xf32, #tpu.memory_space<hbm>>) target(%dma_start3A_102 : memref<32x512xf32, #tpu.memory_space<vmem>>) target_semaphore(%arg11 : memref<!tpu.dma_semaphore, #tpu.memory_space<semaphore_mem>>)
    tpu.wait_dma2 semaphore(%arg13 : memref<!tpu.dma_semaphore, #tpu.memory_space<semaphore_mem>>) src(%arg3 : memref<16384xi32, #tpu.memory_space<hbm>>) dst(%arg5 : memref<16384xi32, #tpu.memory_space<vmem>>)
    %scan3A = arith.constant 0 : i32
    %scan3A_105 = arith.constant 0 : i32
    %scan3A_106 = arith.constant 1024 : i32
    %scan3A_107 = arith.addi %scan3A_105, %scan3A_106 : i32
    %scan3A_108 = arith.constant 1 : i32
    %scan3A_109 = scf.for %scan3A_1196 = %scan3A_105 to %scan3A_107 step %scan3A_108 iter_args(%scan3A_1197 = %scan3A) -> (i32)  : i32 {
      %mul3A_1198 = arith.constant 16 : i32
      %mul3A_1199 = arith.muli %scan3A_1196, %mul3A_1198 : i32
      %get3A = arith.index_cast %mul3A_1199 : i32 to index
      %get3A_1200 = tpu.vector_load %arg5[%get3A] {strides = array<i32>} : memref<16384xi32, #tpu.memory_space<vmem>>, vector<16xi32>,
      %shift_right_logical3A = arith.constant 9 : i32
      %shift_right_logical3A_1201 = vector.broadcast %shift_right_logical3A : i32 to vector<16xi32>
      %shift_right_logical3A_1202 = arith.shrui %get3A_1200, %shift_right_logical3A_1201 : vector<16xi32>
      %ge3A = vector.broadcast %mul3A_2 : i32 to vector<16xi32>
      %ge3A_1203 = arith.cmpi sge, %shift_right_logical3A_1202, %ge3A : vector<16xi32>
      %add3A_1204 = arith.addi %mul3A_2, %min3A_4 : i32
      %lt3A = vector.broadcast %add3A_1204 : i32 to vector<16xi32>
      %lt3A_1205 = arith.cmpi slt, %shift_right_logical3A_1202, %lt3A : vector<16xi32>
      %and3A_1206 = arith.andi %ge3A_1203, %lt3A_1205 : vector<16xi1>
      %convert_element_type3A_1207 = arith.extui %and3A_1206 : vector<16xi1> to vector<16xi32>
      %broadcast_in_dim3A_1208 = arith.constant true
      %broadcast_in_dim3A_1209 = vector.broadcast %broadcast_in_dim3A_1208 : i1 to vector<16xi1>
      %masked_cumsum3A = tpu.scan <sum>, %convert_element_type3A_1207 masked %broadcast_in_dim3A_1209 : vector<16xi32>, vector<16xi1> -> vector<16xi32>
      %add3A_1210 = vector.broadcast %scan3A_1197 : i32 to vector<16xi32>
      %add3A_1211 = arith.addi %add3A_1210, %masked_cumsum3A : vector<16xi32>
      %sub3A_1212 = arith.constant 1 : i32
      %sub3A_1213 = vector.broadcast %sub3A_1212 : i32 to vector<16xi32>
      %sub3A_1214 = arith.subi %add3A_1211, %sub3A_1213 : vector<16xi32>
      tpu.vector_store_idx %arg6[%sub3A_1214], %get3A_1200 masked %and3A_1206 : memref<16400xi32, #tpu.memory_space<vmem>>[vector<16xi32>], vector<16xi32>, vector<16xi1>
      %mul3A_1215 = arith.constant 16 : i32
      %mul3A_1216 = arith.muli %scan3A_1196, %mul3A_1215 : i32
      %add3A_1217 = vector.broadcast %mul3A_1216 : i32 to vector<16xi32>
      %add3A_1218 = arith.addi %add3A_1217, %iota3A : vector<16xi32>
      tpu.vector_store_idx %arg7[%sub3A_1214], %add3A_1218 masked %and3A_1206 : memref<16400xi32, #tpu.memory_space<vmem>>[vector<16xi32>], vector<16xi32>, vector<16xi1>
      %slice3A = vector.extract_strided_slice %masked_cumsum3A {offsets = [15], sizes = [1], strides = [1]} : vector<16xi32> to vector<1xi32>
      %squeeze3A = vector.extract %slice3A[0] : i32 from vector<1xi32>
      %add3A_1219 = arith.addi %scan3A_1197, %squeeze3A : i32
      scf.yield %add3A_1219 : i32
    }
    %scan3A_110 = arith.constant 1024 : i32
    %broadcast_in_dim3A = arith.constant 1073741824 : i32
    %broadcast_in_dim3A_111 = vector.broadcast %broadcast_in_dim3A : i32 to vector<16xi32>
    %swap3A = arith.index_cast %scan3A_109 : i32 to index
    %swap3A_112 = tpu.vector_load %arg6[%swap3A] {strides = array<i32>} : memref<16400xi32, #tpu.memory_space<vmem>>, vector<16xi32>,
    tpu.vector_store %arg6[%swap3A], %broadcast_in_dim3A_111 {strides = array<i32>} : memref<16400xi32, #tpu.memory_space<vmem>>, vector<16xi32>,
    %add3A_113 = arith.constant 16 : i32
    %add3A_114 = arith.addi %scan3A_109, %add3A_113 : i32
    %sub3A_115 = arith.constant 1 : i32
    %sub3A_116 = arith.subi %add3A_114, %sub3A_115 : i32
    %jit3A = arith.constant 16 : i32
    %div3A = arith.divsi %sub3A_116, %jit3A : i32
    %sign3A = arith.constant 0 : i32
    %sign3A_117 = arith.cmpi sgt, %sub3A_116, %sign3A : i32
    %sign3A_118 = arith.extui %sign3A_117 : i1 to i32
    %sign3A_119 = arith.constant 0 : i32
    %sign3A_120 = arith.cmpi slt, %sub3A_116, %sign3A_119 : i32
    %sign3A_121 = arith.extui %sign3A_120 : i1 to i32
    %sign3A_122 = arith.subi %sign3A_118, %sign3A_121 : i32
    %sign3A_123 = arith.constant 0 : i32
    %sign3A_124 = arith.cmpi sgt, %jit3A, %sign3A_123 : i32
    %sign3A_125 = arith.extui %sign3A_124 : i1 to i32
    %sign3A_126 = arith.constant 0 : i32
    %sign3A_127 = arith.cmpi slt, %jit3A, %sign3A_126 : i32
    %sign3A_128 = arith.extui %sign3A_127 : i1 to i32
    %sign3A_129 = arith.subi %sign3A_125, %sign3A_128 : i32
    %ne3A = arith.cmpi ne, %sign3A_122, %sign3A_129 : i32
    %rem3A = arith.remsi %sub3A_116, %jit3A : i32
    %ne3A_130 = arith.constant 0 : i32
    %ne3A_131 = arith.cmpi ne, %rem3A, %ne3A_130 : i32
    %and3A = arith.andi %ne3A, %ne3A_131 : i1
    %sub3A_132 = arith.constant 1 : i32
    %sub3A_133 = arith.subi %div3A, %sub3A_132 : i32
    %select_n3A = arith.select %and3A, %sub3A_133, %div3A : i32
    %add3A_134 = arith.constant 16384 : i32
    %add3A_135 = vector.broadcast %add3A_134 : i32 to vector<16xi32>
    %add3A_136 = arith.addi %add3A_135, %iota3A : vector<16xi32>
    %swap3A_137 = arith.constant 0 : index
    %swap3A_138 = tpu.vector_load %arg10[%swap3A_137] {strides = array<i32>} : memref<64xi32, #tpu.memory_space<vmem>>, vector<16xi32>,
    tpu.vector_store %arg10[%swap3A_137], %add3A_136 {strides = array<i32>} : memref<64xi32, #tpu.memory_space<vmem>>, vector<16xi32>,
    %add3A_139 = arith.constant 16400 : i32
    %add3A_140 = vector.broadcast %add3A_139 : i32 to vector<16xi32>
    %add3A_141 = arith.addi %add3A_140, %iota3A : vector<16xi32>
    %swap3A_142 = arith.constant 16 : index
    %swap3A_143 = tpu.vector_load %arg10[%swap3A_142] {strides = array<i32>} : memref<64xi32, #tpu.memory_space<vmem>>, vector<16xi32>,
    tpu.vector_store %arg10[%swap3A_142], %add3A_141 {strides = array<i32>} : memref<64xi32, #tpu.memory_space<vmem>>, vector<16xi32>,
    %add3A_144 = arith.constant 16416 : i32
    %add3A_145 = vector.broadcast %add3A_144 : i32 to vector<16xi32>
    %add3A_146 = arith.addi %add3A_145, %iota3A : vector<16xi32>
    %swap3A_147 = arith.constant 32 : index
    %swap3A_148 = tpu.vector_load %arg10[%swap3A_147] {strides = array<i32>} : memref<64xi32, #tpu.memory_space<vmem>>, vector<16xi32>,
    tpu.vector_store %arg10[%swap3A_147], %add3A_146 {strides = array<i32>} : memref<64xi32, #tpu.memory_space<vmem>>, vector<16xi32>,
    %add3A_149 = arith.constant 16432 : i32
    %add3A_150 = vector.broadcast %add3A_149 : i32 to vector<16xi32>
    %add3A_151 = arith.addi %add3A_150, %iota3A : vector<16xi32>
    %swap3A_152 = arith.constant 48 : index
    %swap3A_153 = tpu.vector_load %arg10[%swap3A_152] {strides = array<i32>} : memref<64xi32, #tpu.memory_space<vmem>>, vector<16xi32>,
    tpu.vector_store %arg10[%swap3A_152], %add3A_151 {strides = array<i32>} : memref<64xi32, #tpu.memory_space<vmem>>, vector<16xi32>,
    %broadcast_in_dim3A_154 = arith.constant 0.000000e+00 : f32
    %broadcast_in_dim3A_155 = vector.broadcast %broadcast_in_dim3A_154 : f32 to vector<16xf32>
    %swap3A_156 = arith.constant 0 : i32
    %swap3A_157 = arith.index_cast %swap3A_156 : i32 to index
    %swap3A_158 = arith.constant 64 : index
    %swap3A_159 = tpu.vector_load %arg9[%swap3A_157, %swap3A_158] {strides = array<i32>} : memref<64x128xf32, #tpu.memory_space<vmem>>, vector<16xf32>,
    tpu.vector_store %arg9[%swap3A_157, %swap3A_158], %broadcast_in_dim3A_155 {strides = array<i32>} : memref<64x128xf32, #tpu.memory_space<vmem>>, vector<16xf32>,
    %swap3A_160 = arith.constant 0 : i32
    %swap3A_161 = arith.index_cast %swap3A_160 : i32 to index
    %swap3A_162 = arith.constant 80 : index
    %swap3A_163 = tpu.vector_load %arg9[%swap3A_161, %swap3A_162] {strides = array<i32>} : memref<64x128xf32, #tpu.memory_space<vmem>>, vector<16xf32>,
    tpu.vector_store %arg9[%swap3A_161, %swap3A_162], %broadcast_in_dim3A_155 {strides = array<i32>} : memref<64x128xf32, #tpu.memory_space<vmem>>, vector<16xf32>,
    %swap3A_164 = arith.constant 0 : i32
    %swap3A_165 = arith.index_cast %swap3A_164 : i32 to index
    %swap3A_166 = arith.constant 96 : index
    %swap3A_167 = tpu.vector_load %arg9[%swap3A_165, %swap3A_166] {strides = array<i32>} : memref<64x128xf32, #tpu.memory_space<vmem>>, vector<16xf32>,
    tpu.vector_store %arg9[%swap3A_165, %swap3A_166], %broadcast_in_dim3A_155 {strides = array<i32>} : memref<64x128xf32, #tpu.memory_space<vmem>>, vector<16xf32>,
    %swap3A_168 = arith.constant 0 : i32
    %swap3A_169 = arith.index_cast %swap3A_168 : i32 to index
    %swap3A_170 = arith.constant 112 : index
    %swap3A_171 = tpu.vector_load %arg9[%swap3A_169, %swap3A_170] {strides = array<i32>} : memref<64x128xf32, #tpu.memory_space<vmem>>, vector<16xf32>,
    tpu.vector_store %arg9[%swap3A_169, %swap3A_170], %broadcast_in_dim3A_155 {strides = array<i32>} : memref<64x128xf32, #tpu.memory_space<vmem>>, vector<16xf32>,
    %swap3A_172 = arith.constant 1 : i32
    %swap3A_173 = arith.index_cast %swap3A_172 : i32 to index
    %swap3A_174 = arith.constant 64 : index
    %swap3A_175 = tpu.vector_load %arg9[%swap3A_173, %swap3A_174] {strides = array<i32>} : memref<64x128xf32, #tpu.memory_space<vmem>>, vector<16xf32>,
    tpu.vector_store %arg9[%swap3A_173, %swap3A_174], %broadcast_in_dim3A_155 {strides = array<i32>} : memref<64x128xf32, #tpu.memory_space<vmem>>, vector<16xf32>,
    %swap3A_176 = arith.constant 1 : i32
    %swap3A_177 = arith.index_cast %swap3A_176 : i32 to index
    %swap3A_178 = arith.constant 80 : index
    %swap3A_179 = tpu.vector_load %arg9[%swap3A_177, %swap3A_178] {strides = array<i32>} : memref<64x128xf32, #tpu.memory_space<vmem>>, vector<16xf32>,
    tpu.vector_store %arg9[%swap3A_177, %swap3A_178], %broadcast_in_dim3A_155 {strides = array<i32>} : memref<64x128xf32, #tpu.memory_space<vmem>>, vector<16xf32>,
    %swap3A_180 = arith.constant 1 : i32
    %swap3A_181 = arith.index_cast %swap3A_180 : i32 to index
    %swap3A_182 = arith.constant 96 : index
    %swap3A_183 = tpu.vector_load %arg9[%swap3A_181, %swap3A_182] {strides = array<i32>} : memref<64x128xf32, #tpu.memory_space<vmem>>, vector<16xf32>,
    tpu.vector_store %arg9[%swap3A_181, %swap3A_182], %broadcast_in_dim3A_155 {strides = array<i32>} : memref<64x128xf32, #tpu.memory_space<vmem>>, vector<16xf32>,
    %swap3A_184 = arith.constant 1 : i32
    %swap3A_185 = arith.index_cast %swap3A_184 : i32 to index
    %swap3A_186 = arith.constant 112 : index
    %swap3A_187 = tpu.vector_load %arg9[%swap3A_185, %swap3A_186] {strides = array<i32>} : memref<64x128xf32, #tpu.memory_space<vmem>>, vector<16xf32>,
    tpu.vector_store %arg9[%swap3A_185, %swap3A_186], %broadcast_in_dim3A_155 {strides = array<i32>} : memref<64x128xf32, #tpu.memory_space<vmem>>, vector<16xf32>,
    %swap3A_188 = arith.constant 2 : i32
    %swap3A_189 = arith.index_cast %swap3A_188 : i32 to index
    %swap3A_190 = arith.constant 64 : index
    %swap3A_191 = tpu.vector_load %arg9[%swap3A_189, %swap3A_190] {strides = array<i32>} : memref<64x128xf32, #tpu.memory_space<vmem>>, vector<16xf32>,
    tpu.vector_store %arg9[%swap3A_189, %swap3A_190], %broadcast_in_dim3A_155 {strides = array<i32>} : memref<64x128xf32, #tpu.memory_space<vmem>>, vector<16xf32>,
    %swap3A_192 = arith.constant 2 : i32
    %swap3A_193 = arith.index_cast %swap3A_192 : i32 to index
    %swap3A_194 = arith.constant 80 : index
    %swap3A_195 = tpu.vector_load %arg9[%swap3A_193, %swap3A_194] {strides = array<i32>} : memref<64x128xf32, #tpu.memory_space<vmem>>, vector<16xf32>,
    tpu.vector_store %arg9[%swap3A_193, %swap3A_194], %broadcast_in_dim3A_155 {strides = array<i32>} : memref<64x128xf32, #tpu.memory_space<vmem>>, vector<16xf32>,
    %swap3A_196 = arith.constant 2 : i32
    %swap3A_197 = arith.index_cast %swap3A_196 : i32 to index
    %swap3A_198 = arith.constant 96 : index
    %swap3A_199 = tpu.vector_load %arg9[%swap3A_197, %swap3A_198] {strides = array<i32>} : memref<64x128xf32, #tpu.memory_space<vmem>>, vector<16xf32>,
    tpu.vector_store %arg9[%swap3A_197, %swap3A_198], %broadcast_in_dim3A_155 {strides = array<i32>} : memref<64x128xf32, #tpu.memory_space<vmem>>, vector<16xf32>,
    %swap3A_200 = arith.constant 2 : i32
    %swap3A_201 = arith.index_cast %swap3A_200 : i32 to index
    %swap3A_202 = arith.constant 112 : index
    %swap3A_203 = tpu.vector_load %arg9[%swap3A_201, %swap3A_202] {strides = array<i32>} : memref<64x128xf32, #tpu.memory_space<vmem>>, vector<16xf32>,
    tpu.vector_store %arg9[%swap3A_201, %swap3A_202], %broadcast_in_dim3A_155 {strides = array<i32>} : memref<64x128xf32, #tpu.memory_space<vmem>>, vector<16xf32>,
    %swap3A_204 = arith.constant 3 : i32
    %swap3A_205 = arith.index_cast %swap3A_204 : i32 to index
    %swap3A_206 = arith.constant 64 : index
    %swap3A_207 = tpu.vector_load %arg9[%swap3A_205, %swap3A_206] {strides = array<i32>} : memref<64x128xf32, #tpu.memory_space<vmem>>, vector<16xf32>,
    tpu.vector_store %arg9[%swap3A_205, %swap3A_206], %broadcast_in_dim3A_155 {strides = array<i32>} : memref<64x128xf32, #tpu.memory_space<vmem>>, vector<16xf32>,
    %swap3A_208 = arith.constant 3 : i32
    %swap3A_209 = arith.index_cast %swap3A_208 : i32 to index
    %swap3A_210 = arith.constant 80 : index
    %swap3A_211 = tpu.vector_load %arg9[%swap3A_209, %swap3A_210] {strides = array<i32>} : memref<64x128xf32, #tpu.memory_space<vmem>>, vector<16xf32>,
    tpu.vector_store %arg9[%swap3A_209, %swap3A_210], %broadcast_in_dim3A_155 {strides = array<i32>} : memref<64x128xf32, #tpu.memory_space<vmem>>, vector<16xf32>,
    %swap3A_212 = arith.constant 3 : i32
    %swap3A_213 = arith.index_cast %swap3A_212 : i32 to index
    %swap3A_214 = arith.constant 96 : index
    %swap3A_215 = tpu.vector_load %arg9[%swap3A_213, %swap3A_214] {strides = array<i32>} : memref<64x128xf32, #tpu.memory_space<vmem>>, vector<16xf32>,
    tpu.vector_store %arg9[%swap3A_213, %swap3A_214], %broadcast_in_dim3A_155 {strides = array<i32>} : memref<64x128xf32, #tpu.memory_space<vmem>>, vector<16xf32>,
    %swap3A_216 = arith.constant 3 : i32
    %swap3A_217 = arith.index_cast %swap3A_216 : i32 to index
    %swap3A_218 = arith.constant 112 : index
    %swap3A_219 = tpu.vector_load %arg9[%swap3A_217, %swap3A_218] {strides = array<i32>} : memref<64x128xf32, #tpu.memory_space<vmem>>, vector<16xf32>,
    tpu.vector_store %arg9[%swap3A_217, %swap3A_218], %broadcast_in_dim3A_155 {strides = array<i32>} : memref<64x128xf32, #tpu.memory_space<vmem>>, vector<16xf32>,
    %swap3A_220 = arith.constant 4 : i32
    %swap3A_221 = arith.index_cast %swap3A_220 : i32 to index
    %swap3A_222 = arith.constant 64 : index
    %swap3A_223 = tpu.vector_load %arg9[%swap3A_221, %swap3A_222] {strides = array<i32>} : memref<64x128xf32, #tpu.memory_space<vmem>>, vector<16xf32>,
    tpu.vector_store %arg9[%swap3A_221, %swap3A_222], %broadcast_in_dim3A_155 {strides = array<i32>} : memref<64x128xf32, #tpu.memory_space<vmem>>, vector<16xf32>,
    %swap3A_224 = arith.constant 4 : i32
    %swap3A_225 = arith.index_cast %swap3A_224 : i32 to index
    %swap3A_226 = arith.constant 80 : index
    %swap3A_227 = tpu.vector_load %arg9[%swap3A_225, %swap3A_226] {strides = array<i32>} : memref<64x128xf32, #tpu.memory_space<vmem>>, vector<16xf32>,
    tpu.vector_store %arg9[%swap3A_225, %swap3A_226], %broadcast_in_dim3A_155 {strides = array<i32>} : memref<64x128xf32, #tpu.memory_space<vmem>>, vector<16xf32>,
    %swap3A_228 = arith.constant 4 : i32
    %swap3A_229 = arith.index_cast %swap3A_228 : i32 to index
    %swap3A_230 = arith.constant 96 : index
    %swap3A_231 = tpu.vector_load %arg9[%swap3A_229, %swap3A_230] {strides = array<i32>} : memref<64x128xf32, #tpu.memory_space<vmem>>, vector<16xf32>,
    tpu.vector_store %arg9[%swap3A_229, %swap3A_230], %broadcast_in_dim3A_155 {strides = array<i32>} : memref<64x128xf32, #tpu.memory_space<vmem>>, vector<16xf32>,
    %swap3A_232 = arith.constant 4 : i32
    %swap3A_233 = arith.index_cast %swap3A_232 : i32 to index
    %swap3A_234 = arith.constant 112 : index
    %swap3A_235 = tpu.vector_load %arg9[%swap3A_233, %swap3A_234] {strides = array<i32>} : memref<64x128xf32, #tpu.memory_space<vmem>>, vector<16xf32>,
    tpu.vector_store %arg9[%swap3A_233, %swap3A_234], %broadcast_in_dim3A_155 {strides = array<i32>} : memref<64x128xf32, #tpu.memory_space<vmem>>, vector<16xf32>,
    %swap3A_236 = arith.constant 5 : i32
    %swap3A_237 = arith.index_cast %swap3A_236 : i32 to index
    %swap3A_238 = arith.constant 64 : index
    %swap3A_239 = tpu.vector_load %arg9[%swap3A_237, %swap3A_238] {strides = array<i32>} : memref<64x128xf32, #tpu.memory_space<vmem>>, vector<16xf32>,
    tpu.vector_store %arg9[%swap3A_237, %swap3A_238], %broadcast_in_dim3A_155 {strides = array<i32>} : memref<64x128xf32, #tpu.memory_space<vmem>>, vector<16xf32>,
    %swap3A_240 = arith.constant 5 : i32
    %swap3A_241 = arith.index_cast %swap3A_240 : i32 to index
    %swap3A_242 = arith.constant 80 : index
    %swap3A_243 = tpu.vector_load %arg9[%swap3A_241, %swap3A_242] {strides = array<i32>} : memref<64x128xf32, #tpu.memory_space<vmem>>, vector<16xf32>,
    tpu.vector_store %arg9[%swap3A_241, %swap3A_242], %broadcast_in_dim3A_155 {strides = array<i32>} : memref<64x128xf32, #tpu.memory_space<vmem>>, vector<16xf32>,
    %swap3A_244 = arith.constant 5 : i32
    %swap3A_245 = arith.index_cast %swap3A_244 : i32 to index
    %swap3A_246 = arith.constant 96 : index
    %swap3A_247 = tpu.vector_load %arg9[%swap3A_245, %swap3A_246] {strides = array<i32>} : memref<64x128xf32, #tpu.memory_space<vmem>>, vector<16xf32>,
    tpu.vector_store %arg9[%swap3A_245, %swap3A_246], %broadcast_in_dim3A_155 {strides = array<i32>} : memref<64x128xf32, #tpu.memory_space<vmem>>, vector<16xf32>,
    %swap3A_248 = arith.constant 5 : i32
    %swap3A_249 = arith.index_cast %swap3A_248 : i32 to index
    %swap3A_250 = arith.constant 112 : index
    %swap3A_251 = tpu.vector_load %arg9[%swap3A_249, %swap3A_250] {strides = array<i32>} : memref<64x128xf32, #tpu.memory_space<vmem>>, vector<16xf32>,
    tpu.vector_store %arg9[%swap3A_249, %swap3A_250], %broadcast_in_dim3A_155 {strides = array<i32>} : memref<64x128xf32, #tpu.memory_space<vmem>>, vector<16xf32>,
    %swap3A_252 = arith.constant 6 : i32
    %swap3A_253 = arith.index_cast %swap3A_252 : i32 to index
    %swap3A_254 = arith.constant 64 : index
    %swap3A_255 = tpu.vector_load %arg9[%swap3A_253, %swap3A_254] {strides = array<i32>} : memref<64x128xf32, #tpu.memory_space<vmem>>, vector<16xf32>,
    tpu.vector_store %arg9[%swap3A_253, %swap3A_254], %broadcast_in_dim3A_155 {strides = array<i32>} : memref<64x128xf32, #tpu.memory_space<vmem>>, vector<16xf32>,
    %swap3A_256 = arith.constant 6 : i32
    %swap3A_257 = arith.index_cast %swap3A_256 : i32 to index
    %swap3A_258 = arith.constant 80 : index
    %swap3A_259 = tpu.vector_load %arg9[%swap3A_257, %swap3A_258] {strides = array<i32>} : memref<64x128xf32, #tpu.memory_space<vmem>>, vector<16xf32>,
    tpu.vector_store %arg9[%swap3A_257, %swap3A_258], %broadcast_in_dim3A_155 {strides = array<i32>} : memref<64x128xf32, #tpu.memory_space<vmem>>, vector<16xf32>,
    %swap3A_260 = arith.constant 6 : i32
    %swap3A_261 = arith.index_cast %swap3A_260 : i32 to index
    %swap3A_262 = arith.constant 96 : index
    %swap3A_263 = tpu.vector_load %arg9[%swap3A_261, %swap3A_262] {strides = array<i32>} : memref<64x128xf32, #tpu.memory_space<vmem>>, vector<16xf32>,
    tpu.vector_store %arg9[%swap3A_261, %swap3A_262], %broadcast_in_dim3A_155 {strides = array<i32>} : memref<64x128xf32, #tpu.memory_space<vmem>>, vector<16xf32>,
    %swap3A_264 = arith.constant 6 : i32
    %swap3A_265 = arith.index_cast %swap3A_264 : i32 to index
    %swap3A_266 = arith.constant 112 : index
    %swap3A_267 = tpu.vector_load %arg9[%swap3A_265, %swap3A_266] {strides = array<i32>} : memref<64x128xf32, #tpu.memory_space<vmem>>, vector<16xf32>,
    tpu.vector_store %arg9[%swap3A_265, %swap3A_266], %broadcast_in_dim3A_155 {strides = array<i32>} : memref<64x128xf32, #tpu.memory_space<vmem>>, vector<16xf32>,
    %swap3A_268 = arith.constant 7 : i32
    %swap3A_269 = arith.index_cast %swap3A_268 : i32 to index
    %swap3A_270 = arith.constant 64 : index
    %swap3A_271 = tpu.vector_load %arg9[%swap3A_269, %swap3A_270] {strides = array<i32>} : memref<64x128xf32, #tpu.memory_space<vmem>>, vector<16xf32>,
    tpu.vector_store %arg9[%swap3A_269, %swap3A_270], %broadcast_in_dim3A_155 {strides = array<i32>} : memref<64x128xf32, #tpu.memory_space<vmem>>, vector<16xf32>,
    %swap3A_272 = arith.constant 7 : i32
    %swap3A_273 = arith.index_cast %swap3A_272 : i32 to index
    %swap3A_274 = arith.constant 80 : index
    %swap3A_275 = tpu.vector_load %arg9[%swap3A_273, %swap3A_274] {strides = array<i32>} : memref<64x128xf32, #tpu.memory_space<vmem>>, vector<16xf32>,
    tpu.vector_store %arg9[%swap3A_273, %swap3A_274], %broadcast_in_dim3A_155 {strides = array<i32>} : memref<64x128xf32, #tpu.memory_space<vmem>>, vector<16xf32>,
    %swap3A_276 = arith.constant 7 : i32
    %swap3A_277 = arith.index_cast %swap3A_276 : i32 to index
    %swap3A_278 = arith.constant 96 : index
    %swap3A_279 = tpu.vector_load %arg9[%swap3A_277, %swap3A_278] {strides = array<i32>} : memref<64x128xf32, #tpu.memory_space<vmem>>, vector<16xf32>,
    tpu.vector_store %arg9[%swap3A_277, %swap3A_278], %broadcast_in_dim3A_155 {strides = array<i32>} : memref<64x128xf32, #tpu.memory_space<vmem>>, vector<16xf32>,
    %swap3A_280 = arith.constant 7 : i32
    %swap3A_281 = arith.index_cast %swap3A_280 : i32 to index
    %swap3A_282 = arith.constant 112 : index
    %swap3A_283 = tpu.vector_load %arg9[%swap3A_281, %swap3A_282] {strides = array<i32>} : memref<64x128xf32, #tpu.memory_space<vmem>>, vector<16xf32>,
    tpu.vector_store %arg9[%swap3A_281, %swap3A_282], %broadcast_in_dim3A_155 {strides = array<i32>} : memref<64x128xf32, #tpu.memory_space<vmem>>, vector<16xf32>,
    %swap3A_284 = arith.constant 8 : i32
    %swap3A_285 = arith.index_cast %swap3A_284 : i32 to index
    %swap3A_286 = arith.constant 64 : index
    %swap3A_287 = tpu.vector_load %arg9[%swap3A_285, %swap3A_286] {strides = array<i32>} : memref<64x128xf32, #tpu.memory_space<vmem>>, vector<16xf32>,
    tpu.vector_store %arg9[%swap3A_285, %swap3A_286], %broadcast_in_dim3A_155 {strides = array<i32>} : memref<64x128xf32, #tpu.memory_space<vmem>>, vector<16xf32>,
    %swap3A_288 = arith.constant 8 : i32
    %swap3A_289 = arith.index_cast %swap3A_288 : i32 to index
    %swap3A_290 = arith.constant 80 : index
    %swap3A_291 = tpu.vector_load %arg9[%swap3A_289, %swap3A_290] {strides = array<i32>} : memref<64x128xf32, #tpu.memory_space<vmem>>, vector<16xf32>,
    tpu.vector_store %arg9[%swap3A_289, %swap3A_290], %broadcast_in_dim3A_155 {strides = array<i32>} : memref<64x128xf32, #tpu.memory_space<vmem>>, vector<16xf32>,
    %swap3A_292 = arith.constant 8 : i32
    %swap3A_293 = arith.index_cast %swap3A_292 : i32 to index
    %swap3A_294 = arith.constant 96 : index
    %swap3A_295 = tpu.vector_load %arg9[%swap3A_293, %swap3A_294] {strides = array<i32>} : memref<64x128xf32, #tpu.memory_space<vmem>>, vector<16xf32>,
    tpu.vector_store %arg9[%swap3A_293, %swap3A_294], %broadcast_in_dim3A_155 {strides = array<i32>} : memref<64x128xf32, #tpu.memory_space<vmem>>, vector<16xf32>,
    %swap3A_296 = arith.constant 8 : i32
    %swap3A_297 = arith.index_cast %swap3A_296 : i32 to index
    %swap3A_298 = arith.constant 112 : index
    %swap3A_299 = tpu.vector_load %arg9[%swap3A_297, %swap3A_298] {strides = array<i32>} : memref<64x128xf32, #tpu.memory_space<vmem>>, vector<16xf32>,
    tpu.vector_store %arg9[%swap3A_297, %swap3A_298], %broadcast_in_dim3A_155 {strides = array<i32>} : memref<64x128xf32, #tpu.memory_space<vmem>>, vector<16xf32>,
    %swap3A_300 = arith.constant 9 : i32
    %swap3A_301 = arith.index_cast %swap3A_300 : i32 to index
    %swap3A_302 = arith.constant 64 : index
    %swap3A_303 = tpu.vector_load %arg9[%swap3A_301, %swap3A_302] {strides = array<i32>} : memref<64x128xf32, #tpu.memory_space<vmem>>, vector<16xf32>,
    tpu.vector_store %arg9[%swap3A_301, %swap3A_302], %broadcast_in_dim3A_155 {strides = array<i32>} : memref<64x128xf32, #tpu.memory_space<vmem>>, vector<16xf32>,
    %swap3A_304 = arith.constant 9 : i32
    %swap3A_305 = arith.index_cast %swap3A_304 : i32 to index
    %swap3A_306 = arith.constant 80 : index
    %swap3A_307 = tpu.vector_load %arg9[%swap3A_305, %swap3A_306] {strides = array<i32>} : memref<64x128xf32, #tpu.memory_space<vmem>>, vector<16xf32>,
    tpu.vector_store %arg9[%swap3A_305, %swap3A_306], %broadcast_in_dim3A_155 {strides = array<i32>} : memref<64x128xf32, #tpu.memory_space<vmem>>, vector<16xf32>,
    %swap3A_308 = arith.constant 9 : i32
    %swap3A_309 = arith.index_cast %swap3A_308 : i32 to index
    %swap3A_310 = arith.constant 96 : index
    %swap3A_311 = tpu.vector_load %arg9[%swap3A_309, %swap3A_310] {strides = array<i32>} : memref<64x128xf32, #tpu.memory_space<vmem>>, vector<16xf32>,
    tpu.vector_store %arg9[%swap3A_309, %swap3A_310], %broadcast_in_dim3A_155 {strides = array<i32>} : memref<64x128xf32, #tpu.memory_space<vmem>>, vector<16xf32>,
    %swap3A_312 = arith.constant 9 : i32
    %swap3A_313 = arith.index_cast %swap3A_312 : i32 to index
    %swap3A_314 = arith.constant 112 : index
    %swap3A_315 = tpu.vector_load %arg9[%swap3A_313, %swap3A_314] {strides = array<i32>} : memref<64x128xf32, #tpu.memory_space<vmem>>, vector<16xf32>,
    tpu.vector_store %arg9[%swap3A_313, %swap3A_314], %broadcast_in_dim3A_155 {strides = array<i32>} : memref<64x128xf32, #tpu.memory_space<vmem>>, vector<16xf32>,
    %swap3A_316 = arith.constant 10 : i32
    %swap3A_317 = arith.index_cast %swap3A_316 : i32 to index
    %swap3A_318 = arith.constant 64 : index
    %swap3A_319 = tpu.vector_load %arg9[%swap3A_317, %swap3A_318] {strides = array<i32>} : memref<64x128xf32, #tpu.memory_space<vmem>>, vector<16xf32>,
    tpu.vector_store %arg9[%swap3A_317, %swap3A_318], %broadcast_in_dim3A_155 {strides = array<i32>} : memref<64x128xf32, #tpu.memory_space<vmem>>, vector<16xf32>,
    %swap3A_320 = arith.constant 10 : i32
    %swap3A_321 = arith.index_cast %swap3A_320 : i32 to index
    %swap3A_322 = arith.constant 80 : index
    %swap3A_323 = tpu.vector_load %arg9[%swap3A_321, %swap3A_322] {strides = array<i32>} : memref<64x128xf32, #tpu.memory_space<vmem>>, vector<16xf32>,
    tpu.vector_store %arg9[%swap3A_321, %swap3A_322], %broadcast_in_dim3A_155 {strides = array<i32>} : memref<64x128xf32, #tpu.memory_space<vmem>>, vector<16xf32>,
    %swap3A_324 = arith.constant 10 : i32
    %swap3A_325 = arith.index_cast %swap3A_324 : i32 to index
    %swap3A_326 = arith.constant 96 : index
    %swap3A_327 = tpu.vector_load %arg9[%swap3A_325, %swap3A_326] {strides = array<i32>} : memref<64x128xf32, #tpu.memory_space<vmem>>, vector<16xf32>,
    tpu.vector_store %arg9[%swap3A_325, %swap3A_326], %broadcast_in_dim3A_155 {strides = array<i32>} : memref<64x128xf32, #tpu.memory_space<vmem>>, vector<16xf32>,
    %swap3A_328 = arith.constant 10 : i32
    %swap3A_329 = arith.index_cast %swap3A_328 : i32 to index
    %swap3A_330 = arith.constant 112 : index
    %swap3A_331 = tpu.vector_load %arg9[%swap3A_329, %swap3A_330] {strides = array<i32>} : memref<64x128xf32, #tpu.memory_space<vmem>>, vector<16xf32>,
    tpu.vector_store %arg9[%swap3A_329, %swap3A_330], %broadcast_in_dim3A_155 {strides = array<i32>} : memref<64x128xf32, #tpu.memory_space<vmem>>, vector<16xf32>,
    %swap3A_332 = arith.constant 11 : i32
    %swap3A_333 = arith.index_cast %swap3A_332 : i32 to index
    %swap3A_334 = arith.constant 64 : index
    %swap3A_335 = tpu.vector_load %arg9[%swap3A_333, %swap3A_334] {strides = array<i32>} : memref<64x128xf32, #tpu.memory_space<vmem>>, vector<16xf32>,
    tpu.vector_store %arg9[%swap3A_333, %swap3A_334], %broadcast_in_dim3A_155 {strides = array<i32>} : memref<64x128xf32, #tpu.memory_space<vmem>>, vector<16xf32>,
    %swap3A_336 = arith.constant 11 : i32
    %swap3A_337 = arith.index_cast %swap3A_336 : i32 to index
    %swap3A_338 = arith.constant 80 : index
    %swap3A_339 = tpu.vector_load %arg9[%swap3A_337, %swap3A_338] {strides = array<i32>} : memref<64x128xf32, #tpu.memory_space<vmem>>, vector<16xf32>,
    tpu.vector_store %arg9[%swap3A_337, %swap3A_338], %broadcast_in_dim3A_155 {strides = array<i32>} : memref<64x128xf32, #tpu.memory_space<vmem>>, vector<16xf32>,
    %swap3A_340 = arith.constant 11 : i32
    %swap3A_341 = arith.index_cast %swap3A_340 : i32 to index
    %swap3A_342 = arith.constant 96 : index
    %swap3A_343 = tpu.vector_load %arg9[%swap3A_341, %swap3A_342] {strides = array<i32>} : memref<64x128xf32, #tpu.memory_space<vmem>>, vector<16xf32>,
    tpu.vector_store %arg9[%swap3A_341, %swap3A_342], %broadcast_in_dim3A_155 {strides = array<i32>} : memref<64x128xf32, #tpu.memory_space<vmem>>, vector<16xf32>,
    %swap3A_344 = arith.constant 11 : i32
    %swap3A_345 = arith.index_cast %swap3A_344 : i32 to index
    %swap3A_346 = arith.constant 112 : index
    %swap3A_347 = tpu.vector_load %arg9[%swap3A_345, %swap3A_346] {strides = array<i32>} : memref<64x128xf32, #tpu.memory_space<vmem>>, vector<16xf32>,
    tpu.vector_store %arg9[%swap3A_345, %swap3A_346], %broadcast_in_dim3A_155 {strides = array<i32>} : memref<64x128xf32, #tpu.memory_space<vmem>>, vector<16xf32>,
    %swap3A_348 = arith.constant 12 : i32
    %swap3A_349 = arith.index_cast %swap3A_348 : i32 to index
    %swap3A_350 = arith.constant 64 : index
    %swap3A_351 = tpu.vector_load %arg9[%swap3A_349, %swap3A_350] {strides = array<i32>} : memref<64x128xf32, #tpu.memory_space<vmem>>, vector<16xf32>,
    tpu.vector_store %arg9[%swap3A_349, %swap3A_350], %broadcast_in_dim3A_155 {strides = array<i32>} : memref<64x128xf32, #tpu.memory_space<vmem>>, vector<16xf32>,
    %swap3A_352 = arith.constant 12 : i32
    %swap3A_353 = arith.index_cast %swap3A_352 : i32 to index
    %swap3A_354 = arith.constant 80 : index
    %swap3A_355 = tpu.vector_load %arg9[%swap3A_353, %swap3A_354] {strides = array<i32>} : memref<64x128xf32, #tpu.memory_space<vmem>>, vector<16xf32>,
    tpu.vector_store %arg9[%swap3A_353, %swap3A_354], %broadcast_in_dim3A_155 {strides = array<i32>} : memref<64x128xf32, #tpu.memory_space<vmem>>, vector<16xf32>,
    %swap3A_356 = arith.constant 12 : i32
    %swap3A_357 = arith.index_cast %swap3A_356 : i32 to index
    %swap3A_358 = arith.constant 96 : index
    %swap3A_359 = tpu.vector_load %arg9[%swap3A_357, %swap3A_358] {strides = array<i32>} : memref<64x128xf32, #tpu.memory_space<vmem>>, vector<16xf32>,
    tpu.vector_store %arg9[%swap3A_357, %swap3A_358], %broadcast_in_dim3A_155 {strides = array<i32>} : memref<64x128xf32, #tpu.memory_space<vmem>>, vector<16xf32>,
    %swap3A_360 = arith.constant 12 : i32
    %swap3A_361 = arith.index_cast %swap3A_360 : i32 to index
    %swap3A_362 = arith.constant 112 : index
    %swap3A_363 = tpu.vector_load %arg9[%swap3A_361, %swap3A_362] {strides = array<i32>} : memref<64x128xf32, #tpu.memory_space<vmem>>, vector<16xf32>,
    tpu.vector_store %arg9[%swap3A_361, %swap3A_362], %broadcast_in_dim3A_155 {strides = array<i32>} : memref<64x128xf32, #tpu.memory_space<vmem>>, vector<16xf32>,
    %swap3A_364 = arith.constant 13 : i32
    %swap3A_365 = arith.index_cast %swap3A_364 : i32 to index
    %swap3A_366 = arith.constant 64 : index
    %swap3A_367 = tpu.vector_load %arg9[%swap3A_365, %swap3A_366] {strides = array<i32>} : memref<64x128xf32, #tpu.memory_space<vmem>>, vector<16xf32>,
    tpu.vector_store %arg9[%swap3A_365, %swap3A_366], %broadcast_in_dim3A_155 {strides = array<i32>} : memref<64x128xf32, #tpu.memory_space<vmem>>, vector<16xf32>,
    %swap3A_368 = arith.constant 13 : i32
    %swap3A_369 = arith.index_cast %swap3A_368 : i32 to index
    %swap3A_370 = arith.constant 80 : index
    %swap3A_371 = tpu.vector_load %arg9[%swap3A_369, %swap3A_370] {strides = array<i32>} : memref<64x128xf32, #tpu.memory_space<vmem>>, vector<16xf32>,
    tpu.vector_store %arg9[%swap3A_369, %swap3A_370], %broadcast_in_dim3A_155 {strides = array<i32>} : memref<64x128xf32, #tpu.memory_space<vmem>>, vector<16xf32>,
    %swap3A_372 = arith.constant 13 : i32
    %swap3A_373 = arith.index_cast %swap3A_372 : i32 to index
    %swap3A_374 = arith.constant 96 : index
    %swap3A_375 = tpu.vector_load %arg9[%swap3A_373, %swap3A_374] {strides = array<i32>} : memref<64x128xf32, #tpu.memory_space<vmem>>, vector<16xf32>,
    tpu.vector_store %arg9[%swap3A_373, %swap3A_374], %broadcast_in_dim3A_155 {strides = array<i32>} : memref<64x128xf32, #tpu.memory_space<vmem>>, vector<16xf32>,
    %swap3A_376 = arith.constant 13 : i32
    %swap3A_377 = arith.index_cast %swap3A_376 : i32 to index
    %swap3A_378 = arith.constant 112 : index
    %swap3A_379 = tpu.vector_load %arg9[%swap3A_377, %swap3A_378] {strides = array<i32>} : memref<64x128xf32, #tpu.memory_space<vmem>>, vector<16xf32>,
    tpu.vector_store %arg9[%swap3A_377, %swap3A_378], %broadcast_in_dim3A_155 {strides = array<i32>} : memref<64x128xf32, #tpu.memory_space<vmem>>, vector<16xf32>,
    %swap3A_380 = arith.constant 14 : i32
    %swap3A_381 = arith.index_cast %swap3A_380 : i32 to index
    %swap3A_382 = arith.constant 64 : index
    %swap3A_383 = tpu.vector_load %arg9[%swap3A_381, %swap3A_382] {strides = array<i32>} : memref<64x128xf32, #tpu.memory_space<vmem>>, vector<16xf32>,
    tpu.vector_store %arg9[%swap3A_381, %swap3A_382], %broadcast_in_dim3A_155 {strides = array<i32>} : memref<64x128xf32, #tpu.memory_space<vmem>>, vector<16xf32>,
    %swap3A_384 = arith.constant 14 : i32
    %swap3A_385 = arith.index_cast %swap3A_384 : i32 to index
    %swap3A_386 = arith.constant 80 : index
    %swap3A_387 = tpu.vector_load %arg9[%swap3A_385, %swap3A_386] {strides = array<i32>} : memref<64x128xf32, #tpu.memory_space<vmem>>, vector<16xf32>,
    tpu.vector_store %arg9[%swap3A_385, %swap3A_386], %broadcast_in_dim3A_155 {strides = array<i32>} : memref<64x128xf32, #tpu.memory_space<vmem>>, vector<16xf32>,
    %swap3A_388 = arith.constant 14 : i32
    %swap3A_389 = arith.index_cast %swap3A_388 : i32 to index
    %swap3A_390 = arith.constant 96 : index
    %swap3A_391 = tpu.vector_load %arg9[%swap3A_389, %swap3A_390] {strides = array<i32>} : memref<64x128xf32, #tpu.memory_space<vmem>>, vector<16xf32>,
    tpu.vector_store %arg9[%swap3A_389, %swap3A_390], %broadcast_in_dim3A_155 {strides = array<i32>} : memref<64x128xf32, #tpu.memory_space<vmem>>, vector<16xf32>,
    %swap3A_392 = arith.constant 14 : i32
    %swap3A_393 = arith.index_cast %swap3A_392 : i32 to index
    %swap3A_394 = arith.constant 112 : index
    %swap3A_395 = tpu.vector_load %arg9[%swap3A_393, %swap3A_394] {strides = array<i32>} : memref<64x128xf32, #tpu.memory_space<vmem>>, vector<16xf32>,
    tpu.vector_store %arg9[%swap3A_393, %swap3A_394], %broadcast_in_dim3A_155 {strides = array<i32>} : memref<64x128xf32, #tpu.memory_space<vmem>>, vector<16xf32>,
    %swap3A_396 = arith.constant 15 : i32
    %swap3A_397 = arith.index_cast %swap3A_396 : i32 to index
    %swap3A_398 = arith.constant 64 : index
    %swap3A_399 = tpu.vector_load %arg9[%swap3A_397, %swap3A_398] {strides = array<i32>} : memref<64x128xf32, #tpu.memory_space<vmem>>, vector<16xf32>,
    tpu.vector_store %arg9[%swap3A_397, %swap3A_398], %broadcast_in_dim3A_155 {strides = array<i32>} : memref<64x128xf32, #tpu.memory_space<vmem>>, vector<16xf32>,
    %swap3A_400 = arith.constant 15 : i32
    %swap3A_401 = arith.index_cast %swap3A_400 : i32 to index
    %swap3A_402 = arith.constant 80 : index
    %swap3A_403 = tpu.vector_load %arg9[%swap3A_401, %swap3A_402] {strides = array<i32>} : memref<64x128xf32, #tpu.memory_space<vmem>>, vector<16xf32>,
    tpu.vector_store %arg9[%swap3A_401, %swap3A_402], %broadcast_in_dim3A_155 {strides = array<i32>} : memref<64x128xf32, #tpu.memory_space<vmem>>, vector<16xf32>,
    %swap3A_404 = arith.constant 15 : i32
    %swap3A_405 = arith.index_cast %swap3A_404 : i32 to index
    %swap3A_406 = arith.constant 96 : index
    %swap3A_407 = tpu.vector_load %arg9[%swap3A_405, %swap3A_406] {strides = array<i32>} : memref<64x128xf32, #tpu.memory_space<vmem>>, vector<16xf32>,
    tpu.vector_store %arg9[%swap3A_405, %swap3A_406], %broadcast_in_dim3A_155 {strides = array<i32>} : memref<64x128xf32, #tpu.memory_space<vmem>>, vector<16xf32>,
    %swap3A_408 = arith.constant 15 : i32
    %swap3A_409 = arith.index_cast %swap3A_408 : i32 to index
    %swap3A_410 = arith.constant 112 : index
    %swap3A_411 = tpu.vector_load %arg9[%swap3A_409, %swap3A_410] {strides = array<i32>} : memref<64x128xf32, #tpu.memory_space<vmem>>, vector<16xf32>,
    tpu.vector_store %arg9[%swap3A_409, %swap3A_410], %broadcast_in_dim3A_155 {strides = array<i32>} : memref<64x128xf32, #tpu.memory_space<vmem>>, vector<16xf32>,
    %swap3A_412 = arith.constant 16 : i32
    %swap3A_413 = arith.index_cast %swap3A_412 : i32 to index
    %swap3A_414 = arith.constant 64 : index
    %swap3A_415 = tpu.vector_load %arg9[%swap3A_413, %swap3A_414] {strides = array<i32>} : memref<64x128xf32, #tpu.memory_space<vmem>>, vector<16xf32>,
    tpu.vector_store %arg9[%swap3A_413, %swap3A_414], %broadcast_in_dim3A_155 {strides = array<i32>} : memref<64x128xf32, #tpu.memory_space<vmem>>, vector<16xf32>,
    %swap3A_416 = arith.constant 16 : i32
    %swap3A_417 = arith.index_cast %swap3A_416 : i32 to index
    %swap3A_418 = arith.constant 80 : index
    %swap3A_419 = tpu.vector_load %arg9[%swap3A_417, %swap3A_418] {strides = array<i32>} : memref<64x128xf32, #tpu.memory_space<vmem>>, vector<16xf32>,
    tpu.vector_store %arg9[%swap3A_417, %swap3A_418], %broadcast_in_dim3A_155 {strides = array<i32>} : memref<64x128xf32, #tpu.memory_space<vmem>>, vector<16xf32>,
    %swap3A_420 = arith.constant 16 : i32
    %swap3A_421 = arith.index_cast %swap3A_420 : i32 to index
    %swap3A_422 = arith.constant 96 : index
    %swap3A_423 = tpu.vector_load %arg9[%swap3A_421, %swap3A_422] {strides = array<i32>} : memref<64x128xf32, #tpu.memory_space<vmem>>, vector<16xf32>,
    tpu.vector_store %arg9[%swap3A_421, %swap3A_422], %broadcast_in_dim3A_155 {strides = array<i32>} : memref<64x128xf32, #tpu.memory_space<vmem>>, vector<16xf32>,
    %swap3A_424 = arith.constant 16 : i32
    %swap3A_425 = arith.index_cast %swap3A_424 : i32 to index
    %swap3A_426 = arith.constant 112 : index
    %swap3A_427 = tpu.vector_load %arg9[%swap3A_425, %swap3A_426] {strides = array<i32>} : memref<64x128xf32, #tpu.memory_space<vmem>>, vector<16xf32>,
    tpu.vector_store %arg9[%swap3A_425, %swap3A_426], %broadcast_in_dim3A_155 {strides = array<i32>} : memref<64x128xf32, #tpu.memory_space<vmem>>, vector<16xf32>,
    %swap3A_428 = arith.constant 17 : i32
    %swap3A_429 = arith.index_cast %swap3A_428 : i32 to index
    %swap3A_430 = arith.constant 64 : index
    %swap3A_431 = tpu.vector_load %arg9[%swap3A_429, %swap3A_430] {strides = array<i32>} : memref<64x128xf32, #tpu.memory_space<vmem>>, vector<16xf32>,
    tpu.vector_store %arg9[%swap3A_429, %swap3A_430], %broadcast_in_dim3A_155 {strides = array<i32>} : memref<64x128xf32, #tpu.memory_space<vmem>>, vector<16xf32>,
    %swap3A_432 = arith.constant 17 : i32
    %swap3A_433 = arith.index_cast %swap3A_432 : i32 to index
    %swap3A_434 = arith.constant 80 : index
    %swap3A_435 = tpu.vector_load %arg9[%swap3A_433, %swap3A_434] {strides = array<i32>} : memref<64x128xf32, #tpu.memory_space<vmem>>, vector<16xf32>,
    tpu.vector_store %arg9[%swap3A_433, %swap3A_434], %broadcast_in_dim3A_155 {strides = array<i32>} : memref<64x128xf32, #tpu.memory_space<vmem>>, vector<16xf32>,
    %swap3A_436 = arith.constant 17 : i32
    %swap3A_437 = arith.index_cast %swap3A_436 : i32 to index
    %swap3A_438 = arith.constant 96 : index
    %swap3A_439 = tpu.vector_load %arg9[%swap3A_437, %swap3A_438] {strides = array<i32>} : memref<64x128xf32, #tpu.memory_space<vmem>>, vector<16xf32>,
    tpu.vector_store %arg9[%swap3A_437, %swap3A_438], %broadcast_in_dim3A_155 {strides = array<i32>} : memref<64x128xf32, #tpu.memory_space<vmem>>, vector<16xf32>,
    %swap3A_440 = arith.constant 17 : i32
    %swap3A_441 = arith.index_cast %swap3A_440 : i32 to index
    %swap3A_442 = arith.constant 112 : index
    %swap3A_443 = tpu.vector_load %arg9[%swap3A_441, %swap3A_442] {strides = array<i32>} : memref<64x128xf32, #tpu.memory_space<vmem>>, vector<16xf32>,
    tpu.vector_store %arg9[%swap3A_441, %swap3A_442], %broadcast_in_dim3A_155 {strides = array<i32>} : memref<64x128xf32, #tpu.memory_space<vmem>>, vector<16xf32>,
    %swap3A_444 = arith.constant 18 : i32
    %swap3A_445 = arith.index_cast %swap3A_444 : i32 to index
    %swap3A_446 = arith.constant 64 : index
    %swap3A_447 = tpu.vector_load %arg9[%swap3A_445, %swap3A_446] {strides = array<i32>} : memref<64x128xf32, #tpu.memory_space<vmem>>, vector<16xf32>,
    tpu.vector_store %arg9[%swap3A_445, %swap3A_446], %broadcast_in_dim3A_155 {strides = array<i32>} : memref<64x128xf32, #tpu.memory_space<vmem>>, vector<16xf32>,
    %swap3A_448 = arith.constant 18 : i32
    %swap3A_449 = arith.index_cast %swap3A_448 : i32 to index
    %swap3A_450 = arith.constant 80 : index
    %swap3A_451 = tpu.vector_load %arg9[%swap3A_449, %swap3A_450] {strides = array<i32>} : memref<64x128xf32, #tpu.memory_space<vmem>>, vector<16xf32>,
    tpu.vector_store %arg9[%swap3A_449, %swap3A_450], %broadcast_in_dim3A_155 {strides = array<i32>} : memref<64x128xf32, #tpu.memory_space<vmem>>, vector<16xf32>,
    %swap3A_452 = arith.constant 18 : i32
    %swap3A_453 = arith.index_cast %swap3A_452 : i32 to index
    %swap3A_454 = arith.constant 96 : index
    %swap3A_455 = tpu.vector_load %arg9[%swap3A_453, %swap3A_454] {strides = array<i32>} : memref<64x128xf32, #tpu.memory_space<vmem>>, vector<16xf32>,
    tpu.vector_store %arg9[%swap3A_453, %swap3A_454], %broadcast_in_dim3A_155 {strides = array<i32>} : memref<64x128xf32, #tpu.memory_space<vmem>>, vector<16xf32>,
    %swap3A_456 = arith.constant 18 : i32
    %swap3A_457 = arith.index_cast %swap3A_456 : i32 to index
    %swap3A_458 = arith.constant 112 : index
    %swap3A_459 = tpu.vector_load %arg9[%swap3A_457, %swap3A_458] {strides = array<i32>} : memref<64x128xf32, #tpu.memory_space<vmem>>, vector<16xf32>,
    tpu.vector_store %arg9[%swap3A_457, %swap3A_458], %broadcast_in_dim3A_155 {strides = array<i32>} : memref<64x128xf32, #tpu.memory_space<vmem>>, vector<16xf32>,
    %swap3A_460 = arith.constant 19 : i32
    %swap3A_461 = arith.index_cast %swap3A_460 : i32 to index
    %swap3A_462 = arith.constant 64 : index
    %swap3A_463 = tpu.vector_load %arg9[%swap3A_461, %swap3A_462] {strides = array<i32>} : memref<64x128xf32, #tpu.memory_space<vmem>>, vector<16xf32>,
    tpu.vector_store %arg9[%swap3A_461, %swap3A_462], %broadcast_in_dim3A_155 {strides = array<i32>} : memref<64x128xf32, #tpu.memory_space<vmem>>, vector<16xf32>,
    %swap3A_464 = arith.constant 19 : i32
    %swap3A_465 = arith.index_cast %swap3A_464 : i32 to index
    %swap3A_466 = arith.constant 80 : index
    %swap3A_467 = tpu.vector_load %arg9[%swap3A_465, %swap3A_466] {strides = array<i32>} : memref<64x128xf32, #tpu.memory_space<vmem>>, vector<16xf32>,
    tpu.vector_store %arg9[%swap3A_465, %swap3A_466], %broadcast_in_dim3A_155 {strides = array<i32>} : memref<64x128xf32, #tpu.memory_space<vmem>>, vector<16xf32>,
    %swap3A_468 = arith.constant 19 : i32
    %swap3A_469 = arith.index_cast %swap3A_468 : i32 to index
    %swap3A_470 = arith.constant 96 : index
    %swap3A_471 = tpu.vector_load %arg9[%swap3A_469, %swap3A_470] {strides = array<i32>} : memref<64x128xf32, #tpu.memory_space<vmem>>, vector<16xf32>,
    tpu.vector_store %arg9[%swap3A_469, %swap3A_470], %broadcast_in_dim3A_155 {strides = array<i32>} : memref<64x128xf32, #tpu.memory_space<vmem>>, vector<16xf32>,
    %swap3A_472 = arith.constant 19 : i32
    %swap3A_473 = arith.index_cast %swap3A_472 : i32 to index
    %swap3A_474 = arith.constant 112 : index
    %swap3A_475 = tpu.vector_load %arg9[%swap3A_473, %swap3A_474] {strides = array<i32>} : memref<64x128xf32, #tpu.memory_space<vmem>>, vector<16xf32>,
    tpu.vector_store %arg9[%swap3A_473, %swap3A_474], %broadcast_in_dim3A_155 {strides = array<i32>} : memref<64x128xf32, #tpu.memory_space<vmem>>, vector<16xf32>,
    %swap3A_476 = arith.constant 20 : i32
    %swap3A_477 = arith.index_cast %swap3A_476 : i32 to index
    %swap3A_478 = arith.constant 64 : index
    %swap3A_479 = tpu.vector_load %arg9[%swap3A_477, %swap3A_478] {strides = array<i32>} : memref<64x128xf32, #tpu.memory_space<vmem>>, vector<16xf32>,
    tpu.vector_store %arg9[%swap3A_477, %swap3A_478], %broadcast_in_dim3A_155 {strides = array<i32>} : memref<64x128xf32, #tpu.memory_space<vmem>>, vector<16xf32>,
    %swap3A_480 = arith.constant 20 : i32
    %swap3A_481 = arith.index_cast %swap3A_480 : i32 to index
    %swap3A_482 = arith.constant 80 : index
    %swap3A_483 = tpu.vector_load %arg9[%swap3A_481, %swap3A_482] {strides = array<i32>} : memref<64x128xf32, #tpu.memory_space<vmem>>, vector<16xf32>,
    tpu.vector_store %arg9[%swap3A_481, %swap3A_482], %broadcast_in_dim3A_155 {strides = array<i32>} : memref<64x128xf32, #tpu.memory_space<vmem>>, vector<16xf32>,
    %swap3A_484 = arith.constant 20 : i32
    %swap3A_485 = arith.index_cast %swap3A_484 : i32 to index
    %swap3A_486 = arith.constant 96 : index
    %swap3A_487 = tpu.vector_load %arg9[%swap3A_485, %swap3A_486] {strides = array<i32>} : memref<64x128xf32, #tpu.memory_space<vmem>>, vector<16xf32>,
    tpu.vector_store %arg9[%swap3A_485, %swap3A_486], %broadcast_in_dim3A_155 {strides = array<i32>} : memref<64x128xf32, #tpu.memory_space<vmem>>, vector<16xf32>,
    %swap3A_488 = arith.constant 20 : i32
    %swap3A_489 = arith.index_cast %swap3A_488 : i32 to index
    %swap3A_490 = arith.constant 112 : index
    %swap3A_491 = tpu.vector_load %arg9[%swap3A_489, %swap3A_490] {strides = array<i32>} : memref<64x128xf32, #tpu.memory_space<vmem>>, vector<16xf32>,
    tpu.vector_store %arg9[%swap3A_489, %swap3A_490], %broadcast_in_dim3A_155 {strides = array<i32>} : memref<64x128xf32, #tpu.memory_space<vmem>>, vector<16xf32>,
    %swap3A_492 = arith.constant 21 : i32
    %swap3A_493 = arith.index_cast %swap3A_492 : i32 to index
    %swap3A_494 = arith.constant 64 : index
    %swap3A_495 = tpu.vector_load %arg9[%swap3A_493, %swap3A_494] {strides = array<i32>} : memref<64x128xf32, #tpu.memory_space<vmem>>, vector<16xf32>,
    tpu.vector_store %arg9[%swap3A_493, %swap3A_494], %broadcast_in_dim3A_155 {strides = array<i32>} : memref<64x128xf32, #tpu.memory_space<vmem>>, vector<16xf32>,
    %swap3A_496 = arith.constant 21 : i32
    %swap3A_497 = arith.index_cast %swap3A_496 : i32 to index
    %swap3A_498 = arith.constant 80 : index
    %swap3A_499 = tpu.vector_load %arg9[%swap3A_497, %swap3A_498] {strides = array<i32>} : memref<64x128xf32, #tpu.memory_space<vmem>>, vector<16xf32>,
    tpu.vector_store %arg9[%swap3A_497, %swap3A_498], %broadcast_in_dim3A_155 {strides = array<i32>} : memref<64x128xf32, #tpu.memory_space<vmem>>, vector<16xf32>,
    %swap3A_500 = arith.constant 21 : i32
    %swap3A_501 = arith.index_cast %swap3A_500 : i32 to index
    %swap3A_502 = arith.constant 96 : index
    %swap3A_503 = tpu.vector_load %arg9[%swap3A_501, %swap3A_502] {strides = array<i32>} : memref<64x128xf32, #tpu.memory_space<vmem>>, vector<16xf32>,
    tpu.vector_store %arg9[%swap3A_501, %swap3A_502], %broadcast_in_dim3A_155 {strides = array<i32>} : memref<64x128xf32, #tpu.memory_space<vmem>>, vector<16xf32>,
    %swap3A_504 = arith.constant 21 : i32
    %swap3A_505 = arith.index_cast %swap3A_504 : i32 to index
    %swap3A_506 = arith.constant 112 : index
    %swap3A_507 = tpu.vector_load %arg9[%swap3A_505, %swap3A_506] {strides = array<i32>} : memref<64x128xf32, #tpu.memory_space<vmem>>, vector<16xf32>,
    tpu.vector_store %arg9[%swap3A_505, %swap3A_506], %broadcast_in_dim3A_155 {strides = array<i32>} : memref<64x128xf32, #tpu.memory_space<vmem>>, vector<16xf32>,
    %swap3A_508 = arith.constant 22 : i32
    %swap3A_509 = arith.index_cast %swap3A_508 : i32 to index
    %swap3A_510 = arith.constant 64 : index
    %swap3A_511 = tpu.vector_load %arg9[%swap3A_509, %swap3A_510] {strides = array<i32>} : memref<64x128xf32, #tpu.memory_space<vmem>>, vector<16xf32>,
    tpu.vector_store %arg9[%swap3A_509, %swap3A_510], %broadcast_in_dim3A_155 {strides = array<i32>} : memref<64x128xf32, #tpu.memory_space<vmem>>, vector<16xf32>,
    %swap3A_512 = arith.constant 22 : i32
    %swap3A_513 = arith.index_cast %swap3A_512 : i32 to index
    %swap3A_514 = arith.constant 80 : index
    %swap3A_515 = tpu.vector_load %arg9[%swap3A_513, %swap3A_514] {strides = array<i32>} : memref<64x128xf32, #tpu.memory_space<vmem>>, vector<16xf32>,
    tpu.vector_store %arg9[%swap3A_513, %swap3A_514], %broadcast_in_dim3A_155 {strides = array<i32>} : memref<64x128xf32, #tpu.memory_space<vmem>>, vector<16xf32>,
    %swap3A_516 = arith.constant 22 : i32
    %swap3A_517 = arith.index_cast %swap3A_516 : i32 to index
    %swap3A_518 = arith.constant 96 : index
    %swap3A_519 = tpu.vector_load %arg9[%swap3A_517, %swap3A_518] {strides = array<i32>} : memref<64x128xf32, #tpu.memory_space<vmem>>, vector<16xf32>,
    tpu.vector_store %arg9[%swap3A_517, %swap3A_518], %broadcast_in_dim3A_155 {strides = array<i32>} : memref<64x128xf32, #tpu.memory_space<vmem>>, vector<16xf32>,
    %swap3A_520 = arith.constant 22 : i32
    %swap3A_521 = arith.index_cast %swap3A_520 : i32 to index
    %swap3A_522 = arith.constant 112 : index
    %swap3A_523 = tpu.vector_load %arg9[%swap3A_521, %swap3A_522] {strides = array<i32>} : memref<64x128xf32, #tpu.memory_space<vmem>>, vector<16xf32>,
    tpu.vector_store %arg9[%swap3A_521, %swap3A_522], %broadcast_in_dim3A_155 {strides = array<i32>} : memref<64x128xf32, #tpu.memory_space<vmem>>, vector<16xf32>,
    %swap3A_524 = arith.constant 23 : i32
    %swap3A_525 = arith.index_cast %swap3A_524 : i32 to index
    %swap3A_526 = arith.constant 64 : index
    %swap3A_527 = tpu.vector_load %arg9[%swap3A_525, %swap3A_526] {strides = array<i32>} : memref<64x128xf32, #tpu.memory_space<vmem>>, vector<16xf32>,
    tpu.vector_store %arg9[%swap3A_525, %swap3A_526], %broadcast_in_dim3A_155 {strides = array<i32>} : memref<64x128xf32, #tpu.memory_space<vmem>>, vector<16xf32>,
    %swap3A_528 = arith.constant 23 : i32
    %swap3A_529 = arith.index_cast %swap3A_528 : i32 to index
    %swap3A_530 = arith.constant 80 : index
    %swap3A_531 = tpu.vector_load %arg9[%swap3A_529, %swap3A_530] {strides = array<i32>} : memref<64x128xf32, #tpu.memory_space<vmem>>, vector<16xf32>,
    tpu.vector_store %arg9[%swap3A_529, %swap3A_530], %broadcast_in_dim3A_155 {strides = array<i32>} : memref<64x128xf32, #tpu.memory_space<vmem>>, vector<16xf32>,
    %swap3A_532 = arith.constant 23 : i32
    %swap3A_533 = arith.index_cast %swap3A_532 : i32 to index
    %swap3A_534 = arith.constant 96 : index
    %swap3A_535 = tpu.vector_load %arg9[%swap3A_533, %swap3A_534] {strides = array<i32>} : memref<64x128xf32, #tpu.memory_space<vmem>>, vector<16xf32>,
    tpu.vector_store %arg9[%swap3A_533, %swap3A_534], %broadcast_in_dim3A_155 {strides = array<i32>} : memref<64x128xf32, #tpu.memory_space<vmem>>, vector<16xf32>,
    %swap3A_536 = arith.constant 23 : i32
    %swap3A_537 = arith.index_cast %swap3A_536 : i32 to index
    %swap3A_538 = arith.constant 112 : index
    %swap3A_539 = tpu.vector_load %arg9[%swap3A_537, %swap3A_538] {strides = array<i32>} : memref<64x128xf32, #tpu.memory_space<vmem>>, vector<16xf32>,
    tpu.vector_store %arg9[%swap3A_537, %swap3A_538], %broadcast_in_dim3A_155 {strides = array<i32>} : memref<64x128xf32, #tpu.memory_space<vmem>>, vector<16xf32>,
    %swap3A_540 = arith.constant 24 : i32
    %swap3A_541 = arith.index_cast %swap3A_540 : i32 to index
    %swap3A_542 = arith.constant 64 : index
    %swap3A_543 = tpu.vector_load %arg9[%swap3A_541, %swap3A_542] {strides = array<i32>} : memref<64x128xf32, #tpu.memory_space<vmem>>, vector<16xf32>,
    tpu.vector_store %arg9[%swap3A_541, %swap3A_542], %broadcast_in_dim3A_155 {strides = array<i32>} : memref<64x128xf32, #tpu.memory_space<vmem>>, vector<16xf32>,
    %swap3A_544 = arith.constant 24 : i32
    %swap3A_545 = arith.index_cast %swap3A_544 : i32 to index
    %swap3A_546 = arith.constant 80 : index
    %swap3A_547 = tpu.vector_load %arg9[%swap3A_545, %swap3A_546] {strides = array<i32>} : memref<64x128xf32, #tpu.memory_space<vmem>>, vector<16xf32>,
    tpu.vector_store %arg9[%swap3A_545, %swap3A_546], %broadcast_in_dim3A_155 {strides = array<i32>} : memref<64x128xf32, #tpu.memory_space<vmem>>, vector<16xf32>,
    %swap3A_548 = arith.constant 24 : i32
    %swap3A_549 = arith.index_cast %swap3A_548 : i32 to index
    %swap3A_550 = arith.constant 96 : index
    %swap3A_551 = tpu.vector_load %arg9[%swap3A_549, %swap3A_550] {strides = array<i32>} : memref<64x128xf32, #tpu.memory_space<vmem>>, vector<16xf32>,
    tpu.vector_store %arg9[%swap3A_549, %swap3A_550], %broadcast_in_dim3A_155 {strides = array<i32>} : memref<64x128xf32, #tpu.memory_space<vmem>>, vector<16xf32>,
    %swap3A_552 = arith.constant 24 : i32
    %swap3A_553 = arith.index_cast %swap3A_552 : i32 to index
    %swap3A_554 = arith.constant 112 : index
    %swap3A_555 = tpu.vector_load %arg9[%swap3A_553, %swap3A_554] {strides = array<i32>} : memref<64x128xf32, #tpu.memory_space<vmem>>, vector<16xf32>,
    tpu.vector_store %arg9[%swap3A_553, %swap3A_554], %broadcast_in_dim3A_155 {strides = array<i32>} : memref<64x128xf32, #tpu.memory_space<vmem>>, vector<16xf32>,
    %swap3A_556 = arith.constant 25 : i32
    %swap3A_557 = arith.index_cast %swap3A_556 : i32 to index
    %swap3A_558 = arith.constant 64 : index
    %swap3A_559 = tpu.vector_load %arg9[%swap3A_557, %swap3A_558] {strides = array<i32>} : memref<64x128xf32, #tpu.memory_space<vmem>>, vector<16xf32>,
    tpu.vector_store %arg9[%swap3A_557, %swap3A_558], %broadcast_in_dim3A_155 {strides = array<i32>} : memref<64x128xf32, #tpu.memory_space<vmem>>, vector<16xf32>,
    %swap3A_560 = arith.constant 25 : i32
    %swap3A_561 = arith.index_cast %swap3A_560 : i32 to index
    %swap3A_562 = arith.constant 80 : index
    %swap3A_563 = tpu.vector_load %arg9[%swap3A_561, %swap3A_562] {strides = array<i32>} : memref<64x128xf32, #tpu.memory_space<vmem>>, vector<16xf32>,
    tpu.vector_store %arg9[%swap3A_561, %swap3A_562], %broadcast_in_dim3A_155 {strides = array<i32>} : memref<64x128xf32, #tpu.memory_space<vmem>>, vector<16xf32>,
    %swap3A_564 = arith.constant 25 : i32
    %swap3A_565 = arith.index_cast %swap3A_564 : i32 to index
    %swap3A_566 = arith.constant 96 : index
    %swap3A_567 = tpu.vector_load %arg9[%swap3A_565, %swap3A_566] {strides = array<i32>} : memref<64x128xf32, #tpu.memory_space<vmem>>, vector<16xf32>,
    tpu.vector_store %arg9[%swap3A_565, %swap3A_566], %broadcast_in_dim3A_155 {strides = array<i32>} : memref<64x128xf32, #tpu.memory_space<vmem>>, vector<16xf32>,
    %swap3A_568 = arith.constant 25 : i32
    %swap3A_569 = arith.index_cast %swap3A_568 : i32 to index
    %swap3A_570 = arith.constant 112 : index
    %swap3A_571 = tpu.vector_load %arg9[%swap3A_569, %swap3A_570] {strides = array<i32>} : memref<64x128xf32, #tpu.memory_space<vmem>>, vector<16xf32>,
    tpu.vector_store %arg9[%swap3A_569, %swap3A_570], %broadcast_in_dim3A_155 {strides = array<i32>} : memref<64x128xf32, #tpu.memory_space<vmem>>, vector<16xf32>,
    %swap3A_572 = arith.constant 26 : i32
    %swap3A_573 = arith.index_cast %swap3A_572 : i32 to index
    %swap3A_574 = arith.constant 64 : index
    %swap3A_575 = tpu.vector_load %arg9[%swap3A_573, %swap3A_574] {strides = array<i32>} : memref<64x128xf32, #tpu.memory_space<vmem>>, vector<16xf32>,
    tpu.vector_store %arg9[%swap3A_573, %swap3A_574], %broadcast_in_dim3A_155 {strides = array<i32>} : memref<64x128xf32, #tpu.memory_space<vmem>>, vector<16xf32>,
    %swap3A_576 = arith.constant 26 : i32
    %swap3A_577 = arith.index_cast %swap3A_576 : i32 to index
    %swap3A_578 = arith.constant 80 : index
    %swap3A_579 = tpu.vector_load %arg9[%swap3A_577, %swap3A_578] {strides = array<i32>} : memref<64x128xf32, #tpu.memory_space<vmem>>, vector<16xf32>,
    tpu.vector_store %arg9[%swap3A_577, %swap3A_578], %broadcast_in_dim3A_155 {strides = array<i32>} : memref<64x128xf32, #tpu.memory_space<vmem>>, vector<16xf32>,
    %swap3A_580 = arith.constant 26 : i32
    %swap3A_581 = arith.index_cast %swap3A_580 : i32 to index
    %swap3A_582 = arith.constant 96 : index
    %swap3A_583 = tpu.vector_load %arg9[%swap3A_581, %swap3A_582] {strides = array<i32>} : memref<64x128xf32, #tpu.memory_space<vmem>>, vector<16xf32>,
    tpu.vector_store %arg9[%swap3A_581, %swap3A_582], %broadcast_in_dim3A_155 {strides = array<i32>} : memref<64x128xf32, #tpu.memory_space<vmem>>, vector<16xf32>,
    %swap3A_584 = arith.constant 26 : i32
    %swap3A_585 = arith.index_cast %swap3A_584 : i32 to index
    %swap3A_586 = arith.constant 112 : index
    %swap3A_587 = tpu.vector_load %arg9[%swap3A_585, %swap3A_586] {strides = array<i32>} : memref<64x128xf32, #tpu.memory_space<vmem>>, vector<16xf32>,
    tpu.vector_store %arg9[%swap3A_585, %swap3A_586], %broadcast_in_dim3A_155 {strides = array<i32>} : memref<64x128xf32, #tpu.memory_space<vmem>>, vector<16xf32>,
    %swap3A_588 = arith.constant 27 : i32
    %swap3A_589 = arith.index_cast %swap3A_588 : i32 to index
    %swap3A_590 = arith.constant 64 : index
    %swap3A_591 = tpu.vector_load %arg9[%swap3A_589, %swap3A_590] {strides = array<i32>} : memref<64x128xf32, #tpu.memory_space<vmem>>, vector<16xf32>,
    tpu.vector_store %arg9[%swap3A_589, %swap3A_590], %broadcast_in_dim3A_155 {strides = array<i32>} : memref<64x128xf32, #tpu.memory_space<vmem>>, vector<16xf32>,
    %swap3A_592 = arith.constant 27 : i32
    %swap3A_593 = arith.index_cast %swap3A_592 : i32 to index
    %swap3A_594 = arith.constant 80 : index
    %swap3A_595 = tpu.vector_load %arg9[%swap3A_593, %swap3A_594] {strides = array<i32>} : memref<64x128xf32, #tpu.memory_space<vmem>>, vector<16xf32>,
    tpu.vector_store %arg9[%swap3A_593, %swap3A_594], %broadcast_in_dim3A_155 {strides = array<i32>} : memref<64x128xf32, #tpu.memory_space<vmem>>, vector<16xf32>,
    %swap3A_596 = arith.constant 27 : i32
    %swap3A_597 = arith.index_cast %swap3A_596 : i32 to index
    %swap3A_598 = arith.constant 96 : index
    %swap3A_599 = tpu.vector_load %arg9[%swap3A_597, %swap3A_598] {strides = array<i32>} : memref<64x128xf32, #tpu.memory_space<vmem>>, vector<16xf32>,
    tpu.vector_store %arg9[%swap3A_597, %swap3A_598], %broadcast_in_dim3A_155 {strides = array<i32>} : memref<64x128xf32, #tpu.memory_space<vmem>>, vector<16xf32>,
    %swap3A_600 = arith.constant 27 : i32
    %swap3A_601 = arith.index_cast %swap3A_600 : i32 to index
    %swap3A_602 = arith.constant 112 : index
    %swap3A_603 = tpu.vector_load %arg9[%swap3A_601, %swap3A_602] {strides = array<i32>} : memref<64x128xf32, #tpu.memory_space<vmem>>, vector<16xf32>,
    tpu.vector_store %arg9[%swap3A_601, %swap3A_602], %broadcast_in_dim3A_155 {strides = array<i32>} : memref<64x128xf32, #tpu.memory_space<vmem>>, vector<16xf32>,
    %swap3A_604 = arith.constant 28 : i32
    %swap3A_605 = arith.index_cast %swap3A_604 : i32 to index
    %swap3A_606 = arith.constant 64 : index
    %swap3A_607 = tpu.vector_load %arg9[%swap3A_605, %swap3A_606] {strides = array<i32>} : memref<64x128xf32, #tpu.memory_space<vmem>>, vector<16xf32>,
    tpu.vector_store %arg9[%swap3A_605, %swap3A_606], %broadcast_in_dim3A_155 {strides = array<i32>} : memref<64x128xf32, #tpu.memory_space<vmem>>, vector<16xf32>,
    %swap3A_608 = arith.constant 28 : i32
    %swap3A_609 = arith.index_cast %swap3A_608 : i32 to index
    %swap3A_610 = arith.constant 80 : index
    %swap3A_611 = tpu.vector_load %arg9[%swap3A_609, %swap3A_610] {strides = array<i32>} : memref<64x128xf32, #tpu.memory_space<vmem>>, vector<16xf32>,
    tpu.vector_store %arg9[%swap3A_609, %swap3A_610], %broadcast_in_dim3A_155 {strides = array<i32>} : memref<64x128xf32, #tpu.memory_space<vmem>>, vector<16xf32>,
    %swap3A_612 = arith.constant 28 : i32
    %swap3A_613 = arith.index_cast %swap3A_612 : i32 to index
    %swap3A_614 = arith.constant 96 : index
    %swap3A_615 = tpu.vector_load %arg9[%swap3A_613, %swap3A_614] {strides = array<i32>} : memref<64x128xf32, #tpu.memory_space<vmem>>, vector<16xf32>,
    tpu.vector_store %arg9[%swap3A_613, %swap3A_614], %broadcast_in_dim3A_155 {strides = array<i32>} : memref<64x128xf32, #tpu.memory_space<vmem>>, vector<16xf32>,
    %swap3A_616 = arith.constant 28 : i32
    %swap3A_617 = arith.index_cast %swap3A_616 : i32 to index
    %swap3A_618 = arith.constant 112 : index
    %swap3A_619 = tpu.vector_load %arg9[%swap3A_617, %swap3A_618] {strides = array<i32>} : memref<64x128xf32, #tpu.memory_space<vmem>>, vector<16xf32>,
    tpu.vector_store %arg9[%swap3A_617, %swap3A_618], %broadcast_in_dim3A_155 {strides = array<i32>} : memref<64x128xf32, #tpu.memory_space<vmem>>, vector<16xf32>,
    %swap3A_620 = arith.constant 29 : i32
    %swap3A_621 = arith.index_cast %swap3A_620 : i32 to index
    %swap3A_622 = arith.constant 64 : index
    %swap3A_623 = tpu.vector_load %arg9[%swap3A_621, %swap3A_622] {strides = array<i32>} : memref<64x128xf32, #tpu.memory_space<vmem>>, vector<16xf32>,
    tpu.vector_store %arg9[%swap3A_621, %swap3A_622], %broadcast_in_dim3A_155 {strides = array<i32>} : memref<64x128xf32, #tpu.memory_space<vmem>>, vector<16xf32>,
    %swap3A_624 = arith.constant 29 : i32
    %swap3A_625 = arith.index_cast %swap3A_624 : i32 to index
    %swap3A_626 = arith.constant 80 : index
    %swap3A_627 = tpu.vector_load %arg9[%swap3A_625, %swap3A_626] {strides = array<i32>} : memref<64x128xf32, #tpu.memory_space<vmem>>, vector<16xf32>,
    tpu.vector_store %arg9[%swap3A_625, %swap3A_626], %broadcast_in_dim3A_155 {strides = array<i32>} : memref<64x128xf32, #tpu.memory_space<vmem>>, vector<16xf32>,
    %swap3A_628 = arith.constant 29 : i32
    %swap3A_629 = arith.index_cast %swap3A_628 : i32 to index
    %swap3A_630 = arith.constant 96 : index
    %swap3A_631 = tpu.vector_load %arg9[%swap3A_629, %swap3A_630] {strides = array<i32>} : memref<64x128xf32, #tpu.memory_space<vmem>>, vector<16xf32>,
    tpu.vector_store %arg9[%swap3A_629, %swap3A_630], %broadcast_in_dim3A_155 {strides = array<i32>} : memref<64x128xf32, #tpu.memory_space<vmem>>, vector<16xf32>,
    %swap3A_632 = arith.constant 29 : i32
    %swap3A_633 = arith.index_cast %swap3A_632 : i32 to index
    %swap3A_634 = arith.constant 112 : index
    %swap3A_635 = tpu.vector_load %arg9[%swap3A_633, %swap3A_634] {strides = array<i32>} : memref<64x128xf32, #tpu.memory_space<vmem>>, vector<16xf32>,
    tpu.vector_store %arg9[%swap3A_633, %swap3A_634], %broadcast_in_dim3A_155 {strides = array<i32>} : memref<64x128xf32, #tpu.memory_space<vmem>>, vector<16xf32>,
    %swap3A_636 = arith.constant 30 : i32
    %swap3A_637 = arith.index_cast %swap3A_636 : i32 to index
    %swap3A_638 = arith.constant 64 : index
    %swap3A_639 = tpu.vector_load %arg9[%swap3A_637, %swap3A_638] {strides = array<i32>} : memref<64x128xf32, #tpu.memory_space<vmem>>, vector<16xf32>,
    tpu.vector_store %arg9[%swap3A_637, %swap3A_638], %broadcast_in_dim3A_155 {strides = array<i32>} : memref<64x128xf32, #tpu.memory_space<vmem>>, vector<16xf32>,
    %swap3A_640 = arith.constant 30 : i32
    %swap3A_641 = arith.index_cast %swap3A_640 : i32 to index
    %swap3A_642 = arith.constant 80 : index
    %swap3A_643 = tpu.vector_load %arg9[%swap3A_641, %swap3A_642] {strides = array<i32>} : memref<64x128xf32, #tpu.memory_space<vmem>>, vector<16xf32>,
    tpu.vector_store %arg9[%swap3A_641, %swap3A_642], %broadcast_in_dim3A_155 {strides = array<i32>} : memref<64x128xf32, #tpu.memory_space<vmem>>, vector<16xf32>,
    %swap3A_644 = arith.constant 30 : i32
    %swap3A_645 = arith.index_cast %swap3A_644 : i32 to index
    %swap3A_646 = arith.constant 96 : index
    %swap3A_647 = tpu.vector_load %arg9[%swap3A_645, %swap3A_646] {strides = array<i32>} : memref<64x128xf32, #tpu.memory_space<vmem>>, vector<16xf32>,
    tpu.vector_store %arg9[%swap3A_645, %swap3A_646], %broadcast_in_dim3A_155 {strides = array<i32>} : memref<64x128xf32, #tpu.memory_space<vmem>>, vector<16xf32>,
    %swap3A_648 = arith.constant 30 : i32
    %swap3A_649 = arith.index_cast %swap3A_648 : i32 to index
    %swap3A_650 = arith.constant 112 : index
    %swap3A_651 = tpu.vector_load %arg9[%swap3A_649, %swap3A_650] {strides = array<i32>} : memref<64x128xf32, #tpu.memory_space<vmem>>, vector<16xf32>,
    tpu.vector_store %arg9[%swap3A_649, %swap3A_650], %broadcast_in_dim3A_155 {strides = array<i32>} : memref<64x128xf32, #tpu.memory_space<vmem>>, vector<16xf32>,
    %swap3A_652 = arith.constant 31 : i32
    %swap3A_653 = arith.index_cast %swap3A_652 : i32 to index
    %swap3A_654 = arith.constant 64 : index
    %swap3A_655 = tpu.vector_load %arg9[%swap3A_653, %swap3A_654] {strides = array<i32>} : memref<64x128xf32, #tpu.memory_space<vmem>>, vector<16xf32>,
    tpu.vector_store %arg9[%swap3A_653, %swap3A_654], %broadcast_in_dim3A_155 {strides = array<i32>} : memref<64x128xf32, #tpu.memory_space<vmem>>, vector<16xf32>,
    %swap3A_656 = arith.constant 31 : i32
    %swap3A_657 = arith.index_cast %swap3A_656 : i32 to index
    %swap3A_658 = arith.constant 80 : index
    %swap3A_659 = tpu.vector_load %arg9[%swap3A_657, %swap3A_658] {strides = array<i32>} : memref<64x128xf32, #tpu.memory_space<vmem>>, vector<16xf32>,
    tpu.vector_store %arg9[%swap3A_657, %swap3A_658], %broadcast_in_dim3A_155 {strides = array<i32>} : memref<64x128xf32, #tpu.memory_space<vmem>>, vector<16xf32>,
    %swap3A_660 = arith.constant 31 : i32
    %swap3A_661 = arith.index_cast %swap3A_660 : i32 to index
    %swap3A_662 = arith.constant 96 : index
    %swap3A_663 = tpu.vector_load %arg9[%swap3A_661, %swap3A_662] {strides = array<i32>} : memref<64x128xf32, #tpu.memory_space<vmem>>, vector<16xf32>,
    tpu.vector_store %arg9[%swap3A_661, %swap3A_662], %broadcast_in_dim3A_155 {strides = array<i32>} : memref<64x128xf32, #tpu.memory_space<vmem>>, vector<16xf32>,
    %swap3A_664 = arith.constant 31 : i32
    %swap3A_665 = arith.index_cast %swap3A_664 : i32 to index
    %swap3A_666 = arith.constant 112 : index
    %swap3A_667 = tpu.vector_load %arg9[%swap3A_665, %swap3A_666] {strides = array<i32>} : memref<64x128xf32, #tpu.memory_space<vmem>>, vector<16xf32>,
    tpu.vector_store %arg9[%swap3A_665, %swap3A_666], %broadcast_in_dim3A_155 {strides = array<i32>} : memref<64x128xf32, #tpu.memory_space<vmem>>, vector<16xf32>,
    %swap3A_668 = arith.constant 32 : i32
    %swap3A_669 = arith.index_cast %swap3A_668 : i32 to index
    %swap3A_670 = arith.constant 64 : index
    %swap3A_671 = tpu.vector_load %arg9[%swap3A_669, %swap3A_670] {strides = array<i32>} : memref<64x128xf32, #tpu.memory_space<vmem>>, vector<16xf32>,
    tpu.vector_store %arg9[%swap3A_669, %swap3A_670], %broadcast_in_dim3A_155 {strides = array<i32>} : memref<64x128xf32, #tpu.memory_space<vmem>>, vector<16xf32>,
    %swap3A_672 = arith.constant 32 : i32
    %swap3A_673 = arith.index_cast %swap3A_672 : i32 to index
    %swap3A_674 = arith.constant 80 : index
    %swap3A_675 = tpu.vector_load %arg9[%swap3A_673, %swap3A_674] {strides = array<i32>} : memref<64x128xf32, #tpu.memory_space<vmem>>, vector<16xf32>,
    tpu.vector_store %arg9[%swap3A_673, %swap3A_674], %broadcast_in_dim3A_155 {strides = array<i32>} : memref<64x128xf32, #tpu.memory_space<vmem>>, vector<16xf32>,
    %swap3A_676 = arith.constant 32 : i32
    %swap3A_677 = arith.index_cast %swap3A_676 : i32 to index
    %swap3A_678 = arith.constant 96 : index
    %swap3A_679 = tpu.vector_load %arg9[%swap3A_677, %swap3A_678] {strides = array<i32>} : memref<64x128xf32, #tpu.memory_space<vmem>>, vector<16xf32>,
    tpu.vector_store %arg9[%swap3A_677, %swap3A_678], %broadcast_in_dim3A_155 {strides = array<i32>} : memref<64x128xf32, #tpu.memory_space<vmem>>, vector<16xf32>,
    %swap3A_680 = arith.constant 32 : i32
    %swap3A_681 = arith.index_cast %swap3A_680 : i32 to index
    %swap3A_682 = arith.constant 112 : index
    %swap3A_683 = tpu.vector_load %arg9[%swap3A_681, %swap3A_682] {strides = array<i32>} : memref<64x128xf32, #tpu.memory_space<vmem>>, vector<16xf32>,
    tpu.vector_store %arg9[%swap3A_681, %swap3A_682], %broadcast_in_dim3A_155 {strides = array<i32>} : memref<64x128xf32, #tpu.memory_space<vmem>>, vector<16xf32>,
    %swap3A_684 = arith.constant 33 : i32
    %swap3A_685 = arith.index_cast %swap3A_684 : i32 to index
    %swap3A_686 = arith.constant 64 : index
    %swap3A_687 = tpu.vector_load %arg9[%swap3A_685, %swap3A_686] {strides = array<i32>} : memref<64x128xf32, #tpu.memory_space<vmem>>, vector<16xf32>,
    tpu.vector_store %arg9[%swap3A_685, %swap3A_686], %broadcast_in_dim3A_155 {strides = array<i32>} : memref<64x128xf32, #tpu.memory_space<vmem>>, vector<16xf32>,
    %swap3A_688 = arith.constant 33 : i32
    %swap3A_689 = arith.index_cast %swap3A_688 : i32 to index
    %swap3A_690 = arith.constant 80 : index
    %swap3A_691 = tpu.vector_load %arg9[%swap3A_689, %swap3A_690] {strides = array<i32>} : memref<64x128xf32, #tpu.memory_space<vmem>>, vector<16xf32>,
    tpu.vector_store %arg9[%swap3A_689, %swap3A_690], %broadcast_in_dim3A_155 {strides = array<i32>} : memref<64x128xf32, #tpu.memory_space<vmem>>, vector<16xf32>,
    %swap3A_692 = arith.constant 33 : i32
    %swap3A_693 = arith.index_cast %swap3A_692 : i32 to index
    %swap3A_694 = arith.constant 96 : index
    %swap3A_695 = tpu.vector_load %arg9[%swap3A_693, %swap3A_694] {strides = array<i32>} : memref<64x128xf32, #tpu.memory_space<vmem>>, vector<16xf32>,
    tpu.vector_store %arg9[%swap3A_693, %swap3A_694], %broadcast_in_dim3A_155 {strides = array<i32>} : memref<64x128xf32, #tpu.memory_space<vmem>>, vector<16xf32>,
    %swap3A_696 = arith.constant 33 : i32
    %swap3A_697 = arith.index_cast %swap3A_696 : i32 to index
    %swap3A_698 = arith.constant 112 : index
    %swap3A_699 = tpu.vector_load %arg9[%swap3A_697, %swap3A_698] {strides = array<i32>} : memref<64x128xf32, #tpu.memory_space<vmem>>, vector<16xf32>,
    tpu.vector_store %arg9[%swap3A_697, %swap3A_698], %broadcast_in_dim3A_155 {strides = array<i32>} : memref<64x128xf32, #tpu.memory_space<vmem>>, vector<16xf32>,
    %swap3A_700 = arith.constant 34 : i32
    %swap3A_701 = arith.index_cast %swap3A_700 : i32 to index
    %swap3A_702 = arith.constant 64 : index
    %swap3A_703 = tpu.vector_load %arg9[%swap3A_701, %swap3A_702] {strides = array<i32>} : memref<64x128xf32, #tpu.memory_space<vmem>>, vector<16xf32>,
    tpu.vector_store %arg9[%swap3A_701, %swap3A_702], %broadcast_in_dim3A_155 {strides = array<i32>} : memref<64x128xf32, #tpu.memory_space<vmem>>, vector<16xf32>,
    %swap3A_704 = arith.constant 34 : i32
    %swap3A_705 = arith.index_cast %swap3A_704 : i32 to index
    %swap3A_706 = arith.constant 80 : index
    %swap3A_707 = tpu.vector_load %arg9[%swap3A_705, %swap3A_706] {strides = array<i32>} : memref<64x128xf32, #tpu.memory_space<vmem>>, vector<16xf32>,
    tpu.vector_store %arg9[%swap3A_705, %swap3A_706], %broadcast_in_dim3A_155 {strides = array<i32>} : memref<64x128xf32, #tpu.memory_space<vmem>>, vector<16xf32>,
    %swap3A_708 = arith.constant 34 : i32
    %swap3A_709 = arith.index_cast %swap3A_708 : i32 to index
    %swap3A_710 = arith.constant 96 : index
    %swap3A_711 = tpu.vector_load %arg9[%swap3A_709, %swap3A_710] {strides = array<i32>} : memref<64x128xf32, #tpu.memory_space<vmem>>, vector<16xf32>,
    tpu.vector_store %arg9[%swap3A_709, %swap3A_710], %broadcast_in_dim3A_155 {strides = array<i32>} : memref<64x128xf32, #tpu.memory_space<vmem>>, vector<16xf32>,
    %swap3A_712 = arith.constant 34 : i32
    %swap3A_713 = arith.index_cast %swap3A_712 : i32 to index
    %swap3A_714 = arith.constant 112 : index
    %swap3A_715 = tpu.vector_load %arg9[%swap3A_713, %swap3A_714] {strides = array<i32>} : memref<64x128xf32, #tpu.memory_space<vmem>>, vector<16xf32>,
    tpu.vector_store %arg9[%swap3A_713, %swap3A_714], %broadcast_in_dim3A_155 {strides = array<i32>} : memref<64x128xf32, #tpu.memory_space<vmem>>, vector<16xf32>,
    %swap3A_716 = arith.constant 35 : i32
    %swap3A_717 = arith.index_cast %swap3A_716 : i32 to index
    %swap3A_718 = arith.constant 64 : index
    %swap3A_719 = tpu.vector_load %arg9[%swap3A_717, %swap3A_718] {strides = array<i32>} : memref<64x128xf32, #tpu.memory_space<vmem>>, vector<16xf32>,
    tpu.vector_store %arg9[%swap3A_717, %swap3A_718], %broadcast_in_dim3A_155 {strides = array<i32>} : memref<64x128xf32, #tpu.memory_space<vmem>>, vector<16xf32>,
    %swap3A_720 = arith.constant 35 : i32
    %swap3A_721 = arith.index_cast %swap3A_720 : i32 to index
    %swap3A_722 = arith.constant 80 : index
    %swap3A_723 = tpu.vector_load %arg9[%swap3A_721, %swap3A_722] {strides = array<i32>} : memref<64x128xf32, #tpu.memory_space<vmem>>, vector<16xf32>,
    tpu.vector_store %arg9[%swap3A_721, %swap3A_722], %broadcast_in_dim3A_155 {strides = array<i32>} : memref<64x128xf32, #tpu.memory_space<vmem>>, vector<16xf32>,
    %swap3A_724 = arith.constant 35 : i32
    %swap3A_725 = arith.index_cast %swap3A_724 : i32 to index
    %swap3A_726 = arith.constant 96 : index
    %swap3A_727 = tpu.vector_load %arg9[%swap3A_725, %swap3A_726] {strides = array<i32>} : memref<64x128xf32, #tpu.memory_space<vmem>>, vector<16xf32>,
    tpu.vector_store %arg9[%swap3A_725, %swap3A_726], %broadcast_in_dim3A_155 {strides = array<i32>} : memref<64x128xf32, #tpu.memory_space<vmem>>, vector<16xf32>,
    %swap3A_728 = arith.constant 35 : i32
    %swap3A_729 = arith.index_cast %swap3A_728 : i32 to index
    %swap3A_730 = arith.constant 112 : index
    %swap3A_731 = tpu.vector_load %arg9[%swap3A_729, %swap3A_730] {strides = array<i32>} : memref<64x128xf32, #tpu.memory_space<vmem>>, vector<16xf32>,
    tpu.vector_store %arg9[%swap3A_729, %swap3A_730], %broadcast_in_dim3A_155 {strides = array<i32>} : memref<64x128xf32, #tpu.memory_space<vmem>>, vector<16xf32>,
    %swap3A_732 = arith.constant 36 : i32
    %swap3A_733 = arith.index_cast %swap3A_732 : i32 to index
    %swap3A_734 = arith.constant 64 : index
    %swap3A_735 = tpu.vector_load %arg9[%swap3A_733, %swap3A_734] {strides = array<i32>} : memref<64x128xf32, #tpu.memory_space<vmem>>, vector<16xf32>,
    tpu.vector_store %arg9[%swap3A_733, %swap3A_734], %broadcast_in_dim3A_155 {strides = array<i32>} : memref<64x128xf32, #tpu.memory_space<vmem>>, vector<16xf32>,
    %swap3A_736 = arith.constant 36 : i32
    %swap3A_737 = arith.index_cast %swap3A_736 : i32 to index
    %swap3A_738 = arith.constant 80 : index
    %swap3A_739 = tpu.vector_load %arg9[%swap3A_737, %swap3A_738] {strides = array<i32>} : memref<64x128xf32, #tpu.memory_space<vmem>>, vector<16xf32>,
    tpu.vector_store %arg9[%swap3A_737, %swap3A_738], %broadcast_in_dim3A_155 {strides = array<i32>} : memref<64x128xf32, #tpu.memory_space<vmem>>, vector<16xf32>,
    %swap3A_740 = arith.constant 36 : i32
    %swap3A_741 = arith.index_cast %swap3A_740 : i32 to index
    %swap3A_742 = arith.constant 96 : index
    %swap3A_743 = tpu.vector_load %arg9[%swap3A_741, %swap3A_742] {strides = array<i32>} : memref<64x128xf32, #tpu.memory_space<vmem>>, vector<16xf32>,
    tpu.vector_store %arg9[%swap3A_741, %swap3A_742], %broadcast_in_dim3A_155 {strides = array<i32>} : memref<64x128xf32, #tpu.memory_space<vmem>>, vector<16xf32>,
    %swap3A_744 = arith.constant 36 : i32
    %swap3A_745 = arith.index_cast %swap3A_744 : i32 to index
    %swap3A_746 = arith.constant 112 : index
    %swap3A_747 = tpu.vector_load %arg9[%swap3A_745, %swap3A_746] {strides = array<i32>} : memref<64x128xf32, #tpu.memory_space<vmem>>, vector<16xf32>,
    tpu.vector_store %arg9[%swap3A_745, %swap3A_746], %broadcast_in_dim3A_155 {strides = array<i32>} : memref<64x128xf32, #tpu.memory_space<vmem>>, vector<16xf32>,
    %swap3A_748 = arith.constant 37 : i32
    %swap3A_749 = arith.index_cast %swap3A_748 : i32 to index
    %swap3A_750 = arith.constant 64 : index
    %swap3A_751 = tpu.vector_load %arg9[%swap3A_749, %swap3A_750] {strides = array<i32>} : memref<64x128xf32, #tpu.memory_space<vmem>>, vector<16xf32>,
    tpu.vector_store %arg9[%swap3A_749, %swap3A_750], %broadcast_in_dim3A_155 {strides = array<i32>} : memref<64x128xf32, #tpu.memory_space<vmem>>, vector<16xf32>,
    %swap3A_752 = arith.constant 37 : i32
    %swap3A_753 = arith.index_cast %swap3A_752 : i32 to index
    %swap3A_754 = arith.constant 80 : index
    %swap3A_755 = tpu.vector_load %arg9[%swap3A_753, %swap3A_754] {strides = array<i32>} : memref<64x128xf32, #tpu.memory_space<vmem>>, vector<16xf32>,
    tpu.vector_store %arg9[%swap3A_753, %swap3A_754], %broadcast_in_dim3A_155 {strides = array<i32>} : memref<64x128xf32, #tpu.memory_space<vmem>>, vector<16xf32>,
    %swap3A_756 = arith.constant 37 : i32
    %swap3A_757 = arith.index_cast %swap3A_756 : i32 to index
    %swap3A_758 = arith.constant 96 : index
    %swap3A_759 = tpu.vector_load %arg9[%swap3A_757, %swap3A_758] {strides = array<i32>} : memref<64x128xf32, #tpu.memory_space<vmem>>, vector<16xf32>,
    tpu.vector_store %arg9[%swap3A_757, %swap3A_758], %broadcast_in_dim3A_155 {strides = array<i32>} : memref<64x128xf32, #tpu.memory_space<vmem>>, vector<16xf32>,
    %swap3A_760 = arith.constant 37 : i32
    %swap3A_761 = arith.index_cast %swap3A_760 : i32 to index
    %swap3A_762 = arith.constant 112 : index
    %swap3A_763 = tpu.vector_load %arg9[%swap3A_761, %swap3A_762] {strides = array<i32>} : memref<64x128xf32, #tpu.memory_space<vmem>>, vector<16xf32>,
    tpu.vector_store %arg9[%swap3A_761, %swap3A_762], %broadcast_in_dim3A_155 {strides = array<i32>} : memref<64x128xf32, #tpu.memory_space<vmem>>, vector<16xf32>,
    %swap3A_764 = arith.constant 38 : i32
    %swap3A_765 = arith.index_cast %swap3A_764 : i32 to index
    %swap3A_766 = arith.constant 64 : index
    %swap3A_767 = tpu.vector_load %arg9[%swap3A_765, %swap3A_766] {strides = array<i32>} : memref<64x128xf32, #tpu.memory_space<vmem>>, vector<16xf32>,
    tpu.vector_store %arg9[%swap3A_765, %swap3A_766], %broadcast_in_dim3A_155 {strides = array<i32>} : memref<64x128xf32, #tpu.memory_space<vmem>>, vector<16xf32>,
    %swap3A_768 = arith.constant 38 : i32
    %swap3A_769 = arith.index_cast %swap3A_768 : i32 to index
    %swap3A_770 = arith.constant 80 : index
    %swap3A_771 = tpu.vector_load %arg9[%swap3A_769, %swap3A_770] {strides = array<i32>} : memref<64x128xf32, #tpu.memory_space<vmem>>, vector<16xf32>,
    tpu.vector_store %arg9[%swap3A_769, %swap3A_770], %broadcast_in_dim3A_155 {strides = array<i32>} : memref<64x128xf32, #tpu.memory_space<vmem>>, vector<16xf32>,
    %swap3A_772 = arith.constant 38 : i32
    %swap3A_773 = arith.index_cast %swap3A_772 : i32 to index
    %swap3A_774 = arith.constant 96 : index
    %swap3A_775 = tpu.vector_load %arg9[%swap3A_773, %swap3A_774] {strides = array<i32>} : memref<64x128xf32, #tpu.memory_space<vmem>>, vector<16xf32>,
    tpu.vector_store %arg9[%swap3A_773, %swap3A_774], %broadcast_in_dim3A_155 {strides = array<i32>} : memref<64x128xf32, #tpu.memory_space<vmem>>, vector<16xf32>,
    %swap3A_776 = arith.constant 38 : i32
    %swap3A_777 = arith.index_cast %swap3A_776 : i32 to index
    %swap3A_778 = arith.constant 112 : index
    %swap3A_779 = tpu.vector_load %arg9[%swap3A_777, %swap3A_778] {strides = array<i32>} : memref<64x128xf32, #tpu.memory_space<vmem>>, vector<16xf32>,
    tpu.vector_store %arg9[%swap3A_777, %swap3A_778], %broadcast_in_dim3A_155 {strides = array<i32>} : memref<64x128xf32, #tpu.memory_space<vmem>>, vector<16xf32>,
    %swap3A_780 = arith.constant 39 : i32
    %swap3A_781 = arith.index_cast %swap3A_780 : i32 to index
    %swap3A_782 = arith.constant 64 : index
    %swap3A_783 = tpu.vector_load %arg9[%swap3A_781, %swap3A_782] {strides = array<i32>} : memref<64x128xf32, #tpu.memory_space<vmem>>, vector<16xf32>,
    tpu.vector_store %arg9[%swap3A_781, %swap3A_782], %broadcast_in_dim3A_155 {strides = array<i32>} : memref<64x128xf32, #tpu.memory_space<vmem>>, vector<16xf32>,
    %swap3A_784 = arith.constant 39 : i32
    %swap3A_785 = arith.index_cast %swap3A_784 : i32 to index
    %swap3A_786 = arith.constant 80 : index
    %swap3A_787 = tpu.vector_load %arg9[%swap3A_785, %swap3A_786] {strides = array<i32>} : memref<64x128xf32, #tpu.memory_space<vmem>>, vector<16xf32>,
    tpu.vector_store %arg9[%swap3A_785, %swap3A_786], %broadcast_in_dim3A_155 {strides = array<i32>} : memref<64x128xf32, #tpu.memory_space<vmem>>, vector<16xf32>,
    %swap3A_788 = arith.constant 39 : i32
    %swap3A_789 = arith.index_cast %swap3A_788 : i32 to index
    %swap3A_790 = arith.constant 96 : index
    %swap3A_791 = tpu.vector_load %arg9[%swap3A_789, %swap3A_790] {strides = array<i32>} : memref<64x128xf32, #tpu.memory_space<vmem>>, vector<16xf32>,
    tpu.vector_store %arg9[%swap3A_789, %swap3A_790], %broadcast_in_dim3A_155 {strides = array<i32>} : memref<64x128xf32, #tpu.memory_space<vmem>>, vector<16xf32>,
    %swap3A_792 = arith.constant 39 : i32
    %swap3A_793 = arith.index_cast %swap3A_792 : i32 to index
    %swap3A_794 = arith.constant 112 : index
    %swap3A_795 = tpu.vector_load %arg9[%swap3A_793, %swap3A_794] {strides = array<i32>} : memref<64x128xf32, #tpu.memory_space<vmem>>, vector<16xf32>,
    tpu.vector_store %arg9[%swap3A_793, %swap3A_794], %broadcast_in_dim3A_155 {strides = array<i32>} : memref<64x128xf32, #tpu.memory_space<vmem>>, vector<16xf32>,
    %swap3A_796 = arith.constant 40 : i32
    %swap3A_797 = arith.index_cast %swap3A_796 : i32 to index
    %swap3A_798 = arith.constant 64 : index
    %swap3A_799 = tpu.vector_load %arg9[%swap3A_797, %swap3A_798] {strides = array<i32>} : memref<64x128xf32, #tpu.memory_space<vmem>>, vector<16xf32>,
    tpu.vector_store %arg9[%swap3A_797, %swap3A_798], %broadcast_in_dim3A_155 {strides = array<i32>} : memref<64x128xf32, #tpu.memory_space<vmem>>, vector<16xf32>,
    %swap3A_800 = arith.constant 40 : i32
    %swap3A_801 = arith.index_cast %swap3A_800 : i32 to index
    %swap3A_802 = arith.constant 80 : index
    %swap3A_803 = tpu.vector_load %arg9[%swap3A_801, %swap3A_802] {strides = array<i32>} : memref<64x128xf32, #tpu.memory_space<vmem>>, vector<16xf32>,
    tpu.vector_store %arg9[%swap3A_801, %swap3A_802], %broadcast_in_dim3A_155 {strides = array<i32>} : memref<64x128xf32, #tpu.memory_space<vmem>>, vector<16xf32>,
    %swap3A_804 = arith.constant 40 : i32
    %swap3A_805 = arith.index_cast %swap3A_804 : i32 to index
    %swap3A_806 = arith.constant 96 : index
    %swap3A_807 = tpu.vector_load %arg9[%swap3A_805, %swap3A_806] {strides = array<i32>} : memref<64x128xf32, #tpu.memory_space<vmem>>, vector<16xf32>,
    tpu.vector_store %arg9[%swap3A_805, %swap3A_806], %broadcast_in_dim3A_155 {strides = array<i32>} : memref<64x128xf32, #tpu.memory_space<vmem>>, vector<16xf32>,
    %swap3A_808 = arith.constant 40 : i32
    %swap3A_809 = arith.index_cast %swap3A_808 : i32 to index
    %swap3A_810 = arith.constant 112 : index
    %swap3A_811 = tpu.vector_load %arg9[%swap3A_809, %swap3A_810] {strides = array<i32>} : memref<64x128xf32, #tpu.memory_space<vmem>>, vector<16xf32>,
    tpu.vector_store %arg9[%swap3A_809, %swap3A_810], %broadcast_in_dim3A_155 {strides = array<i32>} : memref<64x128xf32, #tpu.memory_space<vmem>>, vector<16xf32>,
    %swap3A_812 = arith.constant 41 : i32
    %swap3A_813 = arith.index_cast %swap3A_812 : i32 to index
    %swap3A_814 = arith.constant 64 : index
    %swap3A_815 = tpu.vector_load %arg9[%swap3A_813, %swap3A_814] {strides = array<i32>} : memref<64x128xf32, #tpu.memory_space<vmem>>, vector<16xf32>,
    tpu.vector_store %arg9[%swap3A_813, %swap3A_814], %broadcast_in_dim3A_155 {strides = array<i32>} : memref<64x128xf32, #tpu.memory_space<vmem>>, vector<16xf32>,
    %swap3A_816 = arith.constant 41 : i32
    %swap3A_817 = arith.index_cast %swap3A_816 : i32 to index
    %swap3A_818 = arith.constant 80 : index
    %swap3A_819 = tpu.vector_load %arg9[%swap3A_817, %swap3A_818] {strides = array<i32>} : memref<64x128xf32, #tpu.memory_space<vmem>>, vector<16xf32>,
    tpu.vector_store %arg9[%swap3A_817, %swap3A_818], %broadcast_in_dim3A_155 {strides = array<i32>} : memref<64x128xf32, #tpu.memory_space<vmem>>, vector<16xf32>,
    %swap3A_820 = arith.constant 41 : i32
    %swap3A_821 = arith.index_cast %swap3A_820 : i32 to index
    %swap3A_822 = arith.constant 96 : index
    %swap3A_823 = tpu.vector_load %arg9[%swap3A_821, %swap3A_822] {strides = array<i32>} : memref<64x128xf32, #tpu.memory_space<vmem>>, vector<16xf32>,
    tpu.vector_store %arg9[%swap3A_821, %swap3A_822], %broadcast_in_dim3A_155 {strides = array<i32>} : memref<64x128xf32, #tpu.memory_space<vmem>>, vector<16xf32>,
    %swap3A_824 = arith.constant 41 : i32
    %swap3A_825 = arith.index_cast %swap3A_824 : i32 to index
    %swap3A_826 = arith.constant 112 : index
    %swap3A_827 = tpu.vector_load %arg9[%swap3A_825, %swap3A_826] {strides = array<i32>} : memref<64x128xf32, #tpu.memory_space<vmem>>, vector<16xf32>,
    tpu.vector_store %arg9[%swap3A_825, %swap3A_826], %broadcast_in_dim3A_155 {strides = array<i32>} : memref<64x128xf32, #tpu.memory_space<vmem>>, vector<16xf32>,
    %swap3A_828 = arith.constant 42 : i32
    %swap3A_829 = arith.index_cast %swap3A_828 : i32 to index
    %swap3A_830 = arith.constant 64 : index
    %swap3A_831 = tpu.vector_load %arg9[%swap3A_829, %swap3A_830] {strides = array<i32>} : memref<64x128xf32, #tpu.memory_space<vmem>>, vector<16xf32>,
    tpu.vector_store %arg9[%swap3A_829, %swap3A_830], %broadcast_in_dim3A_155 {strides = array<i32>} : memref<64x128xf32, #tpu.memory_space<vmem>>, vector<16xf32>,
    %swap3A_832 = arith.constant 42 : i32
    %swap3A_833 = arith.index_cast %swap3A_832 : i32 to index
    %swap3A_834 = arith.constant 80 : index
    %swap3A_835 = tpu.vector_load %arg9[%swap3A_833, %swap3A_834] {strides = array<i32>} : memref<64x128xf32, #tpu.memory_space<vmem>>, vector<16xf32>,
    tpu.vector_store %arg9[%swap3A_833, %swap3A_834], %broadcast_in_dim3A_155 {strides = array<i32>} : memref<64x128xf32, #tpu.memory_space<vmem>>, vector<16xf32>,
    %swap3A_836 = arith.constant 42 : i32
    %swap3A_837 = arith.index_cast %swap3A_836 : i32 to index
    %swap3A_838 = arith.constant 96 : index
    %swap3A_839 = tpu.vector_load %arg9[%swap3A_837, %swap3A_838] {strides = array<i32>} : memref<64x128xf32, #tpu.memory_space<vmem>>, vector<16xf32>,
    tpu.vector_store %arg9[%swap3A_837, %swap3A_838], %broadcast_in_dim3A_155 {strides = array<i32>} : memref<64x128xf32, #tpu.memory_space<vmem>>, vector<16xf32>,
    %swap3A_840 = arith.constant 42 : i32
    %swap3A_841 = arith.index_cast %swap3A_840 : i32 to index
    %swap3A_842 = arith.constant 112 : index
    %swap3A_843 = tpu.vector_load %arg9[%swap3A_841, %swap3A_842] {strides = array<i32>} : memref<64x128xf32, #tpu.memory_space<vmem>>, vector<16xf32>,
    tpu.vector_store %arg9[%swap3A_841, %swap3A_842], %broadcast_in_dim3A_155 {strides = array<i32>} : memref<64x128xf32, #tpu.memory_space<vmem>>, vector<16xf32>,
    %swap3A_844 = arith.constant 43 : i32
    %swap3A_845 = arith.index_cast %swap3A_844 : i32 to index
    %swap3A_846 = arith.constant 64 : index
    %swap3A_847 = tpu.vector_load %arg9[%swap3A_845, %swap3A_846] {strides = array<i32>} : memref<64x128xf32, #tpu.memory_space<vmem>>, vector<16xf32>,
    tpu.vector_store %arg9[%swap3A_845, %swap3A_846], %broadcast_in_dim3A_155 {strides = array<i32>} : memref<64x128xf32, #tpu.memory_space<vmem>>, vector<16xf32>,
    %swap3A_848 = arith.constant 43 : i32
    %swap3A_849 = arith.index_cast %swap3A_848 : i32 to index
    %swap3A_850 = arith.constant 80 : index
    %swap3A_851 = tpu.vector_load %arg9[%swap3A_849, %swap3A_850] {strides = array<i32>} : memref<64x128xf32, #tpu.memory_space<vmem>>, vector<16xf32>,
    tpu.vector_store %arg9[%swap3A_849, %swap3A_850], %broadcast_in_dim3A_155 {strides = array<i32>} : memref<64x128xf32, #tpu.memory_space<vmem>>, vector<16xf32>,
    %swap3A_852 = arith.constant 43 : i32
    %swap3A_853 = arith.index_cast %swap3A_852 : i32 to index
    %swap3A_854 = arith.constant 96 : index
    %swap3A_855 = tpu.vector_load %arg9[%swap3A_853, %swap3A_854] {strides = array<i32>} : memref<64x128xf32, #tpu.memory_space<vmem>>, vector<16xf32>,
    tpu.vector_store %arg9[%swap3A_853, %swap3A_854], %broadcast_in_dim3A_155 {strides = array<i32>} : memref<64x128xf32, #tpu.memory_space<vmem>>, vector<16xf32>,
    %swap3A_856 = arith.constant 43 : i32
    %swap3A_857 = arith.index_cast %swap3A_856 : i32 to index
    %swap3A_858 = arith.constant 112 : index
    %swap3A_859 = tpu.vector_load %arg9[%swap3A_857, %swap3A_858] {strides = array<i32>} : memref<64x128xf32, #tpu.memory_space<vmem>>, vector<16xf32>,
    tpu.vector_store %arg9[%swap3A_857, %swap3A_858], %broadcast_in_dim3A_155 {strides = array<i32>} : memref<64x128xf32, #tpu.memory_space<vmem>>, vector<16xf32>,
    %swap3A_860 = arith.constant 44 : i32
    %swap3A_861 = arith.index_cast %swap3A_860 : i32 to index
    %swap3A_862 = arith.constant 64 : index
    %swap3A_863 = tpu.vector_load %arg9[%swap3A_861, %swap3A_862] {strides = array<i32>} : memref<64x128xf32, #tpu.memory_space<vmem>>, vector<16xf32>,
    tpu.vector_store %arg9[%swap3A_861, %swap3A_862], %broadcast_in_dim3A_155 {strides = array<i32>} : memref<64x128xf32, #tpu.memory_space<vmem>>, vector<16xf32>,
    %swap3A_864 = arith.constant 44 : i32
    %swap3A_865 = arith.index_cast %swap3A_864 : i32 to index
    %swap3A_866 = arith.constant 80 : index
    %swap3A_867 = tpu.vector_load %arg9[%swap3A_865, %swap3A_866] {strides = array<i32>} : memref<64x128xf32, #tpu.memory_space<vmem>>, vector<16xf32>,
    tpu.vector_store %arg9[%swap3A_865, %swap3A_866], %broadcast_in_dim3A_155 {strides = array<i32>} : memref<64x128xf32, #tpu.memory_space<vmem>>, vector<16xf32>,
    %swap3A_868 = arith.constant 44 : i32
    %swap3A_869 = arith.index_cast %swap3A_868 : i32 to index
    %swap3A_870 = arith.constant 96 : index
    %swap3A_871 = tpu.vector_load %arg9[%swap3A_869, %swap3A_870] {strides = array<i32>} : memref<64x128xf32, #tpu.memory_space<vmem>>, vector<16xf32>,
    tpu.vector_store %arg9[%swap3A_869, %swap3A_870], %broadcast_in_dim3A_155 {strides = array<i32>} : memref<64x128xf32, #tpu.memory_space<vmem>>, vector<16xf32>,
    %swap3A_872 = arith.constant 44 : i32
    %swap3A_873 = arith.index_cast %swap3A_872 : i32 to index
    %swap3A_874 = arith.constant 112 : index
    %swap3A_875 = tpu.vector_load %arg9[%swap3A_873, %swap3A_874] {strides = array<i32>} : memref<64x128xf32, #tpu.memory_space<vmem>>, vector<16xf32>,
    tpu.vector_store %arg9[%swap3A_873, %swap3A_874], %broadcast_in_dim3A_155 {strides = array<i32>} : memref<64x128xf32, #tpu.memory_space<vmem>>, vector<16xf32>,
    %swap3A_876 = arith.constant 45 : i32
    %swap3A_877 = arith.index_cast %swap3A_876 : i32 to index
    %swap3A_878 = arith.constant 64 : index
    %swap3A_879 = tpu.vector_load %arg9[%swap3A_877, %swap3A_878] {strides = array<i32>} : memref<64x128xf32, #tpu.memory_space<vmem>>, vector<16xf32>,
    tpu.vector_store %arg9[%swap3A_877, %swap3A_878], %broadcast_in_dim3A_155 {strides = array<i32>} : memref<64x128xf32, #tpu.memory_space<vmem>>, vector<16xf32>,
    %swap3A_880 = arith.constant 45 : i32
    %swap3A_881 = arith.index_cast %swap3A_880 : i32 to index
    %swap3A_882 = arith.constant 80 : index
    %swap3A_883 = tpu.vector_load %arg9[%swap3A_881, %swap3A_882] {strides = array<i32>} : memref<64x128xf32, #tpu.memory_space<vmem>>, vector<16xf32>,
    tpu.vector_store %arg9[%swap3A_881, %swap3A_882], %broadcast_in_dim3A_155 {strides = array<i32>} : memref<64x128xf32, #tpu.memory_space<vmem>>, vector<16xf32>,
    %swap3A_884 = arith.constant 45 : i32
    %swap3A_885 = arith.index_cast %swap3A_884 : i32 to index
    %swap3A_886 = arith.constant 96 : index
    %swap3A_887 = tpu.vector_load %arg9[%swap3A_885, %swap3A_886] {strides = array<i32>} : memref<64x128xf32, #tpu.memory_space<vmem>>, vector<16xf32>,
    tpu.vector_store %arg9[%swap3A_885, %swap3A_886], %broadcast_in_dim3A_155 {strides = array<i32>} : memref<64x128xf32, #tpu.memory_space<vmem>>, vector<16xf32>,
    %swap3A_888 = arith.constant 45 : i32
    %swap3A_889 = arith.index_cast %swap3A_888 : i32 to index
    %swap3A_890 = arith.constant 112 : index
    %swap3A_891 = tpu.vector_load %arg9[%swap3A_889, %swap3A_890] {strides = array<i32>} : memref<64x128xf32, #tpu.memory_space<vmem>>, vector<16xf32>,
    tpu.vector_store %arg9[%swap3A_889, %swap3A_890], %broadcast_in_dim3A_155 {strides = array<i32>} : memref<64x128xf32, #tpu.memory_space<vmem>>, vector<16xf32>,
    %swap3A_892 = arith.constant 46 : i32
    %swap3A_893 = arith.index_cast %swap3A_892 : i32 to index
    %swap3A_894 = arith.constant 64 : index
    %swap3A_895 = tpu.vector_load %arg9[%swap3A_893, %swap3A_894] {strides = array<i32>} : memref<64x128xf32, #tpu.memory_space<vmem>>, vector<16xf32>,
    tpu.vector_store %arg9[%swap3A_893, %swap3A_894], %broadcast_in_dim3A_155 {strides = array<i32>} : memref<64x128xf32, #tpu.memory_space<vmem>>, vector<16xf32>,
    %swap3A_896 = arith.constant 46 : i32
    %swap3A_897 = arith.index_cast %swap3A_896 : i32 to index
    %swap3A_898 = arith.constant 80 : index
    %swap3A_899 = tpu.vector_load %arg9[%swap3A_897, %swap3A_898] {strides = array<i32>} : memref<64x128xf32, #tpu.memory_space<vmem>>, vector<16xf32>,
    tpu.vector_store %arg9[%swap3A_897, %swap3A_898], %broadcast_in_dim3A_155 {strides = array<i32>} : memref<64x128xf32, #tpu.memory_space<vmem>>, vector<16xf32>,
    %swap3A_900 = arith.constant 46 : i32
    %swap3A_901 = arith.index_cast %swap3A_900 : i32 to index
    %swap3A_902 = arith.constant 96 : index
    %swap3A_903 = tpu.vector_load %arg9[%swap3A_901, %swap3A_902] {strides = array<i32>} : memref<64x128xf32, #tpu.memory_space<vmem>>, vector<16xf32>,
    tpu.vector_store %arg9[%swap3A_901, %swap3A_902], %broadcast_in_dim3A_155 {strides = array<i32>} : memref<64x128xf32, #tpu.memory_space<vmem>>, vector<16xf32>,
    %swap3A_904 = arith.constant 46 : i32
    %swap3A_905 = arith.index_cast %swap3A_904 : i32 to index
    %swap3A_906 = arith.constant 112 : index
    %swap3A_907 = tpu.vector_load %arg9[%swap3A_905, %swap3A_906] {strides = array<i32>} : memref<64x128xf32, #tpu.memory_space<vmem>>, vector<16xf32>,
    tpu.vector_store %arg9[%swap3A_905, %swap3A_906], %broadcast_in_dim3A_155 {strides = array<i32>} : memref<64x128xf32, #tpu.memory_space<vmem>>, vector<16xf32>,
    %swap3A_908 = arith.constant 47 : i32
    %swap3A_909 = arith.index_cast %swap3A_908 : i32 to index
    %swap3A_910 = arith.constant 64 : index
    %swap3A_911 = tpu.vector_load %arg9[%swap3A_909, %swap3A_910] {strides = array<i32>} : memref<64x128xf32, #tpu.memory_space<vmem>>, vector<16xf32>,
    tpu.vector_store %arg9[%swap3A_909, %swap3A_910], %broadcast_in_dim3A_155 {strides = array<i32>} : memref<64x128xf32, #tpu.memory_space<vmem>>, vector<16xf32>,
    %swap3A_912 = arith.constant 47 : i32
    %swap3A_913 = arith.index_cast %swap3A_912 : i32 to index
    %swap3A_914 = arith.constant 80 : index
    %swap3A_915 = tpu.vector_load %arg9[%swap3A_913, %swap3A_914] {strides = array<i32>} : memref<64x128xf32, #tpu.memory_space<vmem>>, vector<16xf32>,
    tpu.vector_store %arg9[%swap3A_913, %swap3A_914], %broadcast_in_dim3A_155 {strides = array<i32>} : memref<64x128xf32, #tpu.memory_space<vmem>>, vector<16xf32>,
    %swap3A_916 = arith.constant 47 : i32
    %swap3A_917 = arith.index_cast %swap3A_916 : i32 to index
    %swap3A_918 = arith.constant 96 : index
    %swap3A_919 = tpu.vector_load %arg9[%swap3A_917, %swap3A_918] {strides = array<i32>} : memref<64x128xf32, #tpu.memory_space<vmem>>, vector<16xf32>,
    tpu.vector_store %arg9[%swap3A_917, %swap3A_918], %broadcast_in_dim3A_155 {strides = array<i32>} : memref<64x128xf32, #tpu.memory_space<vmem>>, vector<16xf32>,
    %swap3A_920 = arith.constant 47 : i32
    %swap3A_921 = arith.index_cast %swap3A_920 : i32 to index
    %swap3A_922 = arith.constant 112 : index
    %swap3A_923 = tpu.vector_load %arg9[%swap3A_921, %swap3A_922] {strides = array<i32>} : memref<64x128xf32, #tpu.memory_space<vmem>>, vector<16xf32>,
    tpu.vector_store %arg9[%swap3A_921, %swap3A_922], %broadcast_in_dim3A_155 {strides = array<i32>} : memref<64x128xf32, #tpu.memory_space<vmem>>, vector<16xf32>,
    %swap3A_924 = arith.constant 48 : i32
    %swap3A_925 = arith.index_cast %swap3A_924 : i32 to index
    %swap3A_926 = arith.constant 64 : index
    %swap3A_927 = tpu.vector_load %arg9[%swap3A_925, %swap3A_926] {strides = array<i32>} : memref<64x128xf32, #tpu.memory_space<vmem>>, vector<16xf32>,
    tpu.vector_store %arg9[%swap3A_925, %swap3A_926], %broadcast_in_dim3A_155 {strides = array<i32>} : memref<64x128xf32, #tpu.memory_space<vmem>>, vector<16xf32>,
    %swap3A_928 = arith.constant 48 : i32
    %swap3A_929 = arith.index_cast %swap3A_928 : i32 to index
    %swap3A_930 = arith.constant 80 : index
    %swap3A_931 = tpu.vector_load %arg9[%swap3A_929, %swap3A_930] {strides = array<i32>} : memref<64x128xf32, #tpu.memory_space<vmem>>, vector<16xf32>,
    tpu.vector_store %arg9[%swap3A_929, %swap3A_930], %broadcast_in_dim3A_155 {strides = array<i32>} : memref<64x128xf32, #tpu.memory_space<vmem>>, vector<16xf32>,
    %swap3A_932 = arith.constant 48 : i32
    %swap3A_933 = arith.index_cast %swap3A_932 : i32 to index
    %swap3A_934 = arith.constant 96 : index
    %swap3A_935 = tpu.vector_load %arg9[%swap3A_933, %swap3A_934] {strides = array<i32>} : memref<64x128xf32, #tpu.memory_space<vmem>>, vector<16xf32>,
    tpu.vector_store %arg9[%swap3A_933, %swap3A_934], %broadcast_in_dim3A_155 {strides = array<i32>} : memref<64x128xf32, #tpu.memory_space<vmem>>, vector<16xf32>,
    %swap3A_936 = arith.constant 48 : i32
    %swap3A_937 = arith.index_cast %swap3A_936 : i32 to index
    %swap3A_938 = arith.constant 112 : index
    %swap3A_939 = tpu.vector_load %arg9[%swap3A_937, %swap3A_938] {strides = array<i32>} : memref<64x128xf32, #tpu.memory_space<vmem>>, vector<16xf32>,
    tpu.vector_store %arg9[%swap3A_937, %swap3A_938], %broadcast_in_dim3A_155 {strides = array<i32>} : memref<64x128xf32, #tpu.memory_space<vmem>>, vector<16xf32>,
    %swap3A_940 = arith.constant 49 : i32
    %swap3A_941 = arith.index_cast %swap3A_940 : i32 to index
    %swap3A_942 = arith.constant 64 : index
    %swap3A_943 = tpu.vector_load %arg9[%swap3A_941, %swap3A_942] {strides = array<i32>} : memref<64x128xf32, #tpu.memory_space<vmem>>, vector<16xf32>,
    tpu.vector_store %arg9[%swap3A_941, %swap3A_942], %broadcast_in_dim3A_155 {strides = array<i32>} : memref<64x128xf32, #tpu.memory_space<vmem>>, vector<16xf32>,
    %swap3A_944 = arith.constant 49 : i32
    %swap3A_945 = arith.index_cast %swap3A_944 : i32 to index
    %swap3A_946 = arith.constant 80 : index
    %swap3A_947 = tpu.vector_load %arg9[%swap3A_945, %swap3A_946] {strides = array<i32>} : memref<64x128xf32, #tpu.memory_space<vmem>>, vector<16xf32>,
    tpu.vector_store %arg9[%swap3A_945, %swap3A_946], %broadcast_in_dim3A_155 {strides = array<i32>} : memref<64x128xf32, #tpu.memory_space<vmem>>, vector<16xf32>,
    %swap3A_948 = arith.constant 49 : i32
    %swap3A_949 = arith.index_cast %swap3A_948 : i32 to index
    %swap3A_950 = arith.constant 96 : index
    %swap3A_951 = tpu.vector_load %arg9[%swap3A_949, %swap3A_950] {strides = array<i32>} : memref<64x128xf32, #tpu.memory_space<vmem>>, vector<16xf32>,
    tpu.vector_store %arg9[%swap3A_949, %swap3A_950], %broadcast_in_dim3A_155 {strides = array<i32>} : memref<64x128xf32, #tpu.memory_space<vmem>>, vector<16xf32>,
    %swap3A_952 = arith.constant 49 : i32
    %swap3A_953 = arith.index_cast %swap3A_952 : i32 to index
    %swap3A_954 = arith.constant 112 : index
    %swap3A_955 = tpu.vector_load %arg9[%swap3A_953, %swap3A_954] {strides = array<i32>} : memref<64x128xf32, #tpu.memory_space<vmem>>, vector<16xf32>,
    tpu.vector_store %arg9[%swap3A_953, %swap3A_954], %broadcast_in_dim3A_155 {strides = array<i32>} : memref<64x128xf32, #tpu.memory_space<vmem>>, vector<16xf32>,
    %swap3A_956 = arith.constant 50 : i32
    %swap3A_957 = arith.index_cast %swap3A_956 : i32 to index
    %swap3A_958 = arith.constant 64 : index
    %swap3A_959 = tpu.vector_load %arg9[%swap3A_957, %swap3A_958] {strides = array<i32>} : memref<64x128xf32, #tpu.memory_space<vmem>>, vector<16xf32>,
    tpu.vector_store %arg9[%swap3A_957, %swap3A_958], %broadcast_in_dim3A_155 {strides = array<i32>} : memref<64x128xf32, #tpu.memory_space<vmem>>, vector<16xf32>,
    %swap3A_960 = arith.constant 50 : i32
    %swap3A_961 = arith.index_cast %swap3A_960 : i32 to index
    %swap3A_962 = arith.constant 80 : index
    %swap3A_963 = tpu.vector_load %arg9[%swap3A_961, %swap3A_962] {strides = array<i32>} : memref<64x128xf32, #tpu.memory_space<vmem>>, vector<16xf32>,
    tpu.vector_store %arg9[%swap3A_961, %swap3A_962], %broadcast_in_dim3A_155 {strides = array<i32>} : memref<64x128xf32, #tpu.memory_space<vmem>>, vector<16xf32>,
    %swap3A_964 = arith.constant 50 : i32
    %swap3A_965 = arith.index_cast %swap3A_964 : i32 to index
    %swap3A_966 = arith.constant 96 : index
    %swap3A_967 = tpu.vector_load %arg9[%swap3A_965, %swap3A_966] {strides = array<i32>} : memref<64x128xf32, #tpu.memory_space<vmem>>, vector<16xf32>,
    tpu.vector_store %arg9[%swap3A_965, %swap3A_966], %broadcast_in_dim3A_155 {strides = array<i32>} : memref<64x128xf32, #tpu.memory_space<vmem>>, vector<16xf32>,
    %swap3A_968 = arith.constant 50 : i32
    %swap3A_969 = arith.index_cast %swap3A_968 : i32 to index
    %swap3A_970 = arith.constant 112 : index
    %swap3A_971 = tpu.vector_load %arg9[%swap3A_969, %swap3A_970] {strides = array<i32>} : memref<64x128xf32, #tpu.memory_space<vmem>>, vector<16xf32>,
    tpu.vector_store %arg9[%swap3A_969, %swap3A_970], %broadcast_in_dim3A_155 {strides = array<i32>} : memref<64x128xf32, #tpu.memory_space<vmem>>, vector<16xf32>,
    %swap3A_972 = arith.constant 51 : i32
    %swap3A_973 = arith.index_cast %swap3A_972 : i32 to index
    %swap3A_974 = arith.constant 64 : index
    %swap3A_975 = tpu.vector_load %arg9[%swap3A_973, %swap3A_974] {strides = array<i32>} : memref<64x128xf32, #tpu.memory_space<vmem>>, vector<16xf32>,
    tpu.vector_store %arg9[%swap3A_973, %swap3A_974], %broadcast_in_dim3A_155 {strides = array<i32>} : memref<64x128xf32, #tpu.memory_space<vmem>>, vector<16xf32>,
    %swap3A_976 = arith.constant 51 : i32
    %swap3A_977 = arith.index_cast %swap3A_976 : i32 to index
    %swap3A_978 = arith.constant 80 : index
    %swap3A_979 = tpu.vector_load %arg9[%swap3A_977, %swap3A_978] {strides = array<i32>} : memref<64x128xf32, #tpu.memory_space<vmem>>, vector<16xf32>,
    tpu.vector_store %arg9[%swap3A_977, %swap3A_978], %broadcast_in_dim3A_155 {strides = array<i32>} : memref<64x128xf32, #tpu.memory_space<vmem>>, vector<16xf32>,
    %swap3A_980 = arith.constant 51 : i32
    %swap3A_981 = arith.index_cast %swap3A_980 : i32 to index
    %swap3A_982 = arith.constant 96 : index
    %swap3A_983 = tpu.vector_load %arg9[%swap3A_981, %swap3A_982] {strides = array<i32>} : memref<64x128xf32, #tpu.memory_space<vmem>>, vector<16xf32>,
    tpu.vector_store %arg9[%swap3A_981, %swap3A_982], %broadcast_in_dim3A_155 {strides = array<i32>} : memref<64x128xf32, #tpu.memory_space<vmem>>, vector<16xf32>,
    %swap3A_984 = arith.constant 51 : i32
    %swap3A_985 = arith.index_cast %swap3A_984 : i32 to index
    %swap3A_986 = arith.constant 112 : index
    %swap3A_987 = tpu.vector_load %arg9[%swap3A_985, %swap3A_986] {strides = array<i32>} : memref<64x128xf32, #tpu.memory_space<vmem>>, vector<16xf32>,
    tpu.vector_store %arg9[%swap3A_985, %swap3A_986], %broadcast_in_dim3A_155 {strides = array<i32>} : memref<64x128xf32, #tpu.memory_space<vmem>>, vector<16xf32>,
    %swap3A_988 = arith.constant 52 : i32
    %swap3A_989 = arith.index_cast %swap3A_988 : i32 to index
    %swap3A_990 = arith.constant 64 : index
    %swap3A_991 = tpu.vector_load %arg9[%swap3A_989, %swap3A_990] {strides = array<i32>} : memref<64x128xf32, #tpu.memory_space<vmem>>, vector<16xf32>,
    tpu.vector_store %arg9[%swap3A_989, %swap3A_990], %broadcast_in_dim3A_155 {strides = array<i32>} : memref<64x128xf32, #tpu.memory_space<vmem>>, vector<16xf32>,
    %swap3A_992 = arith.constant 52 : i32
    %swap3A_993 = arith.index_cast %swap3A_992 : i32 to index
    %swap3A_994 = arith.constant 80 : index
    %swap3A_995 = tpu.vector_load %arg9[%swap3A_993, %swap3A_994] {strides = array<i32>} : memref<64x128xf32, #tpu.memory_space<vmem>>, vector<16xf32>,
    tpu.vector_store %arg9[%swap3A_993, %swap3A_994], %broadcast_in_dim3A_155 {strides = array<i32>} : memref<64x128xf32, #tpu.memory_space<vmem>>, vector<16xf32>,
    %swap3A_996 = arith.constant 52 : i32
    %swap3A_997 = arith.index_cast %swap3A_996 : i32 to index
    %swap3A_998 = arith.constant 96 : index
    %swap3A_999 = tpu.vector_load %arg9[%swap3A_997, %swap3A_998] {strides = array<i32>} : memref<64x128xf32, #tpu.memory_space<vmem>>, vector<16xf32>,
    tpu.vector_store %arg9[%swap3A_997, %swap3A_998], %broadcast_in_dim3A_155 {strides = array<i32>} : memref<64x128xf32, #tpu.memory_space<vmem>>, vector<16xf32>,
    %swap3A_1000 = arith.constant 52 : i32
    %swap3A_1001 = arith.index_cast %swap3A_1000 : i32 to index
    %swap3A_1002 = arith.constant 112 : index
    %swap3A_1003 = tpu.vector_load %arg9[%swap3A_1001, %swap3A_1002] {strides = array<i32>} : memref<64x128xf32, #tpu.memory_space<vmem>>, vector<16xf32>,
    tpu.vector_store %arg9[%swap3A_1001, %swap3A_1002], %broadcast_in_dim3A_155 {strides = array<i32>} : memref<64x128xf32, #tpu.memory_space<vmem>>, vector<16xf32>,
    %swap3A_1004 = arith.constant 53 : i32
    %swap3A_1005 = arith.index_cast %swap3A_1004 : i32 to index
    %swap3A_1006 = arith.constant 64 : index
    %swap3A_1007 = tpu.vector_load %arg9[%swap3A_1005, %swap3A_1006] {strides = array<i32>} : memref<64x128xf32, #tpu.memory_space<vmem>>, vector<16xf32>,
    tpu.vector_store %arg9[%swap3A_1005, %swap3A_1006], %broadcast_in_dim3A_155 {strides = array<i32>} : memref<64x128xf32, #tpu.memory_space<vmem>>, vector<16xf32>,
    %swap3A_1008 = arith.constant 53 : i32
    %swap3A_1009 = arith.index_cast %swap3A_1008 : i32 to index
    %swap3A_1010 = arith.constant 80 : index
    %swap3A_1011 = tpu.vector_load %arg9[%swap3A_1009, %swap3A_1010] {strides = array<i32>} : memref<64x128xf32, #tpu.memory_space<vmem>>, vector<16xf32>,
    tpu.vector_store %arg9[%swap3A_1009, %swap3A_1010], %broadcast_in_dim3A_155 {strides = array<i32>} : memref<64x128xf32, #tpu.memory_space<vmem>>, vector<16xf32>,
    %swap3A_1012 = arith.constant 53 : i32
    %swap3A_1013 = arith.index_cast %swap3A_1012 : i32 to index
    %swap3A_1014 = arith.constant 96 : index
    %swap3A_1015 = tpu.vector_load %arg9[%swap3A_1013, %swap3A_1014] {strides = array<i32>} : memref<64x128xf32, #tpu.memory_space<vmem>>, vector<16xf32>,
    tpu.vector_store %arg9[%swap3A_1013, %swap3A_1014], %broadcast_in_dim3A_155 {strides = array<i32>} : memref<64x128xf32, #tpu.memory_space<vmem>>, vector<16xf32>,
    %swap3A_1016 = arith.constant 53 : i32
    %swap3A_1017 = arith.index_cast %swap3A_1016 : i32 to index
    %swap3A_1018 = arith.constant 112 : index
    %swap3A_1019 = tpu.vector_load %arg9[%swap3A_1017, %swap3A_1018] {strides = array<i32>} : memref<64x128xf32, #tpu.memory_space<vmem>>, vector<16xf32>,
    tpu.vector_store %arg9[%swap3A_1017, %swap3A_1018], %broadcast_in_dim3A_155 {strides = array<i32>} : memref<64x128xf32, #tpu.memory_space<vmem>>, vector<16xf32>,
    %swap3A_1020 = arith.constant 54 : i32
    %swap3A_1021 = arith.index_cast %swap3A_1020 : i32 to index
    %swap3A_1022 = arith.constant 64 : index
    %swap3A_1023 = tpu.vector_load %arg9[%swap3A_1021, %swap3A_1022] {strides = array<i32>} : memref<64x128xf32, #tpu.memory_space<vmem>>, vector<16xf32>,
    tpu.vector_store %arg9[%swap3A_1021, %swap3A_1022], %broadcast_in_dim3A_155 {strides = array<i32>} : memref<64x128xf32, #tpu.memory_space<vmem>>, vector<16xf32>,
    %swap3A_1024 = arith.constant 54 : i32
    %swap3A_1025 = arith.index_cast %swap3A_1024 : i32 to index
    %swap3A_1026 = arith.constant 80 : index
    %swap3A_1027 = tpu.vector_load %arg9[%swap3A_1025, %swap3A_1026] {strides = array<i32>} : memref<64x128xf32, #tpu.memory_space<vmem>>, vector<16xf32>,
    tpu.vector_store %arg9[%swap3A_1025, %swap3A_1026], %broadcast_in_dim3A_155 {strides = array<i32>} : memref<64x128xf32, #tpu.memory_space<vmem>>, vector<16xf32>,
    %swap3A_1028 = arith.constant 54 : i32
    %swap3A_1029 = arith.index_cast %swap3A_1028 : i32 to index
    %swap3A_1030 = arith.constant 96 : index
    %swap3A_1031 = tpu.vector_load %arg9[%swap3A_1029, %swap3A_1030] {strides = array<i32>} : memref<64x128xf32, #tpu.memory_space<vmem>>, vector<16xf32>,
    tpu.vector_store %arg9[%swap3A_1029, %swap3A_1030], %broadcast_in_dim3A_155 {strides = array<i32>} : memref<64x128xf32, #tpu.memory_space<vmem>>, vector<16xf32>,
    %swap3A_1032 = arith.constant 54 : i32
    %swap3A_1033 = arith.index_cast %swap3A_1032 : i32 to index
    %swap3A_1034 = arith.constant 112 : index
    %swap3A_1035 = tpu.vector_load %arg9[%swap3A_1033, %swap3A_1034] {strides = array<i32>} : memref<64x128xf32, #tpu.memory_space<vmem>>, vector<16xf32>,
    tpu.vector_store %arg9[%swap3A_1033, %swap3A_1034], %broadcast_in_dim3A_155 {strides = array<i32>} : memref<64x128xf32, #tpu.memory_space<vmem>>, vector<16xf32>,
    %swap3A_1036 = arith.constant 55 : i32
    %swap3A_1037 = arith.index_cast %swap3A_1036 : i32 to index
    %swap3A_1038 = arith.constant 64 : index
    %swap3A_1039 = tpu.vector_load %arg9[%swap3A_1037, %swap3A_1038] {strides = array<i32>} : memref<64x128xf32, #tpu.memory_space<vmem>>, vector<16xf32>,
    tpu.vector_store %arg9[%swap3A_1037, %swap3A_1038], %broadcast_in_dim3A_155 {strides = array<i32>} : memref<64x128xf32, #tpu.memory_space<vmem>>, vector<16xf32>,
    %swap3A_1040 = arith.constant 55 : i32
    %swap3A_1041 = arith.index_cast %swap3A_1040 : i32 to index
    %swap3A_1042 = arith.constant 80 : index
    %swap3A_1043 = tpu.vector_load %arg9[%swap3A_1041, %swap3A_1042] {strides = array<i32>} : memref<64x128xf32, #tpu.memory_space<vmem>>, vector<16xf32>,
    tpu.vector_store %arg9[%swap3A_1041, %swap3A_1042], %broadcast_in_dim3A_155 {strides = array<i32>} : memref<64x128xf32, #tpu.memory_space<vmem>>, vector<16xf32>,
    %swap3A_1044 = arith.constant 55 : i32
    %swap3A_1045 = arith.index_cast %swap3A_1044 : i32 to index
    %swap3A_1046 = arith.constant 96 : index
    %swap3A_1047 = tpu.vector_load %arg9[%swap3A_1045, %swap3A_1046] {strides = array<i32>} : memref<64x128xf32, #tpu.memory_space<vmem>>, vector<16xf32>,
    tpu.vector_store %arg9[%swap3A_1045, %swap3A_1046], %broadcast_in_dim3A_155 {strides = array<i32>} : memref<64x128xf32, #tpu.memory_space<vmem>>, vector<16xf32>,
    %swap3A_1048 = arith.constant 55 : i32
    %swap3A_1049 = arith.index_cast %swap3A_1048 : i32 to index
    %swap3A_1050 = arith.constant 112 : index
    %swap3A_1051 = tpu.vector_load %arg9[%swap3A_1049, %swap3A_1050] {strides = array<i32>} : memref<64x128xf32, #tpu.memory_space<vmem>>, vector<16xf32>,
    tpu.vector_store %arg9[%swap3A_1049, %swap3A_1050], %broadcast_in_dim3A_155 {strides = array<i32>} : memref<64x128xf32, #tpu.memory_space<vmem>>, vector<16xf32>,
    %swap3A_1052 = arith.constant 56 : i32
    %swap3A_1053 = arith.index_cast %swap3A_1052 : i32 to index
    %swap3A_1054 = arith.constant 64 : index
    %swap3A_1055 = tpu.vector_load %arg9[%swap3A_1053, %swap3A_1054] {strides = array<i32>} : memref<64x128xf32, #tpu.memory_space<vmem>>, vector<16xf32>,
    tpu.vector_store %arg9[%swap3A_1053, %swap3A_1054], %broadcast_in_dim3A_155 {strides = array<i32>} : memref<64x128xf32, #tpu.memory_space<vmem>>, vector<16xf32>,
    %swap3A_1056 = arith.constant 56 : i32
    %swap3A_1057 = arith.index_cast %swap3A_1056 : i32 to index
    %swap3A_1058 = arith.constant 80 : index
    %swap3A_1059 = tpu.vector_load %arg9[%swap3A_1057, %swap3A_1058] {strides = array<i32>} : memref<64x128xf32, #tpu.memory_space<vmem>>, vector<16xf32>,
    tpu.vector_store %arg9[%swap3A_1057, %swap3A_1058], %broadcast_in_dim3A_155 {strides = array<i32>} : memref<64x128xf32, #tpu.memory_space<vmem>>, vector<16xf32>,
    %swap3A_1060 = arith.constant 56 : i32
    %swap3A_1061 = arith.index_cast %swap3A_1060 : i32 to index
    %swap3A_1062 = arith.constant 96 : index
    %swap3A_1063 = tpu.vector_load %arg9[%swap3A_1061, %swap3A_1062] {strides = array<i32>} : memref<64x128xf32, #tpu.memory_space<vmem>>, vector<16xf32>,
    tpu.vector_store %arg9[%swap3A_1061, %swap3A_1062], %broadcast_in_dim3A_155 {strides = array<i32>} : memref<64x128xf32, #tpu.memory_space<vmem>>, vector<16xf32>,
    %swap3A_1064 = arith.constant 56 : i32
    %swap3A_1065 = arith.index_cast %swap3A_1064 : i32 to index
    %swap3A_1066 = arith.constant 112 : index
    %swap3A_1067 = tpu.vector_load %arg9[%swap3A_1065, %swap3A_1066] {strides = array<i32>} : memref<64x128xf32, #tpu.memory_space<vmem>>, vector<16xf32>,
    tpu.vector_store %arg9[%swap3A_1065, %swap3A_1066], %broadcast_in_dim3A_155 {strides = array<i32>} : memref<64x128xf32, #tpu.memory_space<vmem>>, vector<16xf32>,
    %swap3A_1068 = arith.constant 57 : i32
    %swap3A_1069 = arith.index_cast %swap3A_1068 : i32 to index
    %swap3A_1070 = arith.constant 64 : index
    %swap3A_1071 = tpu.vector_load %arg9[%swap3A_1069, %swap3A_1070] {strides = array<i32>} : memref<64x128xf32, #tpu.memory_space<vmem>>, vector<16xf32>,
    tpu.vector_store %arg9[%swap3A_1069, %swap3A_1070], %broadcast_in_dim3A_155 {strides = array<i32>} : memref<64x128xf32, #tpu.memory_space<vmem>>, vector<16xf32>,
    %swap3A_1072 = arith.constant 57 : i32
    %swap3A_1073 = arith.index_cast %swap3A_1072 : i32 to index
    %swap3A_1074 = arith.constant 80 : index
    %swap3A_1075 = tpu.vector_load %arg9[%swap3A_1073, %swap3A_1074] {strides = array<i32>} : memref<64x128xf32, #tpu.memory_space<vmem>>, vector<16xf32>,
    tpu.vector_store %arg9[%swap3A_1073, %swap3A_1074], %broadcast_in_dim3A_155 {strides = array<i32>} : memref<64x128xf32, #tpu.memory_space<vmem>>, vector<16xf32>,
    %swap3A_1076 = arith.constant 57 : i32
    %swap3A_1077 = arith.index_cast %swap3A_1076 : i32 to index
    %swap3A_1078 = arith.constant 96 : index
    %swap3A_1079 = tpu.vector_load %arg9[%swap3A_1077, %swap3A_1078] {strides = array<i32>} : memref<64x128xf32, #tpu.memory_space<vmem>>, vector<16xf32>,
    tpu.vector_store %arg9[%swap3A_1077, %swap3A_1078], %broadcast_in_dim3A_155 {strides = array<i32>} : memref<64x128xf32, #tpu.memory_space<vmem>>, vector<16xf32>,
    %swap3A_1080 = arith.constant 57 : i32
    %swap3A_1081 = arith.index_cast %swap3A_1080 : i32 to index
    %swap3A_1082 = arith.constant 112 : index
    %swap3A_1083 = tpu.vector_load %arg9[%swap3A_1081, %swap3A_1082] {strides = array<i32>} : memref<64x128xf32, #tpu.memory_space<vmem>>, vector<16xf32>,
    tpu.vector_store %arg9[%swap3A_1081, %swap3A_1082], %broadcast_in_dim3A_155 {strides = array<i32>} : memref<64x128xf32, #tpu.memory_space<vmem>>, vector<16xf32>,
    %swap3A_1084 = arith.constant 58 : i32
    %swap3A_1085 = arith.index_cast %swap3A_1084 : i32 to index
    %swap3A_1086 = arith.constant 64 : index
    %swap3A_1087 = tpu.vector_load %arg9[%swap3A_1085, %swap3A_1086] {strides = array<i32>} : memref<64x128xf32, #tpu.memory_space<vmem>>, vector<16xf32>,
    tpu.vector_store %arg9[%swap3A_1085, %swap3A_1086], %broadcast_in_dim3A_155 {strides = array<i32>} : memref<64x128xf32, #tpu.memory_space<vmem>>, vector<16xf32>,
    %swap3A_1088 = arith.constant 58 : i32
    %swap3A_1089 = arith.index_cast %swap3A_1088 : i32 to index
    %swap3A_1090 = arith.constant 80 : index
    %swap3A_1091 = tpu.vector_load %arg9[%swap3A_1089, %swap3A_1090] {strides = array<i32>} : memref<64x128xf32, #tpu.memory_space<vmem>>, vector<16xf32>,
    tpu.vector_store %arg9[%swap3A_1089, %swap3A_1090], %broadcast_in_dim3A_155 {strides = array<i32>} : memref<64x128xf32, #tpu.memory_space<vmem>>, vector<16xf32>,
    %swap3A_1092 = arith.constant 58 : i32
    %swap3A_1093 = arith.index_cast %swap3A_1092 : i32 to index
    %swap3A_1094 = arith.constant 96 : index
    %swap3A_1095 = tpu.vector_load %arg9[%swap3A_1093, %swap3A_1094] {strides = array<i32>} : memref<64x128xf32, #tpu.memory_space<vmem>>, vector<16xf32>,
    tpu.vector_store %arg9[%swap3A_1093, %swap3A_1094], %broadcast_in_dim3A_155 {strides = array<i32>} : memref<64x128xf32, #tpu.memory_space<vmem>>, vector<16xf32>,
    %swap3A_1096 = arith.constant 58 : i32
    %swap3A_1097 = arith.index_cast %swap3A_1096 : i32 to index
    %swap3A_1098 = arith.constant 112 : index
    %swap3A_1099 = tpu.vector_load %arg9[%swap3A_1097, %swap3A_1098] {strides = array<i32>} : memref<64x128xf32, #tpu.memory_space<vmem>>, vector<16xf32>,
    tpu.vector_store %arg9[%swap3A_1097, %swap3A_1098], %broadcast_in_dim3A_155 {strides = array<i32>} : memref<64x128xf32, #tpu.memory_space<vmem>>, vector<16xf32>,
    %swap3A_1100 = arith.constant 59 : i32
    %swap3A_1101 = arith.index_cast %swap3A_1100 : i32 to index
    %swap3A_1102 = arith.constant 64 : index
    %swap3A_1103 = tpu.vector_load %arg9[%swap3A_1101, %swap3A_1102] {strides = array<i32>} : memref<64x128xf32, #tpu.memory_space<vmem>>, vector<16xf32>,
    tpu.vector_store %arg9[%swap3A_1101, %swap3A_1102], %broadcast_in_dim3A_155 {strides = array<i32>} : memref<64x128xf32, #tpu.memory_space<vmem>>, vector<16xf32>,
    %swap3A_1104 = arith.constant 59 : i32
    %swap3A_1105 = arith.index_cast %swap3A_1104 : i32 to index
    %swap3A_1106 = arith.constant 80 : index
    %swap3A_1107 = tpu.vector_load %arg9[%swap3A_1105, %swap3A_1106] {strides = array<i32>} : memref<64x128xf32, #tpu.memory_space<vmem>>, vector<16xf32>,
    tpu.vector_store %arg9[%swap3A_1105, %swap3A_1106], %broadcast_in_dim3A_155 {strides = array<i32>} : memref<64x128xf32, #tpu.memory_space<vmem>>, vector<16xf32>,
    %swap3A_1108 = arith.constant 59 : i32
    %swap3A_1109 = arith.index_cast %swap3A_1108 : i32 to index
    %swap3A_1110 = arith.constant 96 : index
    %swap3A_1111 = tpu.vector_load %arg9[%swap3A_1109, %swap3A_1110] {strides = array<i32>} : memref<64x128xf32, #tpu.memory_space<vmem>>, vector<16xf32>,
    tpu.vector_store %arg9[%swap3A_1109, %swap3A_1110], %broadcast_in_dim3A_155 {strides = array<i32>} : memref<64x128xf32, #tpu.memory_space<vmem>>, vector<16xf32>,
    %swap3A_1112 = arith.constant 59 : i32
    %swap3A_1113 = arith.index_cast %swap3A_1112 : i32 to index
    %swap3A_1114 = arith.constant 112 : index
    %swap3A_1115 = tpu.vector_load %arg9[%swap3A_1113, %swap3A_1114] {strides = array<i32>} : memref<64x128xf32, #tpu.memory_space<vmem>>, vector<16xf32>,
    tpu.vector_store %arg9[%swap3A_1113, %swap3A_1114], %broadcast_in_dim3A_155 {strides = array<i32>} : memref<64x128xf32, #tpu.memory_space<vmem>>, vector<16xf32>,
    %swap3A_1116 = arith.constant 60 : i32
    %swap3A_1117 = arith.index_cast %swap3A_1116 : i32 to index
    %swap3A_1118 = arith.constant 64 : index
    %swap3A_1119 = tpu.vector_load %arg9[%swap3A_1117, %swap3A_1118] {strides = array<i32>} : memref<64x128xf32, #tpu.memory_space<vmem>>, vector<16xf32>,
    tpu.vector_store %arg9[%swap3A_1117, %swap3A_1118], %broadcast_in_dim3A_155 {strides = array<i32>} : memref<64x128xf32, #tpu.memory_space<vmem>>, vector<16xf32>,
    %swap3A_1120 = arith.constant 60 : i32
    %swap3A_1121 = arith.index_cast %swap3A_1120 : i32 to index
    %swap3A_1122 = arith.constant 80 : index
    %swap3A_1123 = tpu.vector_load %arg9[%swap3A_1121, %swap3A_1122] {strides = array<i32>} : memref<64x128xf32, #tpu.memory_space<vmem>>, vector<16xf32>,
    tpu.vector_store %arg9[%swap3A_1121, %swap3A_1122], %broadcast_in_dim3A_155 {strides = array<i32>} : memref<64x128xf32, #tpu.memory_space<vmem>>, vector<16xf32>,
    %swap3A_1124 = arith.constant 60 : i32
    %swap3A_1125 = arith.index_cast %swap3A_1124 : i32 to index
    %swap3A_1126 = arith.constant 96 : index
    %swap3A_1127 = tpu.vector_load %arg9[%swap3A_1125, %swap3A_1126] {strides = array<i32>} : memref<64x128xf32, #tpu.memory_space<vmem>>, vector<16xf32>,
    tpu.vector_store %arg9[%swap3A_1125, %swap3A_1126], %broadcast_in_dim3A_155 {strides = array<i32>} : memref<64x128xf32, #tpu.memory_space<vmem>>, vector<16xf32>,
    %swap3A_1128 = arith.constant 60 : i32
    %swap3A_1129 = arith.index_cast %swap3A_1128 : i32 to index
    %swap3A_1130 = arith.constant 112 : index
    %swap3A_1131 = tpu.vector_load %arg9[%swap3A_1129, %swap3A_1130] {strides = array<i32>} : memref<64x128xf32, #tpu.memory_space<vmem>>, vector<16xf32>,
    tpu.vector_store %arg9[%swap3A_1129, %swap3A_1130], %broadcast_in_dim3A_155 {strides = array<i32>} : memref<64x128xf32, #tpu.memory_space<vmem>>, vector<16xf32>,
    %swap3A_1132 = arith.constant 61 : i32
    %swap3A_1133 = arith.index_cast %swap3A_1132 : i32 to index
    %swap3A_1134 = arith.constant 64 : index
    %swap3A_1135 = tpu.vector_load %arg9[%swap3A_1133, %swap3A_1134] {strides = array<i32>} : memref<64x128xf32, #tpu.memory_space<vmem>>, vector<16xf32>,
    tpu.vector_store %arg9[%swap3A_1133, %swap3A_1134], %broadcast_in_dim3A_155 {strides = array<i32>} : memref<64x128xf32, #tpu.memory_space<vmem>>, vector<16xf32>,
    %swap3A_1136 = arith.constant 61 : i32
    %swap3A_1137 = arith.index_cast %swap3A_1136 : i32 to index
    %swap3A_1138 = arith.constant 80 : index
    %swap3A_1139 = tpu.vector_load %arg9[%swap3A_1137, %swap3A_1138] {strides = array<i32>} : memref<64x128xf32, #tpu.memory_space<vmem>>, vector<16xf32>,
    tpu.vector_store %arg9[%swap3A_1137, %swap3A_1138], %broadcast_in_dim3A_155 {strides = array<i32>} : memref<64x128xf32, #tpu.memory_space<vmem>>, vector<16xf32>,
    %swap3A_1140 = arith.constant 61 : i32
    %swap3A_1141 = arith.index_cast %swap3A_1140 : i32 to index
    %swap3A_1142 = arith.constant 96 : index
    %swap3A_1143 = tpu.vector_load %arg9[%swap3A_1141, %swap3A_1142] {strides = array<i32>} : memref<64x128xf32, #tpu.memory_space<vmem>>, vector<16xf32>,
    tpu.vector_store %arg9[%swap3A_1141, %swap3A_1142], %broadcast_in_dim3A_155 {strides = array<i32>} : memref<64x128xf32, #tpu.memory_space<vmem>>, vector<16xf32>,
    %swap3A_1144 = arith.constant 61 : i32
    %swap3A_1145 = arith.index_cast %swap3A_1144 : i32 to index
    %swap3A_1146 = arith.constant 112 : index
    %swap3A_1147 = tpu.vector_load %arg9[%swap3A_1145, %swap3A_1146] {strides = array<i32>} : memref<64x128xf32, #tpu.memory_space<vmem>>, vector<16xf32>,
    tpu.vector_store %arg9[%swap3A_1145, %swap3A_1146], %broadcast_in_dim3A_155 {strides = array<i32>} : memref<64x128xf32, #tpu.memory_space<vmem>>, vector<16xf32>,
    %swap3A_1148 = arith.constant 62 : i32
    %swap3A_1149 = arith.index_cast %swap3A_1148 : i32 to index
    %swap3A_1150 = arith.constant 64 : index
    %swap3A_1151 = tpu.vector_load %arg9[%swap3A_1149, %swap3A_1150] {strides = array<i32>} : memref<64x128xf32, #tpu.memory_space<vmem>>, vector<16xf32>,
    tpu.vector_store %arg9[%swap3A_1149, %swap3A_1150], %broadcast_in_dim3A_155 {strides = array<i32>} : memref<64x128xf32, #tpu.memory_space<vmem>>, vector<16xf32>,
    %swap3A_1152 = arith.constant 62 : i32
    %swap3A_1153 = arith.index_cast %swap3A_1152 : i32 to index
    %swap3A_1154 = arith.constant 80 : index
    %swap3A_1155 = tpu.vector_load %arg9[%swap3A_1153, %swap3A_1154] {strides = array<i32>} : memref<64x128xf32, #tpu.memory_space<vmem>>, vector<16xf32>,
    tpu.vector_store %arg9[%swap3A_1153, %swap3A_1154], %broadcast_in_dim3A_155 {strides = array<i32>} : memref<64x128xf32, #tpu.memory_space<vmem>>, vector<16xf32>,
    %swap3A_1156 = arith.constant 62 : i32
    %swap3A_1157 = arith.index_cast %swap3A_1156 : i32 to index
    %swap3A_1158 = arith.constant 96 : index
    %swap3A_1159 = tpu.vector_load %arg9[%swap3A_1157, %swap3A_1158] {strides = array<i32>} : memref<64x128xf32, #tpu.memory_space<vmem>>, vector<16xf32>,
    tpu.vector_store %arg9[%swap3A_1157, %swap3A_1158], %broadcast_in_dim3A_155 {strides = array<i32>} : memref<64x128xf32, #tpu.memory_space<vmem>>, vector<16xf32>,
    %swap3A_1160 = arith.constant 62 : i32
    %swap3A_1161 = arith.index_cast %swap3A_1160 : i32 to index
    %swap3A_1162 = arith.constant 112 : index
    %swap3A_1163 = tpu.vector_load %arg9[%swap3A_1161, %swap3A_1162] {strides = array<i32>} : memref<64x128xf32, #tpu.memory_space<vmem>>, vector<16xf32>,
    tpu.vector_store %arg9[%swap3A_1161, %swap3A_1162], %broadcast_in_dim3A_155 {strides = array<i32>} : memref<64x128xf32, #tpu.memory_space<vmem>>, vector<16xf32>,
    %swap3A_1164 = arith.constant 63 : i32
    %swap3A_1165 = arith.index_cast %swap3A_1164 : i32 to index
    %swap3A_1166 = arith.constant 64 : index
    %swap3A_1167 = tpu.vector_load %arg9[%swap3A_1165, %swap3A_1166] {strides = array<i32>} : memref<64x128xf32, #tpu.memory_space<vmem>>, vector<16xf32>,
    tpu.vector_store %arg9[%swap3A_1165, %swap3A_1166], %broadcast_in_dim3A_155 {strides = array<i32>} : memref<64x128xf32, #tpu.memory_space<vmem>>, vector<16xf32>,
    %swap3A_1168 = arith.constant 63 : i32
    %swap3A_1169 = arith.index_cast %swap3A_1168 : i32 to index
    %swap3A_1170 = arith.constant 80 : index
    %swap3A_1171 = tpu.vector_load %arg9[%swap3A_1169, %swap3A_1170] {strides = array<i32>} : memref<64x128xf32, #tpu.memory_space<vmem>>, vector<16xf32>,
    tpu.vector_store %arg9[%swap3A_1169, %swap3A_1170], %broadcast_in_dim3A_155 {strides = array<i32>} : memref<64x128xf32, #tpu.memory_space<vmem>>, vector<16xf32>,
    %swap3A_1172 = arith.constant 63 : i32
    %swap3A_1173 = arith.index_cast %swap3A_1172 : i32 to index
    %swap3A_1174 = arith.constant 96 : index
    %swap3A_1175 = tpu.vector_load %arg9[%swap3A_1173, %swap3A_1174] {strides = array<i32>} : memref<64x128xf32, #tpu.memory_space<vmem>>, vector<16xf32>,
    tpu.vector_store %arg9[%swap3A_1173, %swap3A_1174], %broadcast_in_dim3A_155 {strides = array<i32>} : memref<64x128xf32, #tpu.memory_space<vmem>>, vector<16xf32>,
    %swap3A_1176 = arith.constant 63 : i32
    %swap3A_1177 = arith.index_cast %swap3A_1176 : i32 to index
    %swap3A_1178 = arith.constant 112 : index
    %swap3A_1179 = tpu.vector_load %arg9[%swap3A_1177, %swap3A_1178] {strides = array<i32>} : memref<64x128xf32, #tpu.memory_space<vmem>>, vector<16xf32>,
    tpu.vector_store %arg9[%swap3A_1177, %swap3A_1178], %broadcast_in_dim3A_155 {strides = array<i32>} : memref<64x128xf32, #tpu.memory_space<vmem>>, vector<16xf32>,
    %while3A = arith.constant 0 : i32
    %while3A_1180 = arith.constant 0 : i32
    %while3A_1181 = arith.subi %min3A_4, %while3A : i32
    %while3A_1182 = arith.addi %while3A, %while3A_1181 : i32
    %while3A_1183 = arith.constant 1 : i32
    %while3A_1184 = arith.divsi %while3A_1181, %while3A_1183 : i32
    %while3A_1185 = arith.muli %while3A_1184, %while3A_1183 : i32
    %while3A_1186 = arith.addi %while3A, %while3A_1185 : i32
    %while3A_1187 = arith.constant 1 : i32
    %while3A_1188 = scf.for %while3A_1196 = %while3A to %while3A_1186 step %while3A_1187 iter_args(%while3A_1197 = %while3A_1180) -> (i32)  : i32 {
      %and3A_1198 = arith.constant 1 : i32
      %and3A_1199 = arith.andi %while3A_1196, %and3A_1198 : i32
      %dma_wait3A = arith.constant 0 : i32
      %dma_wait3A_1200 = arith.constant 0 : i32
      %dma_wait3A_1201 = tpu.memref_slice %arg8[%and3A_1199, %dma_wait3A, %dma_wait3A_1200] : memref<2x64x512xf32, #tpu.memory_space<vmem>> -> memref<1x64x512xf32, #tpu.memory_space<vmem>>
      %dma_wait3A_1202 = tpu.memref_squeeze %dma_wait3A_1201 : memref<1x64x512xf32, #tpu.memory_space<vmem>> -> memref<64x512xf32, #tpu.memory_space<vmem>>
      %dma_wait3A_1203 = arith.constant 0 : i32
      %dma_wait3A_1204 = arith.constant 0 : i32
      %dma_wait3A_1205 = tpu.memref_slice %arg2[%dma_wait3A_1203, %dma_wait3A_1204] : memref<64x1000000xf32, #tpu.memory_space<hbm>> -> memref<64x512xf32, #tpu.memory_space<hbm>>
      %dma_wait3A_1206 = arith.constant 0 : i32
      %dma_wait3A_1207 = arith.constant 0 : i32
      %dma_wait3A_1208 = tpu.memref_slice %arg8[%and3A_1199, %dma_wait3A_1206, %dma_wait3A_1207] : memref<2x64x512xf32, #tpu.memory_space<vmem>> -> memref<1x64x512xf32, #tpu.memory_space<vmem>>
      %dma_wait3A_1209 = tpu.memref_squeeze %dma_wait3A_1208 : memref<1x64x512xf32, #tpu.memory_space<vmem>> -> memref<64x512xf32, #tpu.memory_space<vmem>>
      %dma_wait3A_1210 = arith.constant 0 : i32
      %dma_wait3A_1211 = arith.constant 0 : i32
      %dma_wait3A_1212 = tpu.memref_slice %arg2[%dma_wait3A_1210, %dma_wait3A_1211] : memref<64x1000000xf32, #tpu.memory_space<hbm>> -> memref<64x512xf32, #tpu.memory_space<hbm>>
      tpu.wait_dma2 semaphore(%arg11 : memref<!tpu.dma_semaphore, #tpu.memory_space<semaphore_mem>>) src(%dma_wait3A_1212 : memref<64x512xf32, #tpu.memory_space<hbm>>) dst(%dma_wait3A_1209 : memref<64x512xf32, #tpu.memory_space<vmem>>)
      %and3A_1213 = arith.constant 1 : i32
      %and3A_1214 = arith.andi %while3A_1196, %and3A_1213 : i32
      %broadcast_in_dim3A_1215 = vector.broadcast %and3A_1214 : i32 to vector<16xi32>
      %add3A_1216 = arith.addi %mul3A_2, %while3A_1196 : i32
      %mul3A_1217 = arith.constant 512 : i32
      %mul3A_1218 = arith.muli %add3A_1216, %mul3A_1217 : i32
      %min3A_1219 = arith.constant 999552 : i32
      %min3A_1220 = arith.minsi %mul3A_1218, %min3A_1219 : i32
      %multiple_of3A_1221 = tpu.assume_multiple %min3A_1220, 128 : i32
      %while3A_1222 = arith.constant 0 : i32
      %while3A_1223 = arith.subi %select_n3A, %while3A_1222 : i32
      %while3A_1224 = arith.addi %while3A_1222, %while3A_1223 : i32
      %while3A_1225 = arith.constant 1 : i32
      %while3A_1226 = arith.divsi %while3A_1223, %while3A_1225 : i32
      %while3A_1227 = arith.muli %while3A_1226, %while3A_1225 : i32
      %while3A_1228 = arith.addi %while3A_1222, %while3A_1227 : i32
      %while3A_1229 = arith.constant 1 : i32
      %while3A_1230 = scf.for %while3A_1238 = %while3A_1222 to %while3A_1228 step %while3A_1229 iter_args(%while3A_1239 = %while3A_1197) -> (i32)  : i32 {
        %mul3A_1240 = arith.constant 16 : i32
        %mul3A_1241 = arith.muli %while3A_1238, %mul3A_1240 : i32
        %get3A = arith.index_cast %mul3A_1241 : i32 to index
        %get3A_1242 = tpu.vector_load %arg6[%get3A] {strides = array<i32>} : memref<16400xi32, #tpu.memory_space<vmem>>, vector<16xi32>,
        %shift_right_logical3A = arith.constant 9 : i32
        %shift_right_logical3A_1243 = vector.broadcast %shift_right_logical3A : i32 to vector<16xi32>
        %shift_right_logical3A_1244 = arith.shrui %get3A_1242, %shift_right_logical3A_1243 : vector<16xi32>
        %add3A_1245 = arith.addi %mul3A_2, %while3A_1196 : i32
        %eq3A = vector.broadcast %add3A_1245 : i32 to vector<16xi32>
        %eq3A_1246 = arith.cmpi eq, %shift_right_logical3A_1244, %eq3A : vector<16xi32>
        %while3A_1247:2 = scf.while (%while3A_1248 = %eq3A_1246, %while3A_1249 = %while3A_1239) : (vector<16xi1>, i32) -> (vector<16xi1>, i32) {
          %all_reduce_population_count3A = tpu.all_reduce %while3A_1248 {dim = 0 : i64, kind = #tpu.reduction_kind<sum>} : vector<16xi1> -> vector<16xi32>
          %slice3A = vector.extract_strided_slice %all_reduce_population_count3A {offsets = [0], sizes = [1], strides = [1]} : vector<16xi32> to vector<1xi32>
          %squeeze3A = vector.extract %slice3A[0] : i32 from vector<1xi32>
          %gt3A = arith.constant 0 : i32
          %gt3A_1250 = arith.cmpi sgt, %squeeze3A, %gt3A : i32
          scf.condition(%gt3A_1250) %while3A_1248, %while3A_1249 : vector<16xi1>, i32
        } do {
        ^bb0(%while3A_1248: vector<16xi1>, %while3A_1249: i32):
          %all_reduce_ffs3A = tpu.all_reduce %while3A_1248 {dim = 0 : i64, kind = #tpu.reduction_kind<find_first_set>} : vector<16xi1> -> vector<16xi32>
          %mul3A_1250 = arith.constant 16 : i32
          %mul3A_1251 = arith.muli %while3A_1238, %mul3A_1250 : i32
          %add3A_1252 = vector.broadcast %mul3A_1251 : i32 to vector<16xi32>
          %add3A_1253 = arith.addi %add3A_1252, %all_reduce_ffs3A : vector<16xi32>
          %gather3A = tpu.vector_load_idx %arg6[%add3A_1253] : memref<16400xi32, #tpu.memory_space<vmem>>[vector<16xi32>], vector<16xi32>,
          %gather3A_1254 = tpu.vector_load_idx %arg7[%add3A_1253] : memref<16400xi32, #tpu.memory_space<vmem>>[vector<16xi32>], vector<16xi32>,
          %sub3A_1255 = vector.broadcast %multiple_of3A_1221 : i32 to vector<16xi32>
          %sub3A_1256 = arith.subi %gather3A, %sub3A_1255 : vector<16xi32>
          %and3A_1257 = arith.constant 63 : i32
          %and3A_1258 = arith.andi %while3A_1249, %and3A_1257 : i32
          %gather3A_1259 = tpu.vector_load_idx %arg8[%broadcast_in_dim3A_1215, %add3A_7, %sub3A_1256] : memref<2x64x512xf32, #tpu.memory_space<vmem>>[vector<16xi32>, vector<16xi32>, vector<16xi32>], vector<16xf32>,
          %swap3A_1260 = arith.index_cast %and3A_1258 : i32 to index
          %swap3A_1261 = arith.constant 0 : index
          %swap3A_1262 = tpu.vector_load %arg9[%swap3A_1260, %swap3A_1261] {strides = array<i32>} : memref<64x128xf32, #tpu.memory_space<vmem>>, vector<16xf32>,
          tpu.vector_store %arg9[%swap3A_1260, %swap3A_1261], %gather3A_1259 {strides = array<i32>} : memref<64x128xf32, #tpu.memory_space<vmem>>, vector<16xf32>,
          %gather3A_1263 = tpu.vector_load_idx %arg8[%broadcast_in_dim3A_1215, %add3A_10, %sub3A_1256] : memref<2x64x512xf32, #tpu.memory_space<vmem>>[vector<16xi32>, vector<16xi32>, vector<16xi32>], vector<16xf32>,
          %swap3A_1264 = arith.index_cast %and3A_1258 : i32 to index
          %swap3A_1265 = arith.constant 16 : index
          %swap3A_1266 = tpu.vector_load %arg9[%swap3A_1264, %swap3A_1265] {strides = array<i32>} : memref<64x128xf32, #tpu.memory_space<vmem>>, vector<16xf32>,
          tpu.vector_store %arg9[%swap3A_1264, %swap3A_1265], %gather3A_1263 {strides = array<i32>} : memref<64x128xf32, #tpu.memory_space<vmem>>, vector<16xf32>,
          %gather3A_1267 = tpu.vector_load_idx %arg8[%broadcast_in_dim3A_1215, %add3A_13, %sub3A_1256] : memref<2x64x512xf32, #tpu.memory_space<vmem>>[vector<16xi32>, vector<16xi32>, vector<16xi32>], vector<16xf32>,
          %swap3A_1268 = arith.index_cast %and3A_1258 : i32 to index
          %swap3A_1269 = arith.constant 32 : index
          %swap3A_1270 = tpu.vector_load %arg9[%swap3A_1268, %swap3A_1269] {strides = array<i32>} : memref<64x128xf32, #tpu.memory_space<vmem>>, vector<16xf32>,
          tpu.vector_store %arg9[%swap3A_1268, %swap3A_1269], %gather3A_1267 {strides = array<i32>} : memref<64x128xf32, #tpu.memory_space<vmem>>, vector<16xf32>,
          %gather3A_1271 = tpu.vector_load_idx %arg8[%broadcast_in_dim3A_1215, %add3A_16, %sub3A_1256] : memref<2x64x512xf32, #tpu.memory_space<vmem>>[vector<16xi32>, vector<16xi32>, vector<16xi32>], vector<16xf32>,
          %swap3A_1272 = arith.index_cast %and3A_1258 : i32 to index
          %swap3A_1273 = arith.constant 48 : index
          %swap3A_1274 = tpu.vector_load %arg9[%swap3A_1272, %swap3A_1273] {strides = array<i32>} : memref<64x128xf32, #tpu.memory_space<vmem>>, vector<16xf32>,
          tpu.vector_store %arg9[%swap3A_1272, %swap3A_1273], %gather3A_1271 {strides = array<i32>} : memref<64x128xf32, #tpu.memory_space<vmem>>, vector<16xf32>,
          %broadcast_in_dim3A_1275 = vector.broadcast %and3A_1258 : i32 to vector<16xi32>
          %eq3A_1276 = arith.constant 0 : i32
          %eq3A_1277 = vector.broadcast %eq3A_1276 : i32 to vector<16xi32>
          %eq3A_1278 = arith.cmpi eq, %iota3A, %eq3A_1277 : vector<16xi32>
          tpu.vector_store_idx %arg10[%broadcast_in_dim3A_1275], %gather3A_1254 masked %eq3A_1278 : memref<64xi32, #tpu.memory_space<vmem>>[vector<16xi32>], vector<16xi32>, vector<16xi1>
          %add3A_1279 = arith.constant 1 : i32
          %add3A_1280 = arith.addi %while3A_1249, %add3A_1279 : i32
          %and3A_1281 = arith.constant 63 : i32
          %and3A_1282 = arith.andi %add3A_1280, %and3A_1281 : i32
          %eq3A_1283 = arith.constant 0 : i32
          %eq3A_1284 = arith.cmpi eq, %and3A_1282, %eq3A_1283 : i32
          %convert_element_type3A_1285 = arith.extui %eq3A_1284 : i1 to i32
          %cond3A_1286 = arith.constant 0 : i32
          %cond3A_1287 = arith.cmpi ne, %convert_element_type3A_1285, %cond3A_1286 : i32
          scf.if %cond3A_1287 {
            %dma_start3A_1290 = arith.constant 0 : i32
            %dma_start3A_1291 = arith.constant 0 : i32
            %dma_start3A_1292 = tpu.memref_slice %arg4[%dma_start3A_1290, %dma_start3A_1291] : memref<16448x128xf32, #tpu.memory_space<hbm>> -> memref<16448x128xf32, #tpu.memory_space<hbm>>
            tpu.enqueue_indirect_dma source(%arg9 : memref<64x128xf32, #tpu.memory_space<vmem>>) target(%dma_start3A_1292 : memref<16448x128xf32, #tpu.memory_space<hbm>>) offsets(%arg10 : memref<64xi32, #tpu.memory_space<vmem>>) semaphore(%arg12 : memref<!tpu.dma_semaphore, #tpu.memory_space<semaphore_mem>>)
            %dma_wait3A_1293 = arith.constant 0 : i32
            %dma_wait3A_1294 = arith.constant 0 : i32
            %dma_wait3A_1295 = tpu.memref_slice %arg4[%dma_wait3A_1293, %dma_wait3A_1294] : memref<16448x128xf32, #tpu.memory_space<hbm>> -> memref<16448x128xf32, #tpu.memory_space<hbm>>
            tpu.wait_indirect_dma semaphore(%arg12 : memref<!tpu.dma_semaphore, #tpu.memory_space<semaphore_mem>>) src(%arg9 : memref<64x128xf32, #tpu.memory_space<vmem>>) dst(%dma_wait3A_1295 : memref<16448x128xf32, #tpu.memory_space<hbm>>)
            %add3A_1296 = arith.constant 16384 : i32
            %add3A_1297 = vector.broadcast %add3A_1296 : i32 to vector<16xi32>
            %add3A_1298 = arith.addi %add3A_1297, %iota3A : vector<16xi32>
            %swap3A_1299 = arith.constant 0 : index
            %swap3A_1300 = tpu.vector_load %arg10[%swap3A_1299] {strides = array<i32>} : memref<64xi32, #tpu.memory_space<vmem>>, vector<16xi32>,
            tpu.vector_store %arg10[%swap3A_1299], %add3A_1298 {strides = array<i32>} : memref<64xi32, #tpu.memory_space<vmem>>, vector<16xi32>,
            %add3A_1301 = arith.constant 16400 : i32
            %add3A_1302 = vector.broadcast %add3A_1301 : i32 to vector<16xi32>
            %add3A_1303 = arith.addi %add3A_1302, %iota3A : vector<16xi32>
            %swap3A_1304 = arith.constant 16 : index
            %swap3A_1305 = tpu.vector_load %arg10[%swap3A_1304] {strides = array<i32>} : memref<64xi32, #tpu.memory_space<vmem>>, vector<16xi32>,
            tpu.vector_store %arg10[%swap3A_1304], %add3A_1303 {strides = array<i32>} : memref<64xi32, #tpu.memory_space<vmem>>, vector<16xi32>,
            %add3A_1306 = arith.constant 16416 : i32
            %add3A_1307 = vector.broadcast %add3A_1306 : i32 to vector<16xi32>
            %add3A_1308 = arith.addi %add3A_1307, %iota3A : vector<16xi32>
            %swap3A_1309 = arith.constant 32 : index
            %swap3A_1310 = tpu.vector_load %arg10[%swap3A_1309] {strides = array<i32>} : memref<64xi32, #tpu.memory_space<vmem>>, vector<16xi32>,
            tpu.vector_store %arg10[%swap3A_1309], %add3A_1308 {strides = array<i32>} : memref<64xi32, #tpu.memory_space<vmem>>, vector<16xi32>,
            %add3A_1311 = arith.constant 16432 : i32
            %add3A_1312 = vector.broadcast %add3A_1311 : i32 to vector<16xi32>
            %add3A_1313 = arith.addi %add3A_1312, %iota3A : vector<16xi32>
            %swap3A_1314 = arith.constant 48 : index
            %swap3A_1315 = tpu.vector_load %arg10[%swap3A_1314] {strides = array<i32>} : memref<64xi32, #tpu.memory_space<vmem>>, vector<16xi32>,
            tpu.vector_store %arg10[%swap3A_1314], %add3A_1313 {strides = array<i32>} : memref<64xi32, #tpu.memory_space<vmem>>, vector<16xi32>,
          } else {
          }
          %ne3A_1288 = arith.cmpi ne, %iota3A, %all_reduce_ffs3A : vector<16xi32>
          %and3A_1289 = arith.andi %while3A_1248, %ne3A_1288 : vector<16xi1>
          scf.yield %and3A_1289, %add3A_1280 : vector<16xi1>, i32
        }
        scf.yield %while3A_1247#1 : i32
      }
      %while3A_1231 = arith.constant 1 : i32
      %while3A_1232 = scf.for %while3A_1238 = %while3A_1228 to %while3A_1224 step %while3A_1231 iter_args(%while3A_1239 = %while3A_1230) -> (i32)  : i32 {
        %mul3A_1240 = arith.constant 16 : i32
        %mul3A_1241 = arith.muli %while3A_1238, %mul3A_1240 : i32
        %get3A = arith.index_cast %mul3A_1241 : i32 to index
        %get3A_1242 = tpu.vector_load %arg6[%get3A] {strides = array<i32>} : memref<16400xi32, #tpu.memory_space<vmem>>, vector<16xi32>,
        %shift_right_logical3A = arith.constant 9 : i32
        %shift_right_logical3A_1243 = vector.broadcast %shift_right_logical3A : i32 to vector<16xi32>
        %shift_right_logical3A_1244 = arith.shrui %get3A_1242, %shift_right_logical3A_1243 : vector<16xi32>
        %add3A_1245 = arith.addi %mul3A_2, %while3A_1196 : i32
        %eq3A = vector.broadcast %add3A_1245 : i32 to vector<16xi32>
        %eq3A_1246 = arith.cmpi eq, %shift_right_logical3A_1244, %eq3A : vector<16xi32>
        %while3A_1247:2 = scf.while (%while3A_1248 = %eq3A_1246, %while3A_1249 = %while3A_1239) : (vector<16xi1>, i32) -> (vector<16xi1>, i32) {
          %all_reduce_population_count3A = tpu.all_reduce %while3A_1248 {dim = 0 : i64, kind = #tpu.reduction_kind<sum>} : vector<16xi1> -> vector<16xi32>
          %slice3A = vector.extract_strided_slice %all_reduce_population_count3A {offsets = [0], sizes = [1], strides = [1]} : vector<16xi32> to vector<1xi32>
          %squeeze3A = vector.extract %slice3A[0] : i32 from vector<1xi32>
          %gt3A = arith.constant 0 : i32
          %gt3A_1250 = arith.cmpi sgt, %squeeze3A, %gt3A : i32
          scf.condition(%gt3A_1250) %while3A_1248, %while3A_1249 : vector<16xi1>, i32
        } do {
        ^bb0(%while3A_1248: vector<16xi1>, %while3A_1249: i32):
          %all_reduce_ffs3A = tpu.all_reduce %while3A_1248 {dim = 0 : i64, kind = #tpu.reduction_kind<find_first_set>} : vector<16xi1> -> vector<16xi32>
          %mul3A_1250 = arith.constant 16 : i32
          %mul3A_1251 = arith.muli %while3A_1238, %mul3A_1250 : i32
          %add3A_1252 = vector.broadcast %mul3A_1251 : i32 to vector<16xi32>
          %add3A_1253 = arith.addi %add3A_1252, %all_reduce_ffs3A : vector<16xi32>
          %gather3A = tpu.vector_load_idx %arg6[%add3A_1253] : memref<16400xi32, #tpu.memory_space<vmem>>[vector<16xi32>], vector<16xi32>,
          %gather3A_1254 = tpu.vector_load_idx %arg7[%add3A_1253] : memref<16400xi32, #tpu.memory_space<vmem>>[vector<16xi32>], vector<16xi32>,
          %sub3A_1255 = vector.broadcast %multiple_of3A_1221 : i32 to vector<16xi32>
          %sub3A_1256 = arith.subi %gather3A, %sub3A_1255 : vector<16xi32>
          %and3A_1257 = arith.constant 63 : i32
          %and3A_1258 = arith.andi %while3A_1249, %and3A_1257 : i32
          %gather3A_1259 = tpu.vector_load_idx %arg8[%broadcast_in_dim3A_1215, %add3A_7, %sub3A_1256] : memref<2x64x512xf32, #tpu.memory_space<vmem>>[vector<16xi32>, vector<16xi32>, vector<16xi32>], vector<16xf32>,
          %swap3A_1260 = arith.index_cast %and3A_1258 : i32 to index
          %swap3A_1261 = arith.constant 0 : index
          %swap3A_1262 = tpu.vector_load %arg9[%swap3A_1260, %swap3A_1261] {strides = array<i32>} : memref<64x128xf32, #tpu.memory_space<vmem>>, vector<16xf32>,
          tpu.vector_store %arg9[%swap3A_1260, %swap3A_1261], %gather3A_1259 {strides = array<i32>} : memref<64x128xf32, #tpu.memory_space<vmem>>, vector<16xf32>,
          %gather3A_1263 = tpu.vector_load_idx %arg8[%broadcast_in_dim3A_1215, %add3A_10, %sub3A_1256] : memref<2x64x512xf32, #tpu.memory_space<vmem>>[vector<16xi32>, vector<16xi32>, vector<16xi32>], vector<16xf32>,
          %swap3A_1264 = arith.index_cast %and3A_1258 : i32 to index
          %swap3A_1265 = arith.constant 16 : index
          %swap3A_1266 = tpu.vector_load %arg9[%swap3A_1264, %swap3A_1265] {strides = array<i32>} : memref<64x128xf32, #tpu.memory_space<vmem>>, vector<16xf32>,
          tpu.vector_store %arg9[%swap3A_1264, %swap3A_1265], %gather3A_1263 {strides = array<i32>} : memref<64x128xf32, #tpu.memory_space<vmem>>, vector<16xf32>,
          %gather3A_1267 = tpu.vector_load_idx %arg8[%broadcast_in_dim3A_1215, %add3A_13, %sub3A_1256] : memref<2x64x512xf32, #tpu.memory_space<vmem>>[vector<16xi32>, vector<16xi32>, vector<16xi32>], vector<16xf32>,
          %swap3A_1268 = arith.index_cast %and3A_1258 : i32 to index
          %swap3A_1269 = arith.constant 32 : index
          %swap3A_1270 = tpu.vector_load %arg9[%swap3A_1268, %swap3A_1269] {strides = array<i32>} : memref<64x128xf32, #tpu.memory_space<vmem>>, vector<16xf32>,
          tpu.vector_store %arg9[%swap3A_1268, %swap3A_1269], %gather3A_1267 {strides = array<i32>} : memref<64x128xf32, #tpu.memory_space<vmem>>, vector<16xf32>,
          %gather3A_1271 = tpu.vector_load_idx %arg8[%broadcast_in_dim3A_1215, %add3A_16, %sub3A_1256] : memref<2x64x512xf32, #tpu.memory_space<vmem>>[vector<16xi32>, vector<16xi32>, vector<16xi32>], vector<16xf32>,
          %swap3A_1272 = arith.index_cast %and3A_1258 : i32 to index
          %swap3A_1273 = arith.constant 48 : index
          %swap3A_1274 = tpu.vector_load %arg9[%swap3A_1272, %swap3A_1273] {strides = array<i32>} : memref<64x128xf32, #tpu.memory_space<vmem>>, vector<16xf32>,
          tpu.vector_store %arg9[%swap3A_1272, %swap3A_1273], %gather3A_1271 {strides = array<i32>} : memref<64x128xf32, #tpu.memory_space<vmem>>, vector<16xf32>,
          %broadcast_in_dim3A_1275 = vector.broadcast %and3A_1258 : i32 to vector<16xi32>
          %eq3A_1276 = arith.constant 0 : i32
          %eq3A_1277 = vector.broadcast %eq3A_1276 : i32 to vector<16xi32>
          %eq3A_1278 = arith.cmpi eq, %iota3A, %eq3A_1277 : vector<16xi32>
          tpu.vector_store_idx %arg10[%broadcast_in_dim3A_1275], %gather3A_1254 masked %eq3A_1278 : memref<64xi32, #tpu.memory_space<vmem>>[vector<16xi32>], vector<16xi32>, vector<16xi1>
          %add3A_1279 = arith.constant 1 : i32
          %add3A_1280 = arith.addi %while3A_1249, %add3A_1279 : i32
          %and3A_1281 = arith.constant 63 : i32
          %and3A_1282 = arith.andi %add3A_1280, %and3A_1281 : i32
          %eq3A_1283 = arith.constant 0 : i32
          %eq3A_1284 = arith.cmpi eq, %and3A_1282, %eq3A_1283 : i32
          %convert_element_type3A_1285 = arith.extui %eq3A_1284 : i1 to i32
          %cond3A_1286 = arith.constant 0 : i32
          %cond3A_1287 = arith.cmpi ne, %convert_element_type3A_1285, %cond3A_1286 : i32
          scf.if %cond3A_1287 {
            %dma_start3A_1290 = arith.constant 0 : i32
            %dma_start3A_1291 = arith.constant 0 : i32
            %dma_start3A_1292 = tpu.memref_slice %arg4[%dma_start3A_1290, %dma_start3A_1291] : memref<16448x128xf32, #tpu.memory_space<hbm>> -> memref<16448x128xf32, #tpu.memory_space<hbm>>
            tpu.enqueue_indirect_dma source(%arg9 : memref<64x128xf32, #tpu.memory_space<vmem>>) target(%dma_start3A_1292 : memref<16448x128xf32, #tpu.memory_space<hbm>>) offsets(%arg10 : memref<64xi32, #tpu.memory_space<vmem>>) semaphore(%arg12 : memref<!tpu.dma_semaphore, #tpu.memory_space<semaphore_mem>>)
            %dma_wait3A_1293 = arith.constant 0 : i32
            %dma_wait3A_1294 = arith.constant 0 : i32
            %dma_wait3A_1295 = tpu.memref_slice %arg4[%dma_wait3A_1293, %dma_wait3A_1294] : memref<16448x128xf32, #tpu.memory_space<hbm>> -> memref<16448x128xf32, #tpu.memory_space<hbm>>
            tpu.wait_indirect_dma semaphore(%arg12 : memref<!tpu.dma_semaphore, #tpu.memory_space<semaphore_mem>>) src(%arg9 : memref<64x128xf32, #tpu.memory_space<vmem>>) dst(%dma_wait3A_1295 : memref<16448x128xf32, #tpu.memory_space<hbm>>)
            %add3A_1296 = arith.constant 16384 : i32
            %add3A_1297 = vector.broadcast %add3A_1296 : i32 to vector<16xi32>
            %add3A_1298 = arith.addi %add3A_1297, %iota3A : vector<16xi32>
            %swap3A_1299 = arith.constant 0 : index
            %swap3A_1300 = tpu.vector_load %arg10[%swap3A_1299] {strides = array<i32>} : memref<64xi32, #tpu.memory_space<vmem>>, vector<16xi32>,
            tpu.vector_store %arg10[%swap3A_1299], %add3A_1298 {strides = array<i32>} : memref<64xi32, #tpu.memory_space<vmem>>, vector<16xi32>,
            %add3A_1301 = arith.constant 16400 : i32
            %add3A_1302 = vector.broadcast %add3A_1301 : i32 to vector<16xi32>
            %add3A_1303 = arith.addi %add3A_1302, %iota3A : vector<16xi32>
            %swap3A_1304 = arith.constant 16 : index
            %swap3A_1305 = tpu.vector_load %arg10[%swap3A_1304] {strides = array<i32>} : memref<64xi32, #tpu.memory_space<vmem>>, vector<16xi32>,
            tpu.vector_store %arg10[%swap3A_1304], %add3A_1303 {strides = array<i32>} : memref<64xi32, #tpu.memory_space<vmem>>, vector<16xi32>,
            %add3A_1306 = arith.constant 16416 : i32
            %add3A_1307 = vector.broadcast %add3A_1306 : i32 to vector<16xi32>
            %add3A_1308 = arith.addi %add3A_1307, %iota3A : vector<16xi32>
            %swap3A_1309 = arith.constant 32 : index
            %swap3A_1310 = tpu.vector_load %arg10[%swap3A_1309] {strides = array<i32>} : memref<64xi32, #tpu.memory_space<vmem>>, vector<16xi32>,
            tpu.vector_store %arg10[%swap3A_1309], %add3A_1308 {strides = array<i32>} : memref<64xi32, #tpu.memory_space<vmem>>, vector<16xi32>,
            %add3A_1311 = arith.constant 16432 : i32
            %add3A_1312 = vector.broadcast %add3A_1311 : i32 to vector<16xi32>
            %add3A_1313 = arith.addi %add3A_1312, %iota3A : vector<16xi32>
            %swap3A_1314 = arith.constant 48 : index
            %swap3A_1315 = tpu.vector_load %arg10[%swap3A_1314] {strides = array<i32>} : memref<64xi32, #tpu.memory_space<vmem>>, vector<16xi32>,
            tpu.vector_store %arg10[%swap3A_1314], %add3A_1313 {strides = array<i32>} : memref<64xi32, #tpu.memory_space<vmem>>, vector<16xi32>,
          } else {
          }
          %ne3A_1288 = arith.cmpi ne, %iota3A, %all_reduce_ffs3A : vector<16xi32>
          %and3A_1289 = arith.andi %while3A_1248, %ne3A_1288 : vector<16xi1>
          scf.yield %and3A_1289, %add3A_1280 : vector<16xi1>, i32
        }
        scf.yield %while3A_1247#1 : i32
      }
      %add3A_1233 = arith.constant 2 : i32
      %add3A_1234 = arith.addi %while3A_1196, %add3A_1233 : i32
      %lt3A = arith.cmpi slt, %add3A_1234, %min3A_4 : i32
      %convert_element_type3A_1235 = arith.extui %lt3A : i1 to i32
      %cond3A_1236 = arith.constant 0 : i32
      %cond3A_1237 = arith.cmpi ne, %convert_element_type3A_1235, %cond3A_1236 : i32
      scf.if %cond3A_1237 {
        %add3A_1238 = arith.constant 2 : i32
        %add3A_1239 = arith.addi %while3A_1196, %add3A_1238 : i32
        %and3A_1240 = arith.constant 1 : i32
        %and3A_1241 = arith.andi %while3A_1196, %and3A_1240 : i32
        %add3A_1242 = arith.addi %mul3A_2, %add3A_1239 : i32
        %mul3A_1243 = arith.constant 512 : i32
        %mul3A_1244 = arith.muli %add3A_1242, %mul3A_1243 : i32
        %min3A_1245 = arith.constant 999552 : i32
        %min3A_1246 = arith.minsi %mul3A_1244, %min3A_1245 : i32
        %multiple_of3A_1247 = tpu.assume_multiple %min3A_1246, 128 : i32
        %dma_start3A_1248 = arith.constant 0 : i32
        %dma_start3A_1249 = arith.constant 0 : i32
        %dma_start3A_1250 = tpu.memref_slice %arg8[%and3A_1241, %dma_start3A_1248, %dma_start3A_1249] : memref<2x64x512xf32, #tpu.memory_space<vmem>> -> memref<1x64x512xf32, #tpu.memory_space<vmem>>
        %dma_start3A_1251 = tpu.memref_squeeze %dma_start3A_1250 : memref<1x64x512xf32, #tpu.memory_space<vmem>> -> memref<64x512xf32, #tpu.memory_space<vmem>>
        %dma_start3A_1252 = arith.constant 0 : i32
        %dma_start3A_1253 = arith.constant 0 : i32
        %dma_start3A_1254 = tpu.memref_slice %dma_start3A_1251[%dma_start3A_1252, %dma_start3A_1253] : memref<64x512xf32, #tpu.memory_space<vmem>> -> memref<32x512xf32, #tpu.memory_space<vmem>>
        %dma_start3A_1255 = arith.constant 0 : i32
        %dma_start3A_1256 = tpu.memref_slice %arg2[%dma_start3A_1255, %multiple_of3A_1247] : memref<64x1000000xf32, #tpu.memory_space<hbm>> -> memref<32x512xf32, #tpu.memory_space<hbm>>
        %dma_start3A_1257 = arith.constant 0 : i32
        %dma_start3A_1258 = arith.constant 0 : i32
        %dma_start3A_1259 = tpu.memref_slice %arg8[%and3A_1241, %dma_start3A_1257, %dma_start3A_1258] : memref<2x64x512xf32, #tpu.memory_space<vmem>> -> memref<1x64x512xf32, #tpu.memory_space<vmem>>
        %dma_start3A_1260 = tpu.memref_squeeze %dma_start3A_1259 : memref<1x64x512xf32, #tpu.memory_space<vmem>> -> memref<64x512xf32, #tpu.memory_space<vmem>>
        %dma_start3A_1261 = arith.constant 0 : i32
        %dma_start3A_1262 = arith.constant 0 : i32
        %dma_start3A_1263 = tpu.memref_slice %dma_start3A_1260[%dma_start3A_1261, %dma_start3A_1262] : memref<64x512xf32, #tpu.memory_space<vmem>> -> memref<32x512xf32, #tpu.memory_space<vmem>>
        %dma_start3A_1264 = arith.constant 0 : i32
        %dma_start3A_1265 = tpu.memref_slice %arg2[%dma_start3A_1264, %multiple_of3A_1247] : memref<64x1000000xf32, #tpu.memory_space<hbm>> -> memref<32x512xf32, #tpu.memory_space<hbm>>
        tpu.enqueue_dma source(%dma_start3A_1265 : memref<32x512xf32, #tpu.memory_space<hbm>>) target(%dma_start3A_1263 : memref<32x512xf32, #tpu.memory_space<vmem>>) target_semaphore(%arg11 : memref<!tpu.dma_semaphore, #tpu.memory_space<semaphore_mem>>)
        %dma_start3A_1266 = arith.constant 0 : i32
        %dma_start3A_1267 = arith.constant 0 : i32
        %dma_start3A_1268 = tpu.memref_slice %arg8[%and3A_1241, %dma_start3A_1266, %dma_start3A_1267] : memref<2x64x512xf32, #tpu.memory_space<vmem>> -> memref<1x64x512xf32, #tpu.memory_space<vmem>>
        %dma_start3A_1269 = tpu.memref_squeeze %dma_start3A_1268 : memref<1x64x512xf32, #tpu.memory_space<vmem>> -> memref<64x512xf32, #tpu.memory_space<vmem>>
        %dma_start3A_1270 = arith.constant 32 : i32
        %dma_start3A_1271 = arith.constant 0 : i32
        %dma_start3A_1272 = tpu.memref_slice %dma_start3A_1269[%dma_start3A_1270, %dma_start3A_1271] : memref<64x512xf32, #tpu.memory_space<vmem>> -> memref<32x512xf32, #tpu.memory_space<vmem>>
        %dma_start3A_1273 = arith.constant 32 : i32
        %dma_start3A_1274 = tpu.memref_slice %arg2[%dma_start3A_1273, %multiple_of3A_1247] : memref<64x1000000xf32, #tpu.memory_space<hbm>> -> memref<32x512xf32, #tpu.memory_space<hbm>>
        %dma_start3A_1275 = arith.constant 0 : i32
        %dma_start3A_1276 = arith.constant 0 : i32
        %dma_start3A_1277 = tpu.memref_slice %arg8[%and3A_1241, %dma_start3A_1275, %dma_start3A_1276] : memref<2x64x512xf32, #tpu.memory_space<vmem>> -> memref<1x64x512xf32, #tpu.memory_space<vmem>>
        %dma_start3A_1278 = tpu.memref_squeeze %dma_start3A_1277 : memref<1x64x512xf32, #tpu.memory_space<vmem>> -> memref<64x512xf32, #tpu.memory_space<vmem>>
        %dma_start3A_1279 = arith.constant 32 : i32
        %dma_start3A_1280 = arith.constant 0 : i32
        %dma_start3A_1281 = tpu.memref_slice %dma_start3A_1278[%dma_start3A_1279, %dma_start3A_1280] : memref<64x512xf32, #tpu.memory_space<vmem>> -> memref<32x512xf32, #tpu.memory_space<vmem>>
        %dma_start3A_1282 = arith.constant 32 : i32
        %dma_start3A_1283 = tpu.memref_slice %arg2[%dma_start3A_1282, %multiple_of3A_1247] : memref<64x1000000xf32, #tpu.memory_space<hbm>> -> memref<32x512xf32, #tpu.memory_space<hbm>>
        tpu.enqueue_dma source(%dma_start3A_1283 : memref<32x512xf32, #tpu.memory_space<hbm>>) target(%dma_start3A_1281 : memref<32x512xf32, #tpu.memory_space<vmem>>) target_semaphore(%arg11 : memref<!tpu.dma_semaphore, #tpu.memory_space<semaphore_mem>>)
      } else {
      }
      scf.yield %while3A_1232 : i32
    }
    %while3A_1189 = arith.constant 1 : i32
    %while3A_1190 = scf.for %while3A_1196 = %while3A_1186 to %while3A_1182 step %while3A_1189 iter_args(%while3A_1197 = %while3A_1188) -> (i32)  : i32 {
      %and3A_1198 = arith.constant 1 : i32
      %and3A_1199 = arith.andi %while3A_1196, %and3A_1198 : i32
      %dma_wait3A = arith.constant 0 : i32
      %dma_wait3A_1200 = arith.constant 0 : i32
      %dma_wait3A_1201 = tpu.memref_slice %arg8[%and3A_1199, %dma_wait3A, %dma_wait3A_1200] : memref<2x64x512xf32, #tpu.memory_space<vmem>> -> memref<1x64x512xf32, #tpu.memory_space<vmem>>
      %dma_wait3A_1202 = tpu.memref_squeeze %dma_wait3A_1201 : memref<1x64x512xf32, #tpu.memory_space<vmem>> -> memref<64x512xf32, #tpu.memory_space<vmem>>
      %dma_wait3A_1203 = arith.constant 0 : i32
      %dma_wait3A_1204 = arith.constant 0 : i32
      %dma_wait3A_1205 = tpu.memref_slice %arg2[%dma_wait3A_1203, %dma_wait3A_1204] : memref<64x1000000xf32, #tpu.memory_space<hbm>> -> memref<64x512xf32, #tpu.memory_space<hbm>>
      %dma_wait3A_1206 = arith.constant 0 : i32
      %dma_wait3A_1207 = arith.constant 0 : i32
      %dma_wait3A_1208 = tpu.memref_slice %arg8[%and3A_1199, %dma_wait3A_1206, %dma_wait3A_1207] : memref<2x64x512xf32, #tpu.memory_space<vmem>> -> memref<1x64x512xf32, #tpu.memory_space<vmem>>
      %dma_wait3A_1209 = tpu.memref_squeeze %dma_wait3A_1208 : memref<1x64x512xf32, #tpu.memory_space<vmem>> -> memref<64x512xf32, #tpu.memory_space<vmem>>
      %dma_wait3A_1210 = arith.constant 0 : i32
      %dma_wait3A_1211 = arith.constant 0 : i32
      %dma_wait3A_1212 = tpu.memref_slice %arg2[%dma_wait3A_1210, %dma_wait3A_1211] : memref<64x1000000xf32, #tpu.memory_space<hbm>> -> memref<64x512xf32, #tpu.memory_space<hbm>>
      tpu.wait_dma2 semaphore(%arg11 : memref<!tpu.dma_semaphore, #tpu.memory_space<semaphore_mem>>) src(%dma_wait3A_1212 : memref<64x512xf32, #tpu.memory_space<hbm>>) dst(%dma_wait3A_1209 : memref<64x512xf32, #tpu.memory_space<vmem>>)
      %and3A_1213 = arith.constant 1 : i32
      %and3A_1214 = arith.andi %while3A_1196, %and3A_1213 : i32
      %broadcast_in_dim3A_1215 = vector.broadcast %and3A_1214 : i32 to vector<16xi32>
      %add3A_1216 = arith.addi %mul3A_2, %while3A_1196 : i32
      %mul3A_1217 = arith.constant 512 : i32
      %mul3A_1218 = arith.muli %add3A_1216, %mul3A_1217 : i32
      %min3A_1219 = arith.constant 999552 : i32
      %min3A_1220 = arith.minsi %mul3A_1218, %min3A_1219 : i32
      %multiple_of3A_1221 = tpu.assume_multiple %min3A_1220, 128 : i32
      %while3A_1222 = arith.constant 0 : i32
      %while3A_1223 = arith.subi %select_n3A, %while3A_1222 : i32
      %while3A_1224 = arith.addi %while3A_1222, %while3A_1223 : i32
      %while3A_1225 = arith.constant 1 : i32
      %while3A_1226 = arith.divsi %while3A_1223, %while3A_1225 : i32
      %while3A_1227 = arith.muli %while3A_1226, %while3A_1225 : i32
      %while3A_1228 = arith.addi %while3A_1222, %while3A_1227 : i32
      %while3A_1229 = arith.constant 1 : i32
      %while3A_1230 = scf.for %while3A_1238 = %while3A_1222 to %while3A_1228 step %while3A_1229 iter_args(%while3A_1239 = %while3A_1197) -> (i32)  : i32 {
        %mul3A_1240 = arith.constant 16 : i32
        %mul3A_1241 = arith.muli %while3A_1238, %mul3A_1240 : i32
        %get3A = arith.index_cast %mul3A_1241 : i32 to index
        %get3A_1242 = tpu.vector_load %arg6[%get3A] {strides = array<i32>} : memref<16400xi32, #tpu.memory_space<vmem>>, vector<16xi32>,
        %shift_right_logical3A = arith.constant 9 : i32
        %shift_right_logical3A_1243 = vector.broadcast %shift_right_logical3A : i32 to vector<16xi32>
        %shift_right_logical3A_1244 = arith.shrui %get3A_1242, %shift_right_logical3A_1243 : vector<16xi32>
        %add3A_1245 = arith.addi %mul3A_2, %while3A_1196 : i32
        %eq3A = vector.broadcast %add3A_1245 : i32 to vector<16xi32>
        %eq3A_1246 = arith.cmpi eq, %shift_right_logical3A_1244, %eq3A : vector<16xi32>
        %while3A_1247:2 = scf.while (%while3A_1248 = %eq3A_1246, %while3A_1249 = %while3A_1239) : (vector<16xi1>, i32) -> (vector<16xi1>, i32) {
          %all_reduce_population_count3A = tpu.all_reduce %while3A_1248 {dim = 0 : i64, kind = #tpu.reduction_kind<sum>} : vector<16xi1> -> vector<16xi32>
          %slice3A = vector.extract_strided_slice %all_reduce_population_count3A {offsets = [0], sizes = [1], strides = [1]} : vector<16xi32> to vector<1xi32>
          %squeeze3A = vector.extract %slice3A[0] : i32 from vector<1xi32>
          %gt3A = arith.constant 0 : i32
          %gt3A_1250 = arith.cmpi sgt, %squeeze3A, %gt3A : i32
          scf.condition(%gt3A_1250) %while3A_1248, %while3A_1249 : vector<16xi1>, i32
        } do {
        ^bb0(%while3A_1248: vector<16xi1>, %while3A_1249: i32):
          %all_reduce_ffs3A = tpu.all_reduce %while3A_1248 {dim = 0 : i64, kind = #tpu.reduction_kind<find_first_set>} : vector<16xi1> -> vector<16xi32>
          %mul3A_1250 = arith.constant 16 : i32
          %mul3A_1251 = arith.muli %while3A_1238, %mul3A_1250 : i32
          %add3A_1252 = vector.broadcast %mul3A_1251 : i32 to vector<16xi32>
          %add3A_1253 = arith.addi %add3A_1252, %all_reduce_ffs3A : vector<16xi32>
          %gather3A = tpu.vector_load_idx %arg6[%add3A_1253] : memref<16400xi32, #tpu.memory_space<vmem>>[vector<16xi32>], vector<16xi32>,
          %gather3A_1254 = tpu.vector_load_idx %arg7[%add3A_1253] : memref<16400xi32, #tpu.memory_space<vmem>>[vector<16xi32>], vector<16xi32>,
          %sub3A_1255 = vector.broadcast %multiple_of3A_1221 : i32 to vector<16xi32>
          %sub3A_1256 = arith.subi %gather3A, %sub3A_1255 : vector<16xi32>
          %and3A_1257 = arith.constant 63 : i32
          %and3A_1258 = arith.andi %while3A_1249, %and3A_1257 : i32
          %gather3A_1259 = tpu.vector_load_idx %arg8[%broadcast_in_dim3A_1215, %add3A_7, %sub3A_1256] : memref<2x64x512xf32, #tpu.memory_space<vmem>>[vector<16xi32>, vector<16xi32>, vector<16xi32>], vector<16xf32>,
          %swap3A_1260 = arith.index_cast %and3A_1258 : i32 to index
          %swap3A_1261 = arith.constant 0 : index
          %swap3A_1262 = tpu.vector_load %arg9[%swap3A_1260, %swap3A_1261] {strides = array<i32>} : memref<64x128xf32, #tpu.memory_space<vmem>>, vector<16xf32>,
          tpu.vector_store %arg9[%swap3A_1260, %swap3A_1261], %gather3A_1259 {strides = array<i32>} : memref<64x128xf32, #tpu.memory_space<vmem>>, vector<16xf32>,
          %gather3A_1263 = tpu.vector_load_idx %arg8[%broadcast_in_dim3A_1215, %add3A_10, %sub3A_1256] : memref<2x64x512xf32, #tpu.memory_space<vmem>>[vector<16xi32>, vector<16xi32>, vector<16xi32>], vector<16xf32>,
          %swap3A_1264 = arith.index_cast %and3A_1258 : i32 to index
          %swap3A_1265 = arith.constant 16 : index
          %swap3A_1266 = tpu.vector_load %arg9[%swap3A_1264, %swap3A_1265] {strides = array<i32>} : memref<64x128xf32, #tpu.memory_space<vmem>>, vector<16xf32>,
          tpu.vector_store %arg9[%swap3A_1264, %swap3A_1265], %gather3A_1263 {strides = array<i32>} : memref<64x128xf32, #tpu.memory_space<vmem>>, vector<16xf32>,
          %gather3A_1267 = tpu.vector_load_idx %arg8[%broadcast_in_dim3A_1215, %add3A_13, %sub3A_1256] : memref<2x64x512xf32, #tpu.memory_space<vmem>>[vector<16xi32>, vector<16xi32>, vector<16xi32>], vector<16xf32>,
          %swap3A_1268 = arith.index_cast %and3A_1258 : i32 to index
          %swap3A_1269 = arith.constant 32 : index
          %swap3A_1270 = tpu.vector_load %arg9[%swap3A_1268, %swap3A_1269] {strides = array<i32>} : memref<64x128xf32, #tpu.memory_space<vmem>>, vector<16xf32>,
          tpu.vector_store %arg9[%swap3A_1268, %swap3A_1269], %gather3A_1267 {strides = array<i32>} : memref<64x128xf32, #tpu.memory_space<vmem>>, vector<16xf32>,
          %gather3A_1271 = tpu.vector_load_idx %arg8[%broadcast_in_dim3A_1215, %add3A_16, %sub3A_1256] : memref<2x64x512xf32, #tpu.memory_space<vmem>>[vector<16xi32>, vector<16xi32>, vector<16xi32>], vector<16xf32>,
          %swap3A_1272 = arith.index_cast %and3A_1258 : i32 to index
          %swap3A_1273 = arith.constant 48 : index
          %swap3A_1274 = tpu.vector_load %arg9[%swap3A_1272, %swap3A_1273] {strides = array<i32>} : memref<64x128xf32, #tpu.memory_space<vmem>>, vector<16xf32>,
          tpu.vector_store %arg9[%swap3A_1272, %swap3A_1273], %gather3A_1271 {strides = array<i32>} : memref<64x128xf32, #tpu.memory_space<vmem>>, vector<16xf32>,
          %broadcast_in_dim3A_1275 = vector.broadcast %and3A_1258 : i32 to vector<16xi32>
          %eq3A_1276 = arith.constant 0 : i32
          %eq3A_1277 = vector.broadcast %eq3A_1276 : i32 to vector<16xi32>
          %eq3A_1278 = arith.cmpi eq, %iota3A, %eq3A_1277 : vector<16xi32>
          tpu.vector_store_idx %arg10[%broadcast_in_dim3A_1275], %gather3A_1254 masked %eq3A_1278 : memref<64xi32, #tpu.memory_space<vmem>>[vector<16xi32>], vector<16xi32>, vector<16xi1>
          %add3A_1279 = arith.constant 1 : i32
          %add3A_1280 = arith.addi %while3A_1249, %add3A_1279 : i32
          %and3A_1281 = arith.constant 63 : i32
          %and3A_1282 = arith.andi %add3A_1280, %and3A_1281 : i32
          %eq3A_1283 = arith.constant 0 : i32
          %eq3A_1284 = arith.cmpi eq, %and3A_1282, %eq3A_1283 : i32
          %convert_element_type3A_1285 = arith.extui %eq3A_1284 : i1 to i32
          %cond3A_1286 = arith.constant 0 : i32
          %cond3A_1287 = arith.cmpi ne, %convert_element_type3A_1285, %cond3A_1286 : i32
          scf.if %cond3A_1287 {
            %dma_start3A_1290 = arith.constant 0 : i32
            %dma_start3A_1291 = arith.constant 0 : i32
            %dma_start3A_1292 = tpu.memref_slice %arg4[%dma_start3A_1290, %dma_start3A_1291] : memref<16448x128xf32, #tpu.memory_space<hbm>> -> memref<16448x128xf32, #tpu.memory_space<hbm>>
            tpu.enqueue_indirect_dma source(%arg9 : memref<64x128xf32, #tpu.memory_space<vmem>>) target(%dma_start3A_1292 : memref<16448x128xf32, #tpu.memory_space<hbm>>) offsets(%arg10 : memref<64xi32, #tpu.memory_space<vmem>>) semaphore(%arg12 : memref<!tpu.dma_semaphore, #tpu.memory_space<semaphore_mem>>)
            %dma_wait3A_1293 = arith.constant 0 : i32
            %dma_wait3A_1294 = arith.constant 0 : i32
            %dma_wait3A_1295 = tpu.memref_slice %arg4[%dma_wait3A_1293, %dma_wait3A_1294] : memref<16448x128xf32, #tpu.memory_space<hbm>> -> memref<16448x128xf32, #tpu.memory_space<hbm>>
            tpu.wait_indirect_dma semaphore(%arg12 : memref<!tpu.dma_semaphore, #tpu.memory_space<semaphore_mem>>) src(%arg9 : memref<64x128xf32, #tpu.memory_space<vmem>>) dst(%dma_wait3A_1295 : memref<16448x128xf32, #tpu.memory_space<hbm>>)
            %add3A_1296 = arith.constant 16384 : i32
            %add3A_1297 = vector.broadcast %add3A_1296 : i32 to vector<16xi32>
            %add3A_1298 = arith.addi %add3A_1297, %iota3A : vector<16xi32>
            %swap3A_1299 = arith.constant 0 : index
            %swap3A_1300 = tpu.vector_load %arg10[%swap3A_1299] {strides = array<i32>} : memref<64xi32, #tpu.memory_space<vmem>>, vector<16xi32>,
            tpu.vector_store %arg10[%swap3A_1299], %add3A_1298 {strides = array<i32>} : memref<64xi32, #tpu.memory_space<vmem>>, vector<16xi32>,
            %add3A_1301 = arith.constant 16400 : i32
            %add3A_1302 = vector.broadcast %add3A_1301 : i32 to vector<16xi32>
            %add3A_1303 = arith.addi %add3A_1302, %iota3A : vector<16xi32>
            %swap3A_1304 = arith.constant 16 : index
            %swap3A_1305 = tpu.vector_load %arg10[%swap3A_1304] {strides = array<i32>} : memref<64xi32, #tpu.memory_space<vmem>>, vector<16xi32>,
            tpu.vector_store %arg10[%swap3A_1304], %add3A_1303 {strides = array<i32>} : memref<64xi32, #tpu.memory_space<vmem>>, vector<16xi32>,
            %add3A_1306 = arith.constant 16416 : i32
            %add3A_1307 = vector.broadcast %add3A_1306 : i32 to vector<16xi32>
            %add3A_1308 = arith.addi %add3A_1307, %iota3A : vector<16xi32>
            %swap3A_1309 = arith.constant 32 : index
            %swap3A_1310 = tpu.vector_load %arg10[%swap3A_1309] {strides = array<i32>} : memref<64xi32, #tpu.memory_space<vmem>>, vector<16xi32>,
            tpu.vector_store %arg10[%swap3A_1309], %add3A_1308 {strides = array<i32>} : memref<64xi32, #tpu.memory_space<vmem>>, vector<16xi32>,
            %add3A_1311 = arith.constant 16432 : i32
            %add3A_1312 = vector.broadcast %add3A_1311 : i32 to vector<16xi32>
            %add3A_1313 = arith.addi %add3A_1312, %iota3A : vector<16xi32>
            %swap3A_1314 = arith.constant 48 : index
            %swap3A_1315 = tpu.vector_load %arg10[%swap3A_1314] {strides = array<i32>} : memref<64xi32, #tpu.memory_space<vmem>>, vector<16xi32>,
            tpu.vector_store %arg10[%swap3A_1314], %add3A_1313 {strides = array<i32>} : memref<64xi32, #tpu.memory_space<vmem>>, vector<16xi32>,
          } else {
          }
          %ne3A_1288 = arith.cmpi ne, %iota3A, %all_reduce_ffs3A : vector<16xi32>
          %and3A_1289 = arith.andi %while3A_1248, %ne3A_1288 : vector<16xi1>
          scf.yield %and3A_1289, %add3A_1280 : vector<16xi1>, i32
        }
        scf.yield %while3A_1247#1 : i32
      }
      %while3A_1231 = arith.constant 1 : i32
      %while3A_1232 = scf.for %while3A_1238 = %while3A_1228 to %while3A_1224 step %while3A_1231 iter_args(%while3A_1239 = %while3A_1230) -> (i32)  : i32 {
        %mul3A_1240 = arith.constant 16 : i32
        %mul3A_1241 = arith.muli %while3A_1238, %mul3A_1240 : i32
        %get3A = arith.index_cast %mul3A_1241 : i32 to index
        %get3A_1242 = tpu.vector_load %arg6[%get3A] {strides = array<i32>} : memref<16400xi32, #tpu.memory_space<vmem>>, vector<16xi32>,
        %shift_right_logical3A = arith.constant 9 : i32
        %shift_right_logical3A_1243 = vector.broadcast %shift_right_logical3A : i32 to vector<16xi32>
        %shift_right_logical3A_1244 = arith.shrui %get3A_1242, %shift_right_logical3A_1243 : vector<16xi32>
        %add3A_1245 = arith.addi %mul3A_2, %while3A_1196 : i32
        %eq3A = vector.broadcast %add3A_1245 : i32 to vector<16xi32>
        %eq3A_1246 = arith.cmpi eq, %shift_right_logical3A_1244, %eq3A : vector<16xi32>
        %while3A_1247:2 = scf.while (%while3A_1248 = %eq3A_1246, %while3A_1249 = %while3A_1239) : (vector<16xi1>, i32) -> (vector<16xi1>, i32) {
          %all_reduce_population_count3A = tpu.all_reduce %while3A_1248 {dim = 0 : i64, kind = #tpu.reduction_kind<sum>} : vector<16xi1> -> vector<16xi32>
          %slice3A = vector.extract_strided_slice %all_reduce_population_count3A {offsets = [0], sizes = [1], strides = [1]} : vector<16xi32> to vector<1xi32>
          %squeeze3A = vector.extract %slice3A[0] : i32 from vector<1xi32>
          %gt3A = arith.constant 0 : i32
          %gt3A_1250 = arith.cmpi sgt, %squeeze3A, %gt3A : i32
          scf.condition(%gt3A_1250) %while3A_1248, %while3A_1249 : vector<16xi1>, i32
        } do {
        ^bb0(%while3A_1248: vector<16xi1>, %while3A_1249: i32):
          %all_reduce_ffs3A = tpu.all_reduce %while3A_1248 {dim = 0 : i64, kind = #tpu.reduction_kind<find_first_set>} : vector<16xi1> -> vector<16xi32>
          %mul3A_1250 = arith.constant 16 : i32
          %mul3A_1251 = arith.muli %while3A_1238, %mul3A_1250 : i32
          %add3A_1252 = vector.broadcast %mul3A_1251 : i32 to vector<16xi32>
          %add3A_1253 = arith.addi %add3A_1252, %all_reduce_ffs3A : vector<16xi32>
          %gather3A = tpu.vector_load_idx %arg6[%add3A_1253] : memref<16400xi32, #tpu.memory_space<vmem>>[vector<16xi32>], vector<16xi32>,
          %gather3A_1254 = tpu.vector_load_idx %arg7[%add3A_1253] : memref<16400xi32, #tpu.memory_space<vmem>>[vector<16xi32>], vector<16xi32>,
          %sub3A_1255 = vector.broadcast %multiple_of3A_1221 : i32 to vector<16xi32>
          %sub3A_1256 = arith.subi %gather3A, %sub3A_1255 : vector<16xi32>
          %and3A_1257 = arith.constant 63 : i32
          %and3A_1258 = arith.andi %while3A_1249, %and3A_1257 : i32
          %gather3A_1259 = tpu.vector_load_idx %arg8[%broadcast_in_dim3A_1215, %add3A_7, %sub3A_1256] : memref<2x64x512xf32, #tpu.memory_space<vmem>>[vector<16xi32>, vector<16xi32>, vector<16xi32>], vector<16xf32>,
          %swap3A_1260 = arith.index_cast %and3A_1258 : i32 to index
          %swap3A_1261 = arith.constant 0 : index
          %swap3A_1262 = tpu.vector_load %arg9[%swap3A_1260, %swap3A_1261] {strides = array<i32>} : memref<64x128xf32, #tpu.memory_space<vmem>>, vector<16xf32>,
          tpu.vector_store %arg9[%swap3A_1260, %swap3A_1261], %gather3A_1259 {strides = array<i32>} : memref<64x128xf32, #tpu.memory_space<vmem>>, vector<16xf32>,
          %gather3A_1263 = tpu.vector_load_idx %arg8[%broadcast_in_dim3A_1215, %add3A_10, %sub3A_1256] : memref<2x64x512xf32, #tpu.memory_space<vmem>>[vector<16xi32>, vector<16xi32>, vector<16xi32>], vector<16xf32>,
          %swap3A_1264 = arith.index_cast %and3A_1258 : i32 to index
          %swap3A_1265 = arith.constant 16 : index
          %swap3A_1266 = tpu.vector_load %arg9[%swap3A_1264, %swap3A_1265] {strides = array<i32>} : memref<64x128xf32, #tpu.memory_space<vmem>>, vector<16xf32>,
          tpu.vector_store %arg9[%swap3A_1264, %swap3A_1265], %gather3A_1263 {strides = array<i32>} : memref<64x128xf32, #tpu.memory_space<vmem>>, vector<16xf32>,
          %gather3A_1267 = tpu.vector_load_idx %arg8[%broadcast_in_dim3A_1215, %add3A_13, %sub3A_1256] : memref<2x64x512xf32, #tpu.memory_space<vmem>>[vector<16xi32>, vector<16xi32>, vector<16xi32>], vector<16xf32>,
          %swap3A_1268 = arith.index_cast %and3A_1258 : i32 to index
          %swap3A_1269 = arith.constant 32 : index
          %swap3A_1270 = tpu.vector_load %arg9[%swap3A_1268, %swap3A_1269] {strides = array<i32>} : memref<64x128xf32, #tpu.memory_space<vmem>>, vector<16xf32>,
          tpu.vector_store %arg9[%swap3A_1268, %swap3A_1269], %gather3A_1267 {strides = array<i32>} : memref<64x128xf32, #tpu.memory_space<vmem>>, vector<16xf32>,
          %gather3A_1271 = tpu.vector_load_idx %arg8[%broadcast_in_dim3A_1215, %add3A_16, %sub3A_1256] : memref<2x64x512xf32, #tpu.memory_space<vmem>>[vector<16xi32>, vector<16xi32>, vector<16xi32>], vector<16xf32>,
          %swap3A_1272 = arith.index_cast %and3A_1258 : i32 to index
          %swap3A_1273 = arith.constant 48 : index
          %swap3A_1274 = tpu.vector_load %arg9[%swap3A_1272, %swap3A_1273] {strides = array<i32>} : memref<64x128xf32, #tpu.memory_space<vmem>>, vector<16xf32>,
          tpu.vector_store %arg9[%swap3A_1272, %swap3A_1273], %gather3A_1271 {strides = array<i32>} : memref<64x128xf32, #tpu.memory_space<vmem>>, vector<16xf32>,
          %broadcast_in_dim3A_1275 = vector.broadcast %and3A_1258 : i32 to vector<16xi32>
          %eq3A_1276 = arith.constant 0 : i32
          %eq3A_1277 = vector.broadcast %eq3A_1276 : i32 to vector<16xi32>
          %eq3A_1278 = arith.cmpi eq, %iota3A, %eq3A_1277 : vector<16xi32>
          tpu.vector_store_idx %arg10[%broadcast_in_dim3A_1275], %gather3A_1254 masked %eq3A_1278 : memref<64xi32, #tpu.memory_space<vmem>>[vector<16xi32>], vector<16xi32>, vector<16xi1>
          %add3A_1279 = arith.constant 1 : i32
          %add3A_1280 = arith.addi %while3A_1249, %add3A_1279 : i32
          %and3A_1281 = arith.constant 63 : i32
          %and3A_1282 = arith.andi %add3A_1280, %and3A_1281 : i32
          %eq3A_1283 = arith.constant 0 : i32
          %eq3A_1284 = arith.cmpi eq, %and3A_1282, %eq3A_1283 : i32
          %convert_element_type3A_1285 = arith.extui %eq3A_1284 : i1 to i32
          %cond3A_1286 = arith.constant 0 : i32
          %cond3A_1287 = arith.cmpi ne, %convert_element_type3A_1285, %cond3A_1286 : i32
          scf.if %cond3A_1287 {
            %dma_start3A_1290 = arith.constant 0 : i32
            %dma_start3A_1291 = arith.constant 0 : i32
            %dma_start3A_1292 = tpu.memref_slice %arg4[%dma_start3A_1290, %dma_start3A_1291] : memref<16448x128xf32, #tpu.memory_space<hbm>> -> memref<16448x128xf32, #tpu.memory_space<hbm>>
            tpu.enqueue_indirect_dma source(%arg9 : memref<64x128xf32, #tpu.memory_space<vmem>>) target(%dma_start3A_1292 : memref<16448x128xf32, #tpu.memory_space<hbm>>) offsets(%arg10 : memref<64xi32, #tpu.memory_space<vmem>>) semaphore(%arg12 : memref<!tpu.dma_semaphore, #tpu.memory_space<semaphore_mem>>)
            %dma_wait3A_1293 = arith.constant 0 : i32
            %dma_wait3A_1294 = arith.constant 0 : i32
            %dma_wait3A_1295 = tpu.memref_slice %arg4[%dma_wait3A_1293, %dma_wait3A_1294] : memref<16448x128xf32, #tpu.memory_space<hbm>> -> memref<16448x128xf32, #tpu.memory_space<hbm>>
            tpu.wait_indirect_dma semaphore(%arg12 : memref<!tpu.dma_semaphore, #tpu.memory_space<semaphore_mem>>) src(%arg9 : memref<64x128xf32, #tpu.memory_space<vmem>>) dst(%dma_wait3A_1295 : memref<16448x128xf32, #tpu.memory_space<hbm>>)
            %add3A_1296 = arith.constant 16384 : i32
            %add3A_1297 = vector.broadcast %add3A_1296 : i32 to vector<16xi32>
            %add3A_1298 = arith.addi %add3A_1297, %iota3A : vector<16xi32>
            %swap3A_1299 = arith.constant 0 : index
            %swap3A_1300 = tpu.vector_load %arg10[%swap3A_1299] {strides = array<i32>} : memref<64xi32, #tpu.memory_space<vmem>>, vector<16xi32>,
            tpu.vector_store %arg10[%swap3A_1299], %add3A_1298 {strides = array<i32>} : memref<64xi32, #tpu.memory_space<vmem>>, vector<16xi32>,
            %add3A_1301 = arith.constant 16400 : i32
            %add3A_1302 = vector.broadcast %add3A_1301 : i32 to vector<16xi32>
            %add3A_1303 = arith.addi %add3A_1302, %iota3A : vector<16xi32>
            %swap3A_1304 = arith.constant 16 : index
            %swap3A_1305 = tpu.vector_load %arg10[%swap3A_1304] {strides = array<i32>} : memref<64xi32, #tpu.memory_space<vmem>>, vector<16xi32>,
            tpu.vector_store %arg10[%swap3A_1304], %add3A_1303 {strides = array<i32>} : memref<64xi32, #tpu.memory_space<vmem>>, vector<16xi32>,
            %add3A_1306 = arith.constant 16416 : i32
            %add3A_1307 = vector.broadcast %add3A_1306 : i32 to vector<16xi32>
            %add3A_1308 = arith.addi %add3A_1307, %iota3A : vector<16xi32>
            %swap3A_1309 = arith.constant 32 : index
            %swap3A_1310 = tpu.vector_load %arg10[%swap3A_1309] {strides = array<i32>} : memref<64xi32, #tpu.memory_space<vmem>>, vector<16xi32>,
            tpu.vector_store %arg10[%swap3A_1309], %add3A_1308 {strides = array<i32>} : memref<64xi32, #tpu.memory_space<vmem>>, vector<16xi32>,
            %add3A_1311 = arith.constant 16432 : i32
            %add3A_1312 = vector.broadcast %add3A_1311 : i32 to vector<16xi32>
            %add3A_1313 = arith.addi %add3A_1312, %iota3A : vector<16xi32>
            %swap3A_1314 = arith.constant 48 : index
            %swap3A_1315 = tpu.vector_load %arg10[%swap3A_1314] {strides = array<i32>} : memref<64xi32, #tpu.memory_space<vmem>>, vector<16xi32>,
            tpu.vector_store %arg10[%swap3A_1314], %add3A_1313 {strides = array<i32>} : memref<64xi32, #tpu.memory_space<vmem>>, vector<16xi32>,
          } else {
          }
          %ne3A_1288 = arith.cmpi ne, %iota3A, %all_reduce_ffs3A : vector<16xi32>
          %and3A_1289 = arith.andi %while3A_1248, %ne3A_1288 : vector<16xi1>
          scf.yield %and3A_1289, %add3A_1280 : vector<16xi1>, i32
        }
        scf.yield %while3A_1247#1 : i32
      }
      %add3A_1233 = arith.constant 2 : i32
      %add3A_1234 = arith.addi %while3A_1196, %add3A_1233 : i32
      %lt3A = arith.cmpi slt, %add3A_1234, %min3A_4 : i32
      %convert_element_type3A_1235 = arith.extui %lt3A : i1 to i32
      %cond3A_1236 = arith.constant 0 : i32
      %cond3A_1237 = arith.cmpi ne, %convert_element_type3A_1235, %cond3A_1236 : i32
      scf.if %cond3A_1237 {
        %add3A_1238 = arith.constant 2 : i32
        %add3A_1239 = arith.addi %while3A_1196, %add3A_1238 : i32
        %and3A_1240 = arith.constant 1 : i32
        %and3A_1241 = arith.andi %while3A_1196, %and3A_1240 : i32
        %add3A_1242 = arith.addi %mul3A_2, %add3A_1239 : i32
        %mul3A_1243 = arith.constant 512 : i32
        %mul3A_1244 = arith.muli %add3A_1242, %mul3A_1243 : i32
        %min3A_1245 = arith.constant 999552 : i32
        %min3A_1246 = arith.minsi %mul3A_1244, %min3A_1245 : i32
        %multiple_of3A_1247 = tpu.assume_multiple %min3A_1246, 128 : i32
        %dma_start3A_1248 = arith.constant 0 : i32
        %dma_start3A_1249 = arith.constant 0 : i32
        %dma_start3A_1250 = tpu.memref_slice %arg8[%and3A_1241, %dma_start3A_1248, %dma_start3A_1249] : memref<2x64x512xf32, #tpu.memory_space<vmem>> -> memref<1x64x512xf32, #tpu.memory_space<vmem>>
        %dma_start3A_1251 = tpu.memref_squeeze %dma_start3A_1250 : memref<1x64x512xf32, #tpu.memory_space<vmem>> -> memref<64x512xf32, #tpu.memory_space<vmem>>
        %dma_start3A_1252 = arith.constant 0 : i32
        %dma_start3A_1253 = arith.constant 0 : i32
        %dma_start3A_1254 = tpu.memref_slice %dma_start3A_1251[%dma_start3A_1252, %dma_start3A_1253] : memref<64x512xf32, #tpu.memory_space<vmem>> -> memref<32x512xf32, #tpu.memory_space<vmem>>
        %dma_start3A_1255 = arith.constant 0 : i32
        %dma_start3A_1256 = tpu.memref_slice %arg2[%dma_start3A_1255, %multiple_of3A_1247] : memref<64x1000000xf32, #tpu.memory_space<hbm>> -> memref<32x512xf32, #tpu.memory_space<hbm>>
        %dma_start3A_1257 = arith.constant 0 : i32
        %dma_start3A_1258 = arith.constant 0 : i32
        %dma_start3A_1259 = tpu.memref_slice %arg8[%and3A_1241, %dma_start3A_1257, %dma_start3A_1258] : memref<2x64x512xf32, #tpu.memory_space<vmem>> -> memref<1x64x512xf32, #tpu.memory_space<vmem>>
        %dma_start3A_1260 = tpu.memref_squeeze %dma_start3A_1259 : memref<1x64x512xf32, #tpu.memory_space<vmem>> -> memref<64x512xf32, #tpu.memory_space<vmem>>
        %dma_start3A_1261 = arith.constant 0 : i32
        %dma_start3A_1262 = arith.constant 0 : i32
        %dma_start3A_1263 = tpu.memref_slice %dma_start3A_1260[%dma_start3A_1261, %dma_start3A_1262] : memref<64x512xf32, #tpu.memory_space<vmem>> -> memref<32x512xf32, #tpu.memory_space<vmem>>
        %dma_start3A_1264 = arith.constant 0 : i32
        %dma_start3A_1265 = tpu.memref_slice %arg2[%dma_start3A_1264, %multiple_of3A_1247] : memref<64x1000000xf32, #tpu.memory_space<hbm>> -> memref<32x512xf32, #tpu.memory_space<hbm>>
        tpu.enqueue_dma source(%dma_start3A_1265 : memref<32x512xf32, #tpu.memory_space<hbm>>) target(%dma_start3A_1263 : memref<32x512xf32, #tpu.memory_space<vmem>>) target_semaphore(%arg11 : memref<!tpu.dma_semaphore, #tpu.memory_space<semaphore_mem>>)
        %dma_start3A_1266 = arith.constant 0 : i32
        %dma_start3A_1267 = arith.constant 0 : i32
        %dma_start3A_1268 = tpu.memref_slice %arg8[%and3A_1241, %dma_start3A_1266, %dma_start3A_1267] : memref<2x64x512xf32, #tpu.memory_space<vmem>> -> memref<1x64x512xf32, #tpu.memory_space<vmem>>
        %dma_start3A_1269 = tpu.memref_squeeze %dma_start3A_1268 : memref<1x64x512xf32, #tpu.memory_space<vmem>> -> memref<64x512xf32, #tpu.memory_space<vmem>>
        %dma_start3A_1270 = arith.constant 32 : i32
        %dma_start3A_1271 = arith.constant 0 : i32
        %dma_start3A_1272 = tpu.memref_slice %dma_start3A_1269[%dma_start3A_1270, %dma_start3A_1271] : memref<64x512xf32, #tpu.memory_space<vmem>> -> memref<32x512xf32, #tpu.memory_space<vmem>>
        %dma_start3A_1273 = arith.constant 32 : i32
        %dma_start3A_1274 = tpu.memref_slice %arg2[%dma_start3A_1273, %multiple_of3A_1247] : memref<64x1000000xf32, #tpu.memory_space<hbm>> -> memref<32x512xf32, #tpu.memory_space<hbm>>
        %dma_start3A_1275 = arith.constant 0 : i32
        %dma_start3A_1276 = arith.constant 0 : i32
        %dma_start3A_1277 = tpu.memref_slice %arg8[%and3A_1241, %dma_start3A_1275, %dma_start3A_1276] : memref<2x64x512xf32, #tpu.memory_space<vmem>> -> memref<1x64x512xf32, #tpu.memory_space<vmem>>
        %dma_start3A_1278 = tpu.memref_squeeze %dma_start3A_1277 : memref<1x64x512xf32, #tpu.memory_space<vmem>> -> memref<64x512xf32, #tpu.memory_space<vmem>>
        %dma_start3A_1279 = arith.constant 32 : i32
        %dma_start3A_1280 = arith.constant 0 : i32
        %dma_start3A_1281 = tpu.memref_slice %dma_start3A_1278[%dma_start3A_1279, %dma_start3A_1280] : memref<64x512xf32, #tpu.memory_space<vmem>> -> memref<32x512xf32, #tpu.memory_space<vmem>>
        %dma_start3A_1282 = arith.constant 32 : i32
        %dma_start3A_1283 = tpu.memref_slice %arg2[%dma_start3A_1282, %multiple_of3A_1247] : memref<64x1000000xf32, #tpu.memory_space<hbm>> -> memref<32x512xf32, #tpu.memory_space<hbm>>
        tpu.enqueue_dma source(%dma_start3A_1283 : memref<32x512xf32, #tpu.memory_space<hbm>>) target(%dma_start3A_1281 : memref<32x512xf32, #tpu.memory_space<vmem>>) target_semaphore(%arg11 : memref<!tpu.dma_semaphore, #tpu.memory_space<semaphore_mem>>)
      } else {
      }
      scf.yield %while3A_1232 : i32
    }
    %and3A_1191 = arith.constant 63 : i32
    %and3A_1192 = arith.andi %while3A_1190, %and3A_1191 : i32
    %ne3A_1193 = arith.constant 0 : i32
    %ne3A_1194 = arith.cmpi ne, %and3A_1192, %ne3A_1193 : i32
    %convert_element_type3A = arith.extui %ne3A_1194 : i1 to i32
    %cond3A = arith.constant 0 : i32
    %cond3A_1195 = arith.cmpi ne, %convert_element_type3A, %cond3A : i32
    scf.if %cond3A_1195 {
      %dma_start3A_1196 = arith.constant 0 : i32
      %dma_start3A_1197 = arith.constant 0 : i32
      %dma_start3A_1198 = tpu.memref_slice %arg4[%dma_start3A_1196, %dma_start3A_1197] : memref<16448x128xf32, #tpu.memory_space<hbm>> -> memref<16448x128xf32, #tpu.memory_space<hbm>>
      tpu.enqueue_indirect_dma source(%arg9 : memref<64x128xf32, #tpu.memory_space<vmem>>) target(%dma_start3A_1198 : memref<16448x128xf32, #tpu.memory_space<hbm>>) offsets(%arg10 : memref<64xi32, #tpu.memory_space<vmem>>) semaphore(%arg12 : memref<!tpu.dma_semaphore, #tpu.memory_space<semaphore_mem>>)
      %dma_wait3A = arith.constant 0 : i32
      %dma_wait3A_1199 = arith.constant 0 : i32
      %dma_wait3A_1200 = tpu.memref_slice %arg4[%dma_wait3A, %dma_wait3A_1199] : memref<16448x128xf32, #tpu.memory_space<hbm>> -> memref<16448x128xf32, #tpu.memory_space<hbm>>
      tpu.wait_indirect_dma semaphore(%arg12 : memref<!tpu.dma_semaphore, #tpu.memory_space<semaphore_mem>>) src(%arg9 : memref<64x128xf32, #tpu.memory_space<vmem>>) dst(%dma_wait3A_1200 : memref<16448x128xf32, #tpu.memory_space<hbm>>)
    } else {
    }
    return
  }
}

module attributes {stable_mosaic.version = 14 : i64} {
  func.func @_tc_body(%arg0: i32, %arg1: memref<64x4096xf32, #tpu.memory_space<vmem>>, %arg2: memref<4096x128xf32, #tpu.memory_space<vmem>>, %arg3: memref<1x1xf32, #tpu.memory_space<smem>>, %arg4: memref<64x128xf32, #tpu.memory_space<vmem>>, %arg5: memref<2xf32, #tpu.memory_space<smem>>) attributes {dimension_semantics = [#tpu.dimension_semantics<arbitrary>], iteration_bounds = array<i64: 4>, scalar_prefetch = 0 : i64, scratch_operands = 2 : i64, tpu.core_type = #tpu.core_type<tc>, window_params = [{transform_indices = @transform_0, window_bounds = array<i64: 64, 4096>}, {transform_indices = @transform_1, window_bounds = array<i64: 4096, 128>}, {transform_indices = @transform_2, window_bounds = array<i64: 1, 1>}]} {
    %eq3A = arith.constant 0 : i32
    %eq3A_0 = arith.cmpi eq, %arg0, %eq3A : i32
    %convert_element_type3A = arith.extui %eq3A_0 : i1 to i32
    %cond3A = arith.constant 0 : i32
    %cond3A_1 = arith.cmpi ne, %convert_element_type3A, %cond3A : i32
    scf.if %cond3A_1 {
      %broadcast_in_dim3A = arith.constant 0.000000e+00 : f32
      %broadcast_in_dim3A_39 = vector.broadcast %broadcast_in_dim3A : f32 to vector<64x128xf32>
      %swap3A_40 = arith.constant 0 : index
      %swap3A_41 = arith.constant 0 : index
      %swap3A_42 = vector.load %arg4[%swap3A_40, %swap3A_41] : memref<64x128xf32, #tpu.memory_space<vmem>>, vector<64x128xf32>
      tpu.vector_store %arg4[%swap3A_40, %swap3A_41], %broadcast_in_dim3A_39 {strides = array<i32>} : memref<64x128xf32, #tpu.memory_space<vmem>>, vector<64x128xf32>,
      %swap3A_43 = arith.constant 0.000000e+00 : f32
      %swap3A_44 = arith.constant 0 : index
      %swap3A_45 = memref.load %arg5[%swap3A_44] : memref<2xf32, #tpu.memory_space<smem>>
      memref.store %swap3A_43, %arg5[%swap3A_44] : memref<2xf32, #tpu.memory_space<smem>>
      %swap3A_46 = arith.constant 0.000000e+00 : f32
      %swap3A_47 = arith.constant 1 : index
      %swap3A_48 = memref.load %arg5[%swap3A_47] : memref<2xf32, #tpu.memory_space<smem>>
      memref.store %swap3A_46, %arg5[%swap3A_47] : memref<2xf32, #tpu.memory_space<smem>>
    } else {
    }
    %get3A = arith.constant 0 : index
    %get3A_2 = arith.constant 0 : index
    %get3A_3 = vector.load %arg1[%get3A, %get3A_2] : memref<64x4096xf32, #tpu.memory_space<vmem>>, vector<64x4096xf32>
    %get3A_4 = arith.constant 0 : index
    %get3A_5 = arith.constant 0 : index
    %get3A_6 = vector.load %arg2[%get3A_4, %get3A_5] : memref<4096x128xf32, #tpu.memory_space<vmem>>, vector<4096x128xf32>
    %get3A_7 = arith.constant 0 : index
    %get3A_8 = arith.constant 0 : index
    %get3A_9 = vector.load %arg4[%get3A_7, %get3A_8] : memref<64x128xf32, #tpu.memory_space<vmem>>, vector<64x128xf32>
    %dot_general3A = arith.constant dense<0.000000e+00> : vector<64x128xf32>
    %dot_general3A_10 = tpu.matmul %get3A_3, %get3A_6, %dot_general3A {dimension_numbers = #tpu.dot_dimension_numbers<[1], [0], [0], [1], [0, 0, 1, 1], [], []>, transpose_lhs_hint = false} : vector<64x4096xf32>, vector<4096x128xf32>, vector<64x128xf32> -> vector<64x128xf32>
    %add3A = arith.addf %get3A_9, %dot_general3A_10 : vector<64x128xf32>
    %swap3A = arith.constant 0 : index
    %swap3A_11 = arith.constant 0 : index
    %swap3A_12 = vector.load %arg4[%swap3A, %swap3A_11] : memref<64x128xf32, #tpu.memory_space<vmem>>, vector<64x128xf32>
    tpu.vector_store %arg4[%swap3A, %swap3A_11], %add3A {strides = array<i32>} : memref<64x128xf32, #tpu.memory_space<vmem>>, vector<64x128xf32>,
    %get3A_13 = arith.constant 0 : index
    %get3A_14 = memref.load %arg5[%get3A_13] : memref<2xf32, #tpu.memory_space<smem>>
    %mul3A = arith.mulf %get3A_3, %get3A_3 : vector<64x4096xf32>
    %reduce_sum3A = vector.shape_cast %mul3A : vector<64x4096xf32> to vector<1x64x4096xf32>
    %reduce_sum3A_15 = arith.constant dense<0.000000e+00> : vector<1xf32>
    %reduce_sum3A_16 = vector.multi_reduction <add>, %reduce_sum3A, %reduce_sum3A_15 [1, 2] : vector<1x64x4096xf32> to vector<1xf32>
    %reduce_sum3A_17 = vector.shape_cast %reduce_sum3A_16 : vector<1xf32> to vector<1x1x1xf32>
    %reduce_sum3A_18 = vector.extract %reduce_sum3A_17[0, 0, 0] : f32 from vector<1x1x1xf32>
    %add3A_19 = arith.addf %get3A_14, %reduce_sum3A_18 : f32
    %swap3A_20 = arith.constant 0 : index
    %swap3A_21 = memref.load %arg5[%swap3A_20] : memref<2xf32, #tpu.memory_space<smem>>
    memref.store %add3A_19, %arg5[%swap3A_20] : memref<2xf32, #tpu.memory_space<smem>>
    %get3A_22 = arith.constant 1 : index
    %get3A_23 = memref.load %arg5[%get3A_22] : memref<2xf32, #tpu.memory_space<smem>>
    %slice3A = vector.extract_strided_slice %get3A_6 {offsets = [0, 0], sizes = [4096, 64], strides = [1, 1]} : vector<4096x128xf32> to vector<4096x64xf32>
    %slice3A_24 = vector.extract_strided_slice %get3A_6 {offsets = [0, 0], sizes = [4096, 64], strides = [1, 1]} : vector<4096x128xf32> to vector<4096x64xf32>
    %mul3A_25 = arith.mulf %slice3A, %slice3A_24 : vector<4096x64xf32>
    %reduce_sum3A_26 = vector.shape_cast %mul3A_25 : vector<4096x64xf32> to vector<1x4096x64xf32>
    %reduce_sum3A_27 = arith.constant dense<0.000000e+00> : vector<1xf32>
    %reduce_sum3A_28 = vector.multi_reduction <add>, %reduce_sum3A_26, %reduce_sum3A_27 [1, 2] : vector<1x4096x64xf32> to vector<1xf32>
    %reduce_sum3A_29 = vector.shape_cast %reduce_sum3A_28 : vector<1xf32> to vector<1x1x1xf32>
    %reduce_sum3A_30 = vector.extract %reduce_sum3A_29[0, 0, 0] : f32 from vector<1x1x1xf32>
    %add3A_31 = arith.addf %get3A_23, %reduce_sum3A_30 : f32
    %swap3A_32 = arith.constant 1 : index
    %swap3A_33 = memref.load %arg5[%swap3A_32] : memref<2xf32, #tpu.memory_space<smem>>
    memref.store %add3A_31, %arg5[%swap3A_32] : memref<2xf32, #tpu.memory_space<smem>>
    %eq3A_34 = arith.constant 3 : i32
    %eq3A_35 = arith.cmpi eq, %arg0, %eq3A_34 : i32
    %convert_element_type3A_36 = arith.extui %eq3A_35 : i1 to i32
    %cond3A_37 = arith.constant 0 : i32
    %cond3A_38 = arith.cmpi ne, %convert_element_type3A_36, %cond3A_37 : i32
    scf.if %cond3A_38 {
      %iota3A = tpu.iota {dimensions = array<i32: 0>} : vector<64x128xi32>
      %iota3A_39 = tpu.iota {dimensions = array<i32: 1>} : vector<64x128xi32>
      %eq3A_40 = arith.cmpi eq, %iota3A, %iota3A_39 : vector<64x128xi32>
      %get3A_41 = arith.constant 0 : index
      %get3A_42 = arith.constant 0 : index
      %get3A_43 = vector.load %arg4[%get3A_41, %get3A_42] : memref<64x128xf32, #tpu.memory_space<vmem>>, vector<64x128xf32>
      %jit3A = arith.constant 0.000000e+00 : f32
      %broadcast_in_dim3A = vector.broadcast %jit3A : f32 to vector<64x128xf32>
      %select_n3A = arith.select %eq3A_40, %get3A_43, %broadcast_in_dim3A : vector<64x128xi1>, vector<64x128xf32>
      %reduce_sum3A_44 = vector.shape_cast %select_n3A : vector<64x128xf32> to vector<1x64x128xf32>
      %reduce_sum3A_45 = arith.constant dense<0.000000e+00> : vector<1xf32>
      %reduce_sum3A_46 = vector.multi_reduction <add>, %reduce_sum3A_44, %reduce_sum3A_45 [1, 2] : vector<1x64x128xf32> to vector<1xf32>
      %reduce_sum3A_47 = vector.shape_cast %reduce_sum3A_46 : vector<1xf32> to vector<1x1x1xf32>
      %reduce_sum3A_48 = vector.extract %reduce_sum3A_47[0, 0, 0] : f32 from vector<1x1x1xf32>
      %get3A_49 = arith.constant 0 : index
      %get3A_50 = memref.load %arg5[%get3A_49] : memref<2xf32, #tpu.memory_space<smem>>
      %get3A_51 = arith.constant 1 : index
      %get3A_52 = memref.load %arg5[%get3A_51] : memref<2xf32, #tpu.memory_space<smem>>
      %add3A_53 = arith.addf %get3A_50, %get3A_52 : f32
      %mul3A_54 = arith.constant 2.000000e+00 : f32
      %mul3A_55 = arith.mulf %mul3A_54, %reduce_sum3A_48 : f32
      %sub3A = arith.subf %add3A_53, %mul3A_55 : f32
      %mul3A_56 = arith.constant 6.10351563E-5 : f32
      %mul3A_57 = arith.mulf %sub3A, %mul3A_56 : f32
      %swap3A_58 = arith.constant 0 : index
      %swap3A_59 = arith.constant 0 : index
      %swap3A_60 = memref.load %arg3[%swap3A_58, %swap3A_59] : memref<1x1xf32, #tpu.memory_space<smem>>
      memref.store %mul3A_57, %arg3[%swap3A_58, %swap3A_59] : memref<1x1xf32, #tpu.memory_space<smem>>
    } else {
    }
    return
  }
  func.func @transform_0(%arg0: i32) -> (i32, i32) {
    %c0_i32 = arith.constant 0 : i32
    %c0_i32_0 = arith.constant 0 : i32
    return %c0_i32, %arg0 : i32, i32
  }
  func.func @transform_1(%arg0: i32) -> (i32, i32) {
    %c0_i32 = arith.constant 0 : i32
    %c0_i32_0 = arith.constant 0 : i32
    return %arg0, %c0_i32 : i32, i32
  }
  func.func @transform_2(%arg0: i32) -> (i32, i32) {
    %c0_i32 = arith.constant 0 : i32
    %c0_i32_0 = arith.constant 0 : i32
    %c0_i32_1 = arith.constant 0 : i32
    return %c0_i32, %c0_i32_0 : i32, i32
  }
}

</mosaic_0001>

<sc_bundles>
// kernel: kernel.4.cloned.1.call-start
scs
__scs_entry_jumppad:
0x0: {  	(pc) =	sbr.rel $0x88, $3  }
0x1: {  	(tag) =	ssettag $0x0;
	lr =	simm.s32 $0x1  }
0x2: {  	[smem:$0x3F9E] =	sst lr;
	_ =	strace $0xD0000000  }
0x3: {  	_ = 	snop  }
0x4: {  	_ = 	snop  }
0x5: {  	_ = 	snop  }
0x6: {  	_ = 	snop  }
0x7: {  	_ = 	snop  }
__scs_overlays_trampoline_lowered:
0x8: {  	[smem:$0x3FAD] =	sst s0  }
0x9: {  	[smem:$0x3FAE] =	sst s1  }
0xa: {  	[smem:$0x3FAF] =	sst s2  }
0xb: {  	[smem:$0x3FB0] =	sst s3  }
0xc: {  	[smem:$0x3FB1] =	sst s4  }
0xd: {  	[smem:$0x3FB2] =	sst s5  }
0xe: {  	[smem:$0x3FB3] =	sst s6  }
0xf: {  	[smem:$0x3FB4] =	sst s7  }
0x10: {  	[smem:$0x3FB5] =	sst s8  }
0x11: {  	[smem:$0x3FB6] =	sst s9;
	s0 =	simm.s32 @!p0 $0x0  }
0x12: {  	s1 =	sld [smem:$0x3F9C];
	s0 =	simm.s32 @p0 $0x1  }
0x13: {  	[smem:$0x3FB7] =	sst s0;
	s0 =	simm.s32 @!p1 $0x0  }
0x14: {  	s2 =	sld [smem:$0x3F9B];
	s0 =	simm.s32 @p1 $0x1  }
0x15: {  	[smem:$0x3FB8] =	sst s0;
	s0 =	simm.s32 @!p2 $0x0  }
0x16: {  	s3 =	sld [smem:$0x3FDB];
	s0 =	simm.s32 @p2 $0x1  }
0x17: {  	s4 =	simm.s32 $0x1BF5;
	[smem:$0x3FBA] =	sst s0  }
0x18: {  	s0 =	sld [smem:$0x3F9D];
	_ =	swait.ge [sflag:s4], $0x0  }
0x19: {  	s7 =	sld [smem:$0x3F9E]  }
0x1a: {  	s8 =	sadd.s32 $0xFFFFE003, lr  }
0x1b: {  	s9 =	sadd.s32 $0xFFFFFEF7, lr;
	s5 =	simm.s32 $0xFFFFFFFF;
	p2 =	slt.u32 s8, $0xFFFFF086  }
0x1c: {  	p1 =	slt.u32 s9, $0xF7A;
	s5 =	simm.s32 @!p2 $0x0  }
0x1d: {  	s5 =	simm.s32 @p1 $0x1;
	p0 =	seq.s32 s7, s2  }
0x1e: {  	s7 =	smul.u32 @!p0 $0xF7A, s2;
	p2 =	seq.s32 @!p0 s5, $0x0  }
0x1f: {  	s9 =	smul.u32 $0xF7A, s1;
	s8 =	simm.s32 @!p0 $0x1BF5;
	p2 =	por !p2, p0  }
0x20: {  	[sflag:s8] =	ssyncset.s32 @!p0 $0xFFFFF086;
	s6 =	sadd.s32 @!p0 s3, s7;
	s7 =	simm.s32 @!p0 $0x108  }
0x21: {  	s3 =	sadd.s32 s3, s9;
	s6 =	sadd.s32 @!p0 $0x88, s6;
	s7 =	simm.s32 @p2 $0x1082  }
0x22: {  	[simem:s7], [sflag:s8] =	dma.local @!p0 [hbm:s6], $0xF7A  }
0x23: {  	s9 =	sor.u32 $0xD0000000, s2;
	s6 =	simm.s32 $0x108;
	_ =	swait.ge @!p0 [sflag:s8], $0x0  }
0x24: {  	s3 =	sadd.s32 $0x88, s3;
	s6 =	simm.s32 @!p1 $0x1082;
	[sflag:s4] =	ssyncset.s32 $0xFFFFF086  }
0x25: {  	[simem:s6], [sflag:s4] =	dma.local [hbm:s3], $0xF7A  }
0x26: {  	[smem:$0x3F9E] =	sst s1;
	(tag) =	ssettag s2;
	_ =	strace s9  }
0x27: {  	s1 =	sld [smem:$0x3FAE]  }
0x28: {  	s2 =	sld [smem:$0x3FAF]  }
0x29: {  	s4 =	sld [smem:$0x3FB1]  }
0x2a: {  	p0 =	seq.s32 s5, $0x0;
	s5 =	sld [smem:$0x3FB2]  }
0x2b: {  	s6 =	sld [smem:$0x3FB3]  }
0x2c: {  	s7 =	sld [smem:$0x3FB4]  }
0x2d: {  	s3 =	simm.s32 $0x108;
	s8 =	sld [smem:$0x3FB5]  }
0x2e: {  	s3 =	simm.s32 @!p0 $0x1082;
	s9 =	sld [smem:$0x3FB6]  }
0x2f: {  	lr =	sadd.s32 s0, s3;
	s0 =	sld [smem:$0x3FAD]  }
0x30: {  	s3 =	sld [smem:$0x3FB0]  }
0x31: {  	[smem:$0x3FB9] =	sst s10  }
0x32: {  	s10 =	sld [smem:$0x3FB7];
	_ =	sdelay $0x3  }
0x33: {  	p0 =	seq.s32 s10, $0x1;
	s10 =	sld [smem:$0x3FB9];
	_ =	sdelay $0x3  }
0x34: {  	[smem:$0x3FB9] =	sst s10  }
0x35: {  	s10 =	sld [smem:$0x3FB8];
	_ =	sdelay $0x3  }
0x36: {  	p1 =	seq.s32 s10, $0x1;
	s10 =	sld [smem:$0x3FB9];
	_ =	sdelay $0x3  }
0x37: {  	[smem:$0x3FB9] =	sst s10  }
0x38: {  	s10 =	sld [smem:$0x3FBA]  }
0x39: {  	_ = 	snop;
	(pc) =	sbr.ind lr, $3  }
0x3a: {  	_ = 	snop  }
0x3b: {  	_ = 	snop  }
0x3c: {  	p2 =	seq.s32 s10, $0x1;
	s10 =	sld [smem:$0x3FB9]  }
0x3d: {  	_ =	shalt  }
0x3e: {  	_ =	shalt  }
0x3f: {  	_ =	shalt  }
0x40: {  	_ =	shalt  }
0x41: {  	_ =	shalt  }
0x42: {  	_ =	shalt  }
0x43: {  	_ =	shalt  }
0x44: {  	_ =	shalt  }
0x45: {  	_ =	shalt  }
0x46: {  	_ =	shalt  }
0x47: {  	_ =	shalt  }
0x48: {  	_ =	shalt  }
0x49: {  	_ =	shalt  }
0x4a: {  	_ =	shalt  }
0x4b: {  	_ =	shalt  }
0x4c: {  	_ =	shalt  }
0x4d: {  	_ =	shalt  }
0x4e: {  	_ =	shalt  }
0x4f: {  	_ =	shalt  }
0x50: {  	_ =	shalt  }
0x51: {  	_ =	shalt  }
0x52: {  	_ =	shalt  }
0x53: {  	_ =	shalt  }
0x54: {  	_ =	shalt  }
0x55: {  	_ =	shalt  }
0x56: {  	_ =	shalt  }
0x57: {  	_ =	shalt  }
0x58: {  	_ =	shalt  }
0x59: {  	_ =	shalt  }
0x5a: {  	_ =	shalt  }
0x5b: {  	_ =	shalt  }
0x5c: {  	_ =	shalt  }
0x5d: {  	_ =	shalt  }
0x5e: {  	_ =	shalt  }
0x5f: {  	_ =	shalt  }
0x60: {  	_ =	shalt  }
0x61: {  	_ =	shalt  }
0x62: {  	_ =	shalt  }
0x63: {  	_ =	shalt  }
0x64: {  	_ =	shalt  }
0x65: {  	_ =	shalt  }
0x66: {  	_ =	shalt  }
0x67: {  	_ =	shalt  }
0x68: {  	_ =	shalt  }
0x69: {  	_ =	shalt  }
0x6a: {  	_ =	shalt  }
0x6b: {  	_ =	shalt  }
0x6c: {  	_ =	shalt  }
0x6d: {  	_ =	shalt  }
0x6e: {  	_ =	shalt  }
0x6f: {  	_ =	shalt  }
0x70: {  	_ =	shalt  }
0x71: {  	_ =	shalt  }
0x72: {  	_ =	shalt  }
0x73: {  	_ =	shalt  }
0x74: {  	_ =	shalt  }
0x75: {  	_ =	shalt  }
0x76: {  	_ =	shalt  }
0x77: {  	_ =	shalt  }
0x78: {  	_ =	shalt  }
0x79: {  	_ =	shalt  }
0x7a: {  	_ =	shalt  }
0x7b: {  	_ =	shalt  }
0x7c: {  	_ =	shalt  }
0x7d: {  	_ =	shalt  }
0x7e: {  	_ =	shalt  }
0x7f: {  	_ =	shalt  }
0x80: {  	_ =	shalt  }
0x81: {  	_ =	shalt  }
0x82: {  	_ =	shalt  }
0x83: {  	_ =	shalt  }
0x84: {  	_ =	shalt  }
0x85: {  	_ =	shalt  }
0x86: {  	_ =	shalt  }
0x87: {  	_ =	shalt  }
.Lfunc_end0:
.L_simem_size_0:
called_computation_lowered:
.L_overlay_start_0:
0x88: {  	s2 =	sld [smem:$0x3FD9]  }
0x89: {  	s3 =	sld [smem:$0x3FFE];
	_ =	sdelay $0x1  }
0x8a: {  	s1 =	srdreg.scid  }
0x8b: {  	s0 =	sand.u32 $0x1, s1  }
0x8c: {  	s17 =	sshll.u32 s0, $0xA;
	s2 =	sadd.s32 s3, s2  }
0x8d: {  	s2 =	sadd.s32 s2, s17  }
0x8e: {  	[smem:$0x3FC5] =	sst s2  }
0x8f: {  	_ = 	snop  }
0x90: {  	s2 =	sld [smem:$0x3FC8]  }
0x91: {  	s18 =	sld [smem:$0x3FC7];
	(tm) =	ssettm $0x1  }
0x92: {  	s4 =	sld [smem:$0x3FFB];
	_ =	sdelay $0x3  }
0x93: {  	_ =	strace s4  }
0x94: {  	s4 =	sld [smem:$0x3FFC];
	_ =	sdelay $0x3  }
0x95: {  	_ =	strace s4  }
0x96: {  	s4 =	sld [smem:$0x3FFD];
	_ =	sdelay $0x3  }
0x97: {  	_ =	strace s4  }
0x98: {  	_ =	strace $0x8FFFFFFF  }
0x99: {  	s19 =	sld [smem:$0x3FDB];
	_ =	sdelay $0x1  }
0x9a: {  	s5 =	simm.s32 $_scs_section_size  }
0x9b: {  	s6 =	simm.s32 $_size__tile_overlayer_lowered;
	s7 =	simm.s32 $_tile_overlayer_lowered  }
0x9c: {  	s22 =	simm.s32 $0x1BFF;
	s21 =	sshll.u32 s7, $0x1;
	s4 =	sadd.s32 s5, s19  }
0x9d: {  	s8 =	simm.s32 $0x0;
	s20 =	sshll.u32 s6, $0x1;
	s6 =	sadd.s32 s21, s4  }
0x9e: {  	[timem:s8], [sflag:s22] =	dma.local [hbm:s6], s20  }
0x9f: {  	_ =	swait.ge [sflag:s22], s20  }
0xa0: {  	s5 =	ssub.s32 $0x0, s20;
	[sflag:s22] =	ssyncset.done $0x0  }
0xa1: {  	[sflag:s22] =	ssyncadd.s32 s5;
	_ =	sdelay $0x1  }
0xa2: {  	s23 =	simm.s32 $0x1B8B  }
0xa3: {  	_ =	swait.ge [sflag:s23], $0x1  }
0xa4: {  	[sflag:s23] =	ssyncset.done $0x0  }
0xa5: {  	s25 =	simm.s32 $0x1B8E;
	s24 =	sld [smem:$0x3FFE];
	[sflag:s23] =	ssyncadd.s32 $0xFFFFFFFF  }
0xa6: {  	s26 =	simm.s32 $execute0_lowered;
	[smem:$0x3FD2] =	sst s25  }
0xa7: {  	s6 =	sshll.u32 s26, $0x1;
	_ =	strace $0x80000046;
	[dreg:$0x1] =	wrdreg $0xFFFFFFFF  }
0xa8: {  	s28 =	simm.s32 $_size_execute0_lowered;
	s4 =	sadd.s32 s4, s6;
	[dreg:$0x0] =	wrdreg $0x0  }
0xa9: {  	s6 =	sshll.u32 s28, $0x1;
	[dreg:$0x2] =	wrdreg s4  }
0xaa: {  	[dreg:$0x3] =	wrdreg s6  }
0xab: {  	[dreg:$0x4] =	wrdreg $0xC0  }
0xac: {  	_ =	task [dreg:s8], $0x5FFFF  }
0xad: {  	[dreg:$0x1] =	wrdreg $0xFFFFFFFF  }
0xae: {  	[dreg:$0x0] =	wrdreg $0x60  }
0xaf: {  	[dreg:$0x2] =	wrdreg s18  }
0xb0: {  	[dreg:$0x3] =	wrdreg s2  }
0xb1: {  	[dreg:$0x4] =	wrdreg s24  }
0xb2: {  	[dreg:$0x5] =	wrdreg $0x9  }
0xb3: {  	_ =	task.clear_ibuf [dreg:s8], $0x6FFFF;
	_ =	strace $0x90000046  }
0xb4: {  	s29 =	simm.s32 $0x9;
	_ =	strace $0x80000048  }
0xb5: {  	_ =	swait.ge [sflag:s29], $0x1  }
0xb6: {  	[sflag:s29] =	ssyncadd.s32 $0xFFFFFFFF  }
0xb7: {  	_ =	strace $0x90000048  }
0xb8: {  	_ =	sfence  }
0xb9: {  	s30 =	sld [smem:$0x0];
	_ =	sdelay $0x2  }
0xba: {  	s31 =	sshll.u32 s1, $0xD;
	s1 =	sshrl.u32 s1, $0x2  }
0xbb: {  	s3 =	sand.u32 $0x4000, s31;
	s1 =	sadd.s32 s1, s30  }
0xbc: {  	s0 =	sor.u32 s3, s0;
	s1 =	sshll.u32 s1, $0x11  }
0xbd: {  	s0 =	sor.u32 s1, s0  }
0xbe: {  	s0 =	sadd.s32 $0x8F2B, s0  }
0xbf: {  	[sflag:s0] =	ssyncadd.remote.s32 $0x1  }
0xc0: {  	_ =	sfence.sel $0xFFFF  }
0xc1: {  	[dreg:$0x0] =	wrdreg $0xFFFFFFFF;
	(pc) =	sbr.abs _section_cstart, $3  }
0xc2: {  	[dreg:$0x1] =	wrdreg $0xFFFFFFFF  }
0xc3: {  	_ =	task.clear_ibuf [dreg:s8], $0x2FFFF;
	_ =	strace $0x9FFFFFFF  }
0xc4: {  	(tm) =	ssettm $0x7FFFFFFF  }
0xc5: {  	_ =	shalt  }
tec
execute0_lowered:
.L_overlay_start_1:
0x0: {  	(tag) =	ssettag $0x1  }
0x1: {  	v0 =	vimm.s32 $0x1380;
	vm13 =	vcmask $0x300  }
0x2: {  	vm14 =	vcmask $0x704;
	vm12 =	vcmask $0xB08;
	vm11 =	vcmask $0xF0C  }
0x3: {  	vm10 =	vcmask $0x1310;
	vm9 =	vcmask $0x1714;
	vm8 =	vcmask $0x1B18  }
0x4: {  	vm7 =	vcmask $0x1F1C;
	vm6 =	vcmask $0x2320;
	vm5 =	vcmask $0x2724  }
0x5: {  	vm4 =	vcmask $0x2B28;
	vm3 =	vcmask $0x2F2C;
	vm2 =	vcmask $0x3330  }
0x6: {  	vm1 =	vcmask $0x3734;
	vm0 =	vcmask $0x3B38;
	v9 =	vimm.f32 $0.0e+00  }
0x7: {  	v11 =	vimm.s32 $0x3380;
	v12 =	vimm.s32 $0x5380;
	v13 =	vimm.s32 $0x7380  }
0x8: {  	v0 =	vsel vm13, $0x0, v0;
	v11 =	vsel vm13, $0x2000, v11;
	v12 =	vsel vm13, $0x4000, v12  }
0x9: {  	s0 =	srdreg.scid;
	s4 =	stileid.u32;
	v13 =	vsel vm13, $0x6000, v13;
	v0 =	vsel vm14, $0x80, v0;
	v11 =	vsel vm14, $0x2080, v11  }
0xa: {  	s5 =	sand.u32 $0x1, s0;
	s30 =	sshll.u32 s4, $0x1;
	v12 =	vsel vm14, $0x4080, v12;
	v13 =	vsel vm14, $0x6080, v13;
	v0 =	vsel vm12, $0x100, v0  }
0xb: {  	s0 =	sor.u32 s5, s30;
	v11 =	vsel vm12, $0x2100, v11;
	v12 =	vsel vm12, $0x4100, v12;
	v13 =	vsel vm12, $0x6100, v13  }
0xc: {  	s1 =	smul.u32 $0x3E, s0;
	v0 =	vsel vm11, $0x180, v0;
	v11 =	vsel vm11, $0x2180, v11;
	v12 =	vsel vm11, $0x4180, v12  }
0xd: {  	v13 =	vsel vm11, $0x6180, v13;
	v0 =	vsel vm10, $0x200, v0;
	v11 =	vsel vm10, $0x2200, v11  }
0xe: {  	s2 =	ssub.s32 $0x7A2, s1;
	v12 =	vsel vm10, $0x4200, v12;
	v13 =	vsel vm10, $0x6200, v13;
	v1 =	vsel vm9, $0x280, v0  }
0xf: {  	s2 =	smin.u32 s2, $0x3E;
	v0 =	vmov s1;
	v11 =	vsel vm9, $0x2280, v11;
	v12 =	vsel vm9, $0x4280, v12  }
0x10: {  	v13 =	vsel vm9, $0x6280, v13;
	s3 =	sadd.s32 s1, s2;
	v2 =	vsel vm8, $0x300, v1;
	v11 =	vsel vm8, $0x2300, v11  }
0x11: {  	v12 =	vsel vm8, $0x4300, v12;
	v13 =	vsel vm8, $0x6300, v13;
	v1 =	vmov s3  }
0x12: {  	v3 =	vsel vm7, $0x380, v2;
	v2 =	vimm.s32 $0x0;
	v11 =	vsel vm7, $0x2380, v11  }
0x13: {  	v12 =	vsel vm7, $0x4380, v12;
	v13 =	vsel vm7, $0x6380, v13;
	v4 =	vsel vm6, $0x1000, v3  }
0x14: {  	s7 =	rddreg [dreg:$0x2];
	s6 =	simm.s32 $0x0;
	s16 =	simm.s32 $0x7A1400;
	v3 =	vlaneseq.u32;
	v11 =	vsel vm6, $0x3000, v11;
	v12 =	vsel vm6, $0x5000, v12  }
0x15: {  	s14 =	simm.s32 $0x1000;
	s17 =	simm.s32 $0xC100;
	s20 =	simm.s32 $0x18100;
	v13 =	vsel vm6, $0x7000, v13;
	v5 =	vsel vm5, $0x1080, v4;
	v4 =	vimm.s32 $0x40000000  }
0x16: {  	s21 =	simm.s32 $0x3;
	s22 =	simm.s32 $0x4000;
	s23 =	simm.s32 $0x8080;
	v11 =	vsel vm5, $0x3080, v11;
	v12 =	vsel vm5, $0x5080, v12;
	v13 =	vsel vm5, $0x7080, v13  }
0x17: {  	s24 =	simm.s32 $0x1;
	s25 =	simm.s32 $0x1E100;
	s10 =	smul.u32 $0xFFFFFF84, s4;
	v6 =	vsel vm4, $0x1100, v5;
	v5 =	vor.u32 $0x4000, v3;
	v11 =	vsel vm4, $0x3100, v11  }
0x18: {  	s26 =	simm.s32 $0x0;
	s8 =	ssub.s32 $0x2, s5;
	s5 =	smul.u32 $0xFFFFFFC2, s5;
	v12 =	vsel vm4, $0x5100, v12;
	v13 =	vsel vm4, $0x7100, v13;
	v7 =	vsel vm3, $0x1180, v6  }
0x19: {  	[smem:$0x7FF] =	sst s6;
	s7 =	sadd.s32 $0x800, s7;
	s0 =	smul.u32 $0x7C00, s0;
	v6 =	vor.u32 $0x4010, v3;
	v11 =	vsel vm3, $0x3180, v11;
	v12 =	vsel vm3, $0x5180, v12  }
.Ltmp0:
0x1a: {  	s9 =	sshrl.u32 s8, $0x1;
	s5 =	sadd.s32 s10, s5;
	v13 =	vsel vm3, $0x7180, v13;
	v8 =	vsel vm2, $0x1200, v7;
	v7 =	vor.u32 $0x4020, v3;
	(pc) =	sbr.rel .LBB2_1-.Ltmp0, $4  }
0x1b: {  	s15 =	ssub.s32 s8, s9;
	s12 =	sor.u32 $0x200, s0;
	s31 =	sadd.s32 $0x7A2, s5;
	v11 =	vsel vm2, $0x3200, v11;
	v12 =	vsel vm2, $0x5200, v12;
	v13 =	vsel vm2, $0x7200, v13  }
0x1c: {  	s15 =	smax.u32 s15, $0x1;
	s3 =	rddreg [dreg:$0x0];
	_ =	strace $0x80000047;
	v10 =	vsel vm1, $0x1280, v8;
	v8 =	vor.u32 $0x4030, v3;
	v11 =	vsel vm1, $0x3280, v11  }
0x1d: {  	s13 =	smin.u32 s31, $0x3E;
	s8 =	sadd.s32 s3, s0;
	s9 =	sadd.s32 $0x3D0A00, s3;
	v12 =	vsel vm1, $0x5280, v12;
	v13 =	vsel vm1, $0x7280, v13;
	v10 =	vsel vm0, $0x1300, v10  }
0x1e: {  	s11 =	sadd.s32 s3, s12;
	s10 =	sadd.s32 s0, s9;
	s12 =	sadd.s32 s12, s9;
	v11 =	vsel vm0, $0x3300, v11;
	v12 =	vsel vm0, $0x5300, v12;
	v13 =	vsel vm0, $0x7300, v13  }
.LBB2_11:
0x1f: {  	s0 =	sand.u32 $0x3F, s29;
	s26 =	sadd.s32 $0x1, s26  }
0x20: {  	p0 =	seq.s32 s0, $0x0;
	p1 =	sne.s32 s26, s15  }
0x21: {  	s0 =	simm.s32 @!p0 $0x40;
	s4 =	simm.s32 @!p0 $0x1E100;
	s5 =	simm.s32 @!p0 $0x1C100  }
0x22: {  	[hbm4b:s7+s0] =	stream.indirect.scatter @!p0 [tilespmem:s5], [sflag:$0x2], $0x80, s4, s0, $0xb8;
	[tilespmem:$0x1E180] =	vst v63  }
.Ltmp1:
0x23: {  	_ = 	snop;
	(pc) =	sbr.rel @!p1 .LBB2_12-.Ltmp1, $4  }
0x24: {  	s0 =	simm.s32 @!p0 $0x2  }
0x25: {  	_ =	swait.ge @!p0 [sflag:s0], $0x2000  }
0x26: {  	[sflag:s0] =	ssyncset.done @!p0 $0x0  }
0x27: {  	[sflag:s0] =	ssyncadd.s32 @!p0 $0xFFFFE000  }
.LBB2_1:
0x28: {  	s0 =	rddreg [dreg:$0x1]  }
0x29: {  	[tilespmem:s6], [sflag:$0x3] =	stream.linear.gather [hbm4b:s0+s6], $0x4000, $0x38;
	[tilespmem:$0x1E180] =	vst v63  }
0x2a: {  	_ = 	snop  }
0x2b: {  	[tilespmem:s17], [sflag:$0x1] =	stream.strided.gather [hbm4b:s8+s14], $0x4000, s16, s14, $0x38;
	[tilespmem:$0x1E180] =	vst v63  }
0x2c: {  	s19 =	simm.s32 $0x10100  }
0x2d: {  	[tilespmem:s19], [sflag:$0x1] =	stream.strided.gather [hbm4b:s10+s14], $0x4000, s16, s14, $0x38;
	[tilespmem:$0x1E180] =	vst v63  }
0x2e: {  	s31 =	simm.s32 $0x14100  }
0x2f: {  	[tilespmem:s31], [sflag:$0x1] =	stream.strided.gather [hbm4b:s11+s14], $0x4000, s16, s14, $0x38;
	[tilespmem:$0x1E180] =	vst v63  }
0x30: {  	_ = 	snop  }
0x31: {  	[tilespmem:s20], [sflag:$0x1] =	stream.strided.gather [hbm4b:s12+s14], $0x4000, s16, s14, $0x38;
	[tilespmem:$0x1E180] =	vst v63  }
0x32: {  	_ =	swait.ge [sflag:s21], $0x4000  }
0x33: {  	[sflag:s21] =	ssyncset.done $0x0  }
0x34: {  	[sflag:s21] =	ssyncadd.s32 $0xFFFFC000  }
0x35: {  	v14 =	vld [tilespmem:s6+$0x0];
	_ =	sdelay $0x4  }
0x36: {  	v15 =	vshrl.u32 v14, $0x9  }
0x37: {  	vm0 =	vge.u32 v15, v0;
	vm1 =	vlt.u32 v15, v1  }
0x38: {  	vm0 =	vmand vm0, vm1  }
0x39: {  	v15 =	vsel vm0, $0x1, v2  }
0x3a: {  	(xrf0) =	vadd.scan.msk.s32 $0xffff, v15;
	_ =	sdelay $0x2  }
0x3b: {  	v15 =	vmov s6  }
0x3c: {  	v15 =	vadd.s32 $0xFFFFFFFF, v15  }
0x3d: {  	v15 =	vbroadcast v15, $0x0  }
0x3e: {  	v16, _, _ =	vpop (xrf0)  }
0x3f: {  	v15 =	vadd.s32 v16, v15;
	(v2sf) =	vpush v16, $0xF;
	_ =	sdelay $0x4  }
0x40: {  	[tilespmem:v15+s22+$0x0] =	vst.idx.msk vm0, v14;
	v14 =	vor.u32 s6, v3  }
0x41: {  	s5 =	simm.s32 $0x10;
	[tilespmem:v15+s23+$0x0] =	vst.idx.msk vm0, v14  }
0x42: {  	s29 =	simm.s32 $0x20;
	s28 =	simm.s32 $0x0;
	s30 =	simm.s32 $0x10;
	v14 =	vld [tilespmem:s5+$0x0]  }
.LBB2_2:
0x43: {  	p0 =	sne.s32 s29, $0x3FF0;
	_ =	sdelay $0x3  }
0x44: {  	v15 =	vshrl.u32 v14, $0x9  }
0x45: {  	vm0 =	vge.u32 v15, v0;
	vm1 =	vlt.u32 v15, v1  }
0x46: {  	vm0 =	vmand vm0, vm1  }
0x47: {  	v15 =	vsel vm0, $0x1, v2;
	s0 =	spop (v2sf)  }
0x48: {  	(xrf0) =	vadd.scan.msk.s32 $0xffff, v15;
	s28 =	sadd.s32 s28, s0  }
0x49: {  	v15 =	vmov s28  }
0x4a: {  	v15 =	vadd.s32 $0xFFFFFFFF, v15  }
0x4b: {  	v15 =	vbroadcast v15, $0x0;
	_ =	sdelay $0x2  }
0x4c: {  	v16, _, _ =	vpop (xrf0)  }
0x4d: {  	v15 =	vadd.s32 v16, v15;
	(v2sf) =	vpush v16, $0xF;
	_ =	sdelay $0x2  }
.Ltmp2:
0x4e: {  	(pc) =	sbr.rel @p0 .LBB2_2-.Ltmp2, $4  }
0x4f: {  	_ = 	snop  }
0x50: {  	[tilespmem:v15+s22+$0x0] =	vst.idx.msk vm0, v14;
	v14 =	vor.u32 s5, v3;
	s5 =	smov.u32 s29  }
0x51: {  	s30 =	sadd.s32 $0x10, s30;
	[tilespmem:v15+s23+$0x0] =	vst.idx.msk vm0, v14  }
0x52: {  	s29 =	sadd.s32 $0x10, s29;
	v14 =	vld [tilespmem:s30+$0x0]  }
0x53: {  	_ =	sdelay $0x3  }
0x54: {  	v15 =	vshrl.u32 v14, $0x9  }
0x55: {  	vm0 =	vge.u32 v15, v0;
	vm1 =	vlt.u32 v15, v1  }
0x56: {  	vm0 =	vmand vm0, vm1  }
0x57: {  	v15 =	vsel vm0, $0x1, v2  }
0x58: {  	(xrf0) =	vadd.scan.msk.s32 $0xffff, v15;
	_ =	sdelay $0x5  }
0x59: {  	v15, _, _ =	vpop (xrf0)  }
0x5a: {  	(v2sf) =	vpush v15, $0xF;
	_ =	sdelay $0x3  }
0x5b: {  	s0 =	spop (v2sf)  }
0x5c: {  	s0 =	sadd.s32 s28, s0  }
0x5d: {  	v16 =	vmov s0  }
0x5e: {  	v16 =	vadd.s32 $0xFFFFFFFF, v16  }
0x5f: {  	v16 =	vbroadcast v16, $0x0;
	_ =	sdelay $0x1  }
0x60: {  	v15 =	vadd.s32 v15, v16;
	_ =	sdelay $0x4  }
0x61: {  	[tilespmem:v15+s22+$0x0] =	vst.idx.msk vm0, v14;
	v14 =	vor.u32 s5, v3;
	s18 =	spop (v2sf)  }
0x62: {  	[tilespmem:v15+s23+$0x0] =	vst.idx.msk vm0, v14;
	s28 =	sadd.s32 s0, s18  }
0x63: {  	[tilespmem:s28+$0x4000] =	vst v4  }
0x64: {  	[tilespmem:$0x1E100] =	vst v5  }
0x65: {  	[tilespmem:$0x1E110] =	vst v6  }
0x66: {  	[tilespmem:$0x1E120] =	vst v7  }
0x67: {  	[tilespmem:$0x1E130] =	vst v8  }
0x68: {  	[tilespmem:$0x1C140] =	vst v9  }
0x69: {  	[tilespmem:$0x1C150] =	vst v9  }
0x6a: {  	[tilespmem:$0x1C160] =	vst v9  }
0x6b: {  	[tilespmem:$0x1C170] =	vst v9  }
0x6c: {  	[tilespmem:$0x1C1C0] =	vst v9  }
0x6d: {  	[tilespmem:$0x1C1D0] =	vst v9  }
0x6e: {  	[tilespmem:$0x1C1E0] =	vst v9  }
0x6f: {  	[tilespmem:$0x1C1F0] =	vst v9  }
0x70: {  	[tilespmem:$0x1C240] =	vst v9  }
0x71: {  	[tilespmem:$0x1C250] =	vst v9  }
0x72: {  	[tilespmem:$0x1C260] =	vst v9  }
0x73: {  	[tilespmem:$0x1C270] =	vst v9  }
0x74: {  	[tilespmem:$0x1C2C0] =	vst v9  }
0x75: {  	[tilespmem:$0x1C2D0] =	vst v9  }
0x76: {  	[tilespmem:$0x1C2E0] =	vst v9  }
0x77: {  	[tilespmem:$0x1C2F0] =	vst v9  }
0x78: {  	[tilespmem:$0x1C340] =	vst v9  }
0x79: {  	[tilespmem:$0x1C350] =	vst v9  }
0x7a: {  	[tilespmem:$0x1C360] =	vst v9  }
0x7b: {  	[tilespmem:$0x1C370] =	vst v9  }
0x7c: {  	[tilespmem:$0x1C3C0] =	vst v9  }
0x7d: {  	[tilespmem:$0x1C3D0] =	vst v9  }
0x7e: {  	[tilespmem:$0x1C3E0] =	vst v9  }
0x7f: {  	[tilespmem:$0x1C3F0] =	vst v9  }
0x80: {  	[tilespmem:$0x1C440] =	vst v9  }
0x81: {  	[tilespmem:$0x1C450] =	vst v9  }
0x82: {  	[tilespmem:$0x1C460] =	vst v9  }
0x83: {  	[tilespmem:$0x1C470] =	vst v9  }
0x84: {  	[tilespmem:$0x1C4C0] =	vst v9  }
0x85: {  	[tilespmem:$0x1C4D0] =	vst v9  }
0x86: {  	[tilespmem:$0x1C4E0] =	vst v9  }
0x87: {  	[tilespmem:$0x1C4F0] =	vst v9  }
0x88: {  	[tilespmem:$0x1C540] =	vst v9  }
0x89: {  	[tilespmem:$0x1C550] =	vst v9  }
0x8a: {  	[tilespmem:$0x1C560] =	vst v9  }
0x8b: {  	[tilespmem:$0x1C570] =	vst v9  }
0x8c: {  	[tilespmem:$0x1C5C0] =	vst v9  }
0x8d: {  	[tilespmem:$0x1C5D0] =	vst v9  }
0x8e: {  	[tilespmem:$0x1C5E0] =	vst v9  }
0x8f: {  	[tilespmem:$0x1C5F0] =	vst v9  }
0x90: {  	[tilespmem:$0x1C640] =	vst v9  }
0x91: {  	[tilespmem:$0x1C650] =	vst v9  }
0x92: {  	[tilespmem:$0x1C660] =	vst v9  }
0x93: {  	[tilespmem:$0x1C670] =	vst v9  }
0x94: {  	[tilespmem:$0x1C6C0] =	vst v9  }
0x95: {  	[tilespmem:$0x1C6D0] =	vst v9  }
0x96: {  	[tilespmem:$0x1C6E0] =	vst v9  }
0x97: {  	[tilespmem:$0x1C6F0] =	vst v9  }
0x98: {  	[tilespmem:$0x1C740] =	vst v9  }
0x99: {  	[tilespmem:$0x1C750] =	vst v9  }
0x9a: {  	[tilespmem:$0x1C760] =	vst v9  }
0x9b: {  	[tilespmem:$0x1C770] =	vst v9  }
0x9c: {  	[tilespmem:$0x1C7C0] =	vst v9  }
0x9d: {  	[tilespmem:$0x1C7D0] =	vst v9  }
0x9e: {  	[tilespmem:$0x1C7E0] =	vst v9  }
0x9f: {  	[tilespmem:$0x1C7F0] =	vst v9  }
0xa0: {  	[tilespmem:$0x1C840] =	vst v9  }
0xa1: {  	[tilespmem:$0x1C850] =	vst v9  }
0xa2: {  	[tilespmem:$0x1C860] =	vst v9  }
0xa3: {  	[tilespmem:$0x1C870] =	vst v9  }
0xa4: {  	[tilespmem:$0x1C8C0] =	vst v9  }
0xa5: {  	[tilespmem:$0x1C8D0] =	vst v9  }
0xa6: {  	[tilespmem:$0x1C8E0] =	vst v9  }
0xa7: {  	[tilespmem:$0x1C8F0] =	vst v9  }
0xa8: {  	[tilespmem:$0x1C940] =	vst v9  }
0xa9: {  	[tilespmem:$0x1C950] =	vst v9  }
0xaa: {  	[tilespmem:$0x1C960] =	vst v9  }
0xab: {  	[tilespmem:$0x1C970] =	vst v9  }
0xac: {  	[tilespmem:$0x1C9C0] =	vst v9  }
0xad: {  	[tilespmem:$0x1C9D0] =	vst v9  }
0xae: {  	[tilespmem:$0x1C9E0] =	vst v9  }
0xaf: {  	[tilespmem:$0x1C9F0] =	vst v9  }
0xb0: {  	[tilespmem:$0x1CA40] =	vst v9  }
0xb1: {  	[tilespmem:$0x1CA50] =	vst v9  }
0xb2: {  	[tilespmem:$0x1CA60] =	vst v9  }
0xb3: {  	[tilespmem:$0x1CA70] =	vst v9  }
0xb4: {  	[tilespmem:$0x1CAC0] =	vst v9  }
0xb5: {  	[tilespmem:$0x1CAD0] =	vst v9  }
0xb6: {  	[tilespmem:$0x1CAE0] =	vst v9  }
0xb7: {  	[tilespmem:$0x1CAF0] =	vst v9  }
0xb8: {  	[tilespmem:$0x1CB40] =	vst v9  }
0xb9: {  	[tilespmem:$0x1CB50] =	vst v9  }
0xba: {  	[tilespmem:$0x1CB60] =	vst v9  }
0xbb: {  	[tilespmem:$0x1CB70] =	vst v9  }
0xbc: {  	[tilespmem:$0x1CBC0] =	vst v9  }
0xbd: {  	[tilespmem:$0x1CBD0] =	vst v9  }
0xbe: {  	[tilespmem:$0x1CBE0] =	vst v9  }
0xbf: {  	[tilespmem:$0x1CBF0] =	vst v9  }
0xc0: {  	[tilespmem:$0x1CC40] =	vst v9  }
0xc1: {  	[tilespmem:$0x1CC50] =	vst v9  }
0xc2: {  	[tilespmem:$0x1CC60] =	vst v9  }
0xc3: {  	[tilespmem:$0x1CC70] =	vst v9  }
0xc4: {  	[tilespmem:$0x1CCC0] =	vst v9  }
0xc5: {  	[tilespmem:$0x1CCD0] =	vst v9  }
0xc6: {  	[tilespmem:$0x1CCE0] =	vst v9  }
0xc7: {  	[tilespmem:$0x1CCF0] =	vst v9  }
0xc8: {  	[tilespmem:$0x1CD40] =	vst v9  }
0xc9: {  	[tilespmem:$0x1CD50] =	vst v9  }
0xca: {  	[tilespmem:$0x1CD60] =	vst v9  }
0xcb: {  	[tilespmem:$0x1CD70] =	vst v9  }
0xcc: {  	[tilespmem:$0x1CDC0] =	vst v9  }
0xcd: {  	[tilespmem:$0x1CDD0] =	vst v9  }
0xce: {  	[tilespmem:$0x1CDE0] =	vst v9  }
0xcf: {  	[tilespmem:$0x1CDF0] =	vst v9  }
0xd0: {  	[tilespmem:$0x1CE40] =	vst v9  }
0xd1: {  	[tilespmem:$0x1CE50] =	vst v9  }
0xd2: {  	[tilespmem:$0x1CE60] =	vst v9  }
0xd3: {  	[tilespmem:$0x1CE70] =	vst v9  }
0xd4: {  	[tilespmem:$0x1CEC0] =	vst v9  }
0xd5: {  	[tilespmem:$0x1CED0] =	vst v9  }
0xd6: {  	[tilespmem:$0x1CEE0] =	vst v9  }
0xd7: {  	[tilespmem:$0x1CEF0] =	vst v9  }
0xd8: {  	[tilespmem:$0x1CF40] =	vst v9  }
0xd9: {  	[tilespmem:$0x1CF50] =	vst v9  }
0xda: {  	[tilespmem:$0x1CF60] =	vst v9  }
0xdb: {  	[tilespmem:$0x1CF70] =	vst v9  }
0xdc: {  	[tilespmem:$0x1CFC0] =	vst v9  }
0xdd: {  	[tilespmem:$0x1CFD0] =	vst v9  }
0xde: {  	[tilespmem:$0x1CFE0] =	vst v9  }
0xdf: {  	[tilespmem:$0x1CFF0] =	vst v9  }
0xe0: {  	[tilespmem:$0x1D040] =	vst v9  }
0xe1: {  	[tilespmem:$0x1D050] =	vst v9  }
0xe2: {  	[tilespmem:$0x1D060] =	vst v9  }
0xe3: {  	[tilespmem:$0x1D070] =	vst v9  }
0xe4: {  	[tilespmem:$0x1D0C0] =	vst v9  }
0xe5: {  	[tilespmem:$0x1D0D0] =	vst v9  }
0xe6: {  	[tilespmem:$0x1D0E0] =	vst v9  }
0xe7: {  	[tilespmem:$0x1D0F0] =	vst v9  }
0xe8: {  	[tilespmem:$0x1D140] =	vst v9  }
0xe9: {  	[tilespmem:$0x1D150] =	vst v9  }
0xea: {  	[tilespmem:$0x1D160] =	vst v9  }
0xeb: {  	[tilespmem:$0x1D170] =	vst v9  }
0xec: {  	[tilespmem:$0x1D1C0] =	vst v9  }
0xed: {  	[tilespmem:$0x1D1D0] =	vst v9  }
0xee: {  	[tilespmem:$0x1D1E0] =	vst v9  }
0xef: {  	[tilespmem:$0x1D1F0] =	vst v9  }
0xf0: {  	[tilespmem:$0x1D240] =	vst v9  }
0xf1: {  	[tilespmem:$0x1D250] =	vst v9  }
0xf2: {  	[tilespmem:$0x1D260] =	vst v9  }
0xf3: {  	[tilespmem:$0x1D270] =	vst v9  }
0xf4: {  	[tilespmem:$0x1D2C0] =	vst v9  }
0xf5: {  	[tilespmem:$0x1D2D0] =	vst v9  }
0xf6: {  	[tilespmem:$0x1D2E0] =	vst v9  }
0xf7: {  	[tilespmem:$0x1D2F0] =	vst v9  }
0xf8: {  	[tilespmem:$0x1D340] =	vst v9  }
0xf9: {  	[tilespmem:$0x1D350] =	vst v9  }
0xfa: {  	[tilespmem:$0x1D360] =	vst v9  }
0xfb: {  	[tilespmem:$0x1D370] =	vst v9  }
0xfc: {  	[tilespmem:$0x1D3C0] =	vst v9  }
0xfd: {  	[tilespmem:$0x1D3D0] =	vst v9  }
0xfe: {  	[tilespmem:$0x1D3E0] =	vst v9  }
0xff: {  	[tilespmem:$0x1D3F0] =	vst v9  }
0x100: {  	[tilespmem:$0x1D440] =	vst v9  }
0x101: {  	[tilespmem:$0x1D450] =	vst v9  }
0x102: {  	[tilespmem:$0x1D460] =	vst v9  }
0x103: {  	[tilespmem:$0x1D470] =	vst v9  }
0x104: {  	[tilespmem:$0x1D4C0] =	vst v9  }
0x105: {  	[tilespmem:$0x1D4D0] =	vst v9  }
0x106: {  	[tilespmem:$0x1D4E0] =	vst v9  }
0x107: {  	[tilespmem:$0x1D4F0] =	vst v9  }
0x108: {  	[tilespmem:$0x1D540] =	vst v9  }
0x109: {  	[tilespmem:$0x1D550] =	vst v9  }
0x10a: {  	[tilespmem:$0x1D560] =	vst v9  }
0x10b: {  	[tilespmem:$0x1D570] =	vst v9  }
0x10c: {  	[tilespmem:$0x1D5C0] =	vst v9  }
0x10d: {  	[tilespmem:$0x1D5D0] =	vst v9  }
0x10e: {  	[tilespmem:$0x1D5E0] =	vst v9  }
0x10f: {  	[tilespmem:$0x1D5F0] =	vst v9  }
0x110: {  	[tilespmem:$0x1D640] =	vst v9  }
0x111: {  	[tilespmem:$0x1D650] =	vst v9  }
0x112: {  	[tilespmem:$0x1D660] =	vst v9  }
0x113: {  	[tilespmem:$0x1D670] =	vst v9  }
0x114: {  	[tilespmem:$0x1D6C0] =	vst v9  }
0x115: {  	[tilespmem:$0x1D6D0] =	vst v9  }
0x116: {  	[tilespmem:$0x1D6E0] =	vst v9  }
0x117: {  	[tilespmem:$0x1D6F0] =	vst v9  }
0x118: {  	[tilespmem:$0x1D740] =	vst v9  }
0x119: {  	[tilespmem:$0x1D750] =	vst v9  }
0x11a: {  	[tilespmem:$0x1D760] =	vst v9  }
0x11b: {  	[tilespmem:$0x1D770] =	vst v9  }
0x11c: {  	[tilespmem:$0x1D7C0] =	vst v9  }
0x11d: {  	[tilespmem:$0x1D7D0] =	vst v9  }
0x11e: {  	[tilespmem:$0x1D7E0] =	vst v9  }
0x11f: {  	[tilespmem:$0x1D7F0] =	vst v9  }
0x120: {  	[tilespmem:$0x1D840] =	vst v9  }
0x121: {  	[tilespmem:$0x1D850] =	vst v9  }
0x122: {  	[tilespmem:$0x1D860] =	vst v9  }
0x123: {  	[tilespmem:$0x1D870] =	vst v9  }
0x124: {  	[tilespmem:$0x1D8C0] =	vst v9  }
0x125: {  	[tilespmem:$0x1D8D0] =	vst v9  }
0x126: {  	[tilespmem:$0x1D8E0] =	vst v9  }
0x127: {  	[tilespmem:$0x1D8F0] =	vst v9  }
0x128: {  	[tilespmem:$0x1D940] =	vst v9  }
0x129: {  	[tilespmem:$0x1D950] =	vst v9  }
0x12a: {  	[tilespmem:$0x1D960] =	vst v9  }
0x12b: {  	[tilespmem:$0x1D970] =	vst v9  }
0x12c: {  	[tilespmem:$0x1D9C0] =	vst v9  }
0x12d: {  	[tilespmem:$0x1D9D0] =	vst v9  }
0x12e: {  	[tilespmem:$0x1D9E0] =	vst v9  }
0x12f: {  	[tilespmem:$0x1D9F0] =	vst v9  }
0x130: {  	[tilespmem:$0x1DA40] =	vst v9  }
0x131: {  	[tilespmem:$0x1DA50] =	vst v9  }
0x132: {  	[tilespmem:$0x1DA60] =	vst v9  }
0x133: {  	[tilespmem:$0x1DA70] =	vst v9  }
0x134: {  	[tilespmem:$0x1DAC0] =	vst v9  }
0x135: {  	[tilespmem:$0x1DAD0] =	vst v9  }
0x136: {  	[tilespmem:$0x1DAE0] =	vst v9  }
0x137: {  	[tilespmem:$0x1DAF0] =	vst v9  }
0x138: {  	[tilespmem:$0x1DB40] =	vst v9  }
0x139: {  	[tilespmem:$0x1DB50] =	vst v9  }
0x13a: {  	[tilespmem:$0x1DB60] =	vst v9  }
0x13b: {  	[tilespmem:$0x1DB70] =	vst v9  }
0x13c: {  	[tilespmem:$0x1DBC0] =	vst v9  }
0x13d: {  	[tilespmem:$0x1DBD0] =	vst v9  }
0x13e: {  	[tilespmem:$0x1DBE0] =	vst v9  }
0x13f: {  	[tilespmem:$0x1DBF0] =	vst v9  }
0x140: {  	[tilespmem:$0x1DC40] =	vst v9  }
0x141: {  	[tilespmem:$0x1DC50] =	vst v9  }
0x142: {  	[tilespmem:$0x1DC60] =	vst v9  }
0x143: {  	[tilespmem:$0x1DC70] =	vst v9  }
0x144: {  	[tilespmem:$0x1DCC0] =	vst v9  }
0x145: {  	[tilespmem:$0x1DCD0] =	vst v9  }
0x146: {  	[tilespmem:$0x1DCE0] =	vst v9  }
0x147: {  	[tilespmem:$0x1DCF0] =	vst v9  }
0x148: {  	[tilespmem:$0x1DD40] =	vst v9  }
0x149: {  	[tilespmem:$0x1DD50] =	vst v9  }
0x14a: {  	[tilespmem:$0x1DD60] =	vst v9  }
0x14b: {  	[tilespmem:$0x1DD70] =	vst v9  }
0x14c: {  	[tilespmem:$0x1DDC0] =	vst v9  }
0x14d: {  	[tilespmem:$0x1DDD0] =	vst v9  }
0x14e: {  	[tilespmem:$0x1DDE0] =	vst v9  }
0x14f: {  	[tilespmem:$0x1DDF0] =	vst v9  }
0x150: {  	[tilespmem:$0x1DE40] =	vst v9  }
0x151: {  	[tilespmem:$0x1DE50] =	vst v9  }
0x152: {  	[tilespmem:$0x1DE60] =	vst v9  }
0x153: {  	[tilespmem:$0x1DE70] =	vst v9  }
0x154: {  	[tilespmem:$0x1DEC0] =	vst v9  }
0x155: {  	[tilespmem:$0x1DED0] =	vst v9  }
0x156: {  	[tilespmem:$0x1DEE0] =	vst v9  }
0x157: {  	[tilespmem:$0x1DEF0] =	vst v9  }
0x158: {  	[tilespmem:$0x1DF40] =	vst v9  }
0x159: {  	[tilespmem:$0x1DF50] =	vst v9  }
0x15a: {  	[tilespmem:$0x1DF60] =	vst v9  }
0x15b: {  	[tilespmem:$0x1DF70] =	vst v9  }
0x15c: {  	[tilespmem:$0x1DFC0] =	vst v9  }
0x15d: {  	[tilespmem:$0x1DFD0] =	vst v9  }
0x15e: {  	[tilespmem:$0x1DFE0] =	vst v9  }
0x15f: {  	[tilespmem:$0x1DFF0] =	vst v9  }
0x160: {  	s0 =	sadd.s32 $0xF, s28;
	[tilespmem:$0x1E040] =	vst v9  }
0x161: {  	s19 =	sand.u32 $0xF, s0;
	[tilespmem:$0x1E050] =	vst v9  }
0x162: {  	s28 =	sshra.s32 s0, $0x1F;
	[tilespmem:$0x1E0E0] =	vst v9;
	p0 =	slt.s32 s0, $0x1;
	p1 =	sne.s32 s19, $0x0  }
.Ltmp3:
0x163: {  	p0 =	por !p0, !p1;
	[tilespmem:$0x1E0F0] =	vst v9;
	s31 =	sshrl.u32 s28, $0x1C;
	(pc) =	sbr.rel .LBB2_4-.Ltmp3, $4  }
0x164: {  	s5 =	simm.s32 $0x1;
	[tilespmem:$0x1E060] =	vst v9;
	p0 =	por !p0, !p0;
	s0 =	sadd.s32 s31, s0  }
0x165: {  	[tilespmem:$0x1E0D0] =	vst v9;
	s5 =	simm.s32 @!p0 $0x0;
	s0 =	sshra.s32 s0, $0x4  }
0x166: {  	[tilespmem:$0x1E0C0] =	vst v9;
	s28 =	ssub.s32 s0, s5  }
0x167: {  	s30 =	simm.s32 $0x0;
	p0 =	slt.s32 s28, $0x1;
	s29 =	simm.s32 $0x0;
	[tilespmem:$0x1E070] =	vst v9  }
.LBB2_10:
0x168: {  	s0 =	sadd.s32 $0x2, s30  }
0x169: {  	p1 =	sge.u32 s0, s2  }
0x16a: {  	s0 =	sadd.s32 @!p1 s1, s0  }
0x16b: {  	s0 =	sshll.u32 @!p1 s0, $0x9  }
0x16c: {  	s4 =	sadd.s32 $0xC100, s31;
	s0 =	smin.u32 @!p1 s0, $0xF4080  }
0x16d: {  	s18 =	simm.s32 @!p1 $0x1000;
	s19 =	simm.s32 @!p1 $0x7A1400;
	s5 =	sadd.s32 @!p1 s3, s0  }
0x16e: {  	[tilespmem:s4], [sflag:$0x1] =	stream.strided.gather @!p1 [hbm4b:s5+s18], $0x4000, s19, s18, $0x38;
	[tilespmem:$0x1E180] =	vst v63  }
0x16f: {  	s30 =	sadd.s32 $0x1, s30;
	s0 =	sadd.s32 @!p1 s0, s9;
	s4 =	sadd.s32 @!p1 $0x10100, s31  }
0x170: {  	[tilespmem:s4], [sflag:$0x1] =	stream.strided.gather @!p1 [hbm4b:s0+s18], $0x4000, s19, s18, $0x38;
	[tilespmem:$0x1E180] =	vst v63  }
0x171: {  	p1 =	sne.s32 s30, s13  }
.Ltmp4:
0x172: {  	_ = 	snop;
	(pc) =	sbr.rel @!p1 .LBB2_11-.Ltmp4, $1  }
0x173: {  	_ =	sdelay $0x3  }
.LBB2_4:
.Ltmp5:
0x174: {  	(pc) =	sbr.rel @p0 .LBB2_10-.Ltmp5, $4  }
0x175: {  	_ = 	snop  }
0x176: {  	_ =	swait.ge [sflag:s24], $0x8000  }
0x177: {  	s0 =	sand.u32 $0x1, s30;
	[sflag:s24] =	ssyncset.done $0x0  }
0x178: {  	s31 =	sshll.u32 s0, $0xF;
	[sflag:s24] =	ssyncadd.s32 $0xFFFF8000  }
.Ltmp6:
0x179: {  	s0 =	sadd.s32 s1, s30;
	(pc) =	sbr.rel .LBB2_6-.Ltmp6, $4  }
0x17a: {  	s5 =	sshll.u32 s0, $0x9  }
0x17b: {  	p1 =	slt.s32 s5, $0xF4080  }
0x17c: {  	v16 =	vor.u32 s31, v10;
	v17 =	vor.u32 s31, v11;
	v18 =	vor.u32 s31, v12;
	s5 =	simm.s32 @!p1 $0xF4080  }
0x17d: {  	v19 =	vor.u32 s31, v13;
	v14 =	vmov s0;
	v15 =	vmov s5;
	s5 =	simm.s32 $0x0  }
.LBB2_9:
0x17e: {  	s5 =	sadd.s32 $0x1, s5  }
0x17f: {  	p1 =	sne.s32 s5, s28  }
.Ltmp7:
0x180: {  	_ = 	snop;
	(pc) =	sbr.rel @!p1 .LBB2_10-.Ltmp7, $1  }
0x181: {  	_ =	sdelay $0x3  }
.LBB2_6:
0x182: {  	s0 =	sshll.u32 s5, $0x4  }
0x183: {  	v20 =	vld [tilespmem:s0+$0x4000];
	_ =	sdelay $0x4  }
0x184: {  	v20 =	vshrl.u32 v20, $0x9  }
0x185: {  	vm0 =	veq.s32 v20, v14  }
0x186: {  	v20 =	vmpcnt.ones.xlane vm0;
	_ =	sdelay $0x1  }
0x187: {  	(v2sf) =	vpush v20, $0x0;
	_ =	sdelay $0xe  }
0x188: {  	s4 =	spop (v2sf)  }
0x189: {  	p1 =	slt.s32 s4, $0x1  }
.Ltmp8:
0x18a: {  	_ = 	snop;
	(pc) =	sbr.rel @p1 .LBB2_9-.Ltmp8, $1  }
0x18b: {  	_ =	sdelay $0x3  }
0x18c: {  	v20 =	vmov s0  }
.LBB2_8:
0x18d: {  	v21 =	vmctz.xlane vm0;
	_ =	sdelay $0x1  }
0x18e: {  	v22 =	vadd.s32 v20, v21;
	_ =	sdelay $0x4  }
0x18f: {  	v23 =	vld.idx.msk [tilespmem:v22+s22+$0x0], $0xffff;
	_ =	sdelay $0x4  }
0x190: {  	v24 =	vsub.s32 v23, v15  }
0x191: {  	v23 =	vand.u32 $0x7F, v23;
	v24 =	vshll.u32 v24, $0x3  }
0x192: {  	v25 =	vor.u32 v23, v16;
	v24 =	vand.u32 $0xFFFFFC00, v24  }
0x193: {  	v25 =	vadd.s32 v24, v25;
	_ =	sdelay $0x4  }
0x194: {  	v26 =	vor.u32 v23, v17;
	v25 =	vld.idx.msk [tilespmem:v25+s17+$0x0], $0xffff  }
0x195: {  	v26 =	vadd.s32 v24, v26;
	_ =	sdelay $0x1  }
0x196: {  	s0 =	sand.u32 $0x3F, s29  }
0x197: {  	s4 =	sshll.u32 s0, $0x7  }
0x198: {  	v22 =	vld.idx.msk [tilespmem:v22+s23+$0x0], $0xffff;
	[tilespmem:s4+$0x1C100] =	vst v25  }
0x199: {  	v62 =	vor.u32 v23, v18;
	v25 =	vld.idx.msk [tilespmem:v26+s17+$0x0], $0xffff  }
0x19a: {  	v26 =	vadd.s32 v24, v62;
	_ =	sdelay $0x3  }
0x19b: {  	[tilespmem:s4+$0x1C110] =	vst v25  }
0x19c: {  	v23 =	vor.u32 v23, v19;
	v25 =	vld.idx.msk [tilespmem:v26+s17+$0x0], $0xffff  }
0x19d: {  	v23 =	vadd.s32 v24, v23;
	_ =	sdelay $0x3  }
0x19e: {  	[tilespmem:s4+$0x1C120] =	vst v25  }
0x19f: {  	v23 =	vld.idx.msk [tilespmem:v23+s17+$0x0], $0xffff  }
0x1a0: {  	v63 =	vmov s0;
	_ =	sdelay $0x1  }
0x1a1: {  	s29 =	sadd.s32 $0x1, s29  }
0x1a2: {  	s18 =	sand.u32 $0x3F, s29  }
0x1a3: {  	p1 =	sne.s32 s18, $0x0;
	[tilespmem:s4+$0x1C130] =	vst v23  }
0x1a4: {  	vm1 =	vne.s32 v21, v3;
	s0 =	simm.s32 @!p1 $0x40;
	s18 =	simm.s32 @!p1 $0x1C100;
	s4 =	simm.s32 @!p1 $0x1E100;
	[tilespmem:v63+s25+$0x0] =	vst.idx.msk $0x1, v22  }
0x1a5: {  	vm0 =	vmand vm0, vm1;
	[hbm4b:s7+s0] =	stream.indirect.scatter @!p1 [tilespmem:s18], [sflag:$0x2], $0x80, s4, s0, $0xb8;
	[tilespmem:$0x1E180] =	vst v63  }
0x1a6: {  	v21 =	vmpcnt.ones.xlane vm0;
	s0 =	simm.s32 @!p1 $0x2  }
0x1a7: {  	_ =	swait.ge @!p1 [sflag:s0], $0x2000  }
0x1a8: {  	(v2sf) =	vpush v21, $0x0;
	_ =	sdelay $0xe  }
0x1a9: {  	s19 =	spop (v2sf)  }
0x1aa: {  	[sflag:s0] =	ssyncset.done @!p1 $0x0;
	v21 =	vlaneseq.u32 @!p1;
	p2 =	sgt.s32 s19, $0x0  }
.Ltmp9:
0x1ab: {  	[sflag:s0] =	ssyncadd.s32 @!p1 $0xFFFFE000;
	v22 =	vor.u32 @!p1 $0x4000, v21;
	(pc) =	sbr.rel @p2 .LBB2_8-.Ltmp9, $4  }
0x1ac: {  	[tilespmem:$0x1E100] =	vst @!p1 v22;
	v22 =	vor.u32 @!p1 $0x4010, v21  }
0x1ad: {  	[tilespmem:$0x1E110] =	vst @!p1 v22;
	v22 =	vor.u32 @!p1 $0x4020, v21  }
0x1ae: {  	v21 =	vor.u32 @!p1 $0x4030, v21;
	[tilespmem:$0x1E120] =	vst @!p1 v22  }
0x1af: {  	[tilespmem:$0x1E130] =	vst @!p1 v21  }
.Ltmp10:
0x1b0: {  	_ = 	snop;
	(pc) =	sbr.rel .LBB2_9-.Ltmp10, $1  }
0x1b1: {  	_ =	sdelay $0x3  }
.LBB2_12:
0x1b2: {  	_ =	sfence.sel $0x180000  }
0x1b3: {  	[bflag:$0x0] =	sbarrier.arrive $0xFFFF  }
0x1b4: {  	_ =	strace $0x90000047  }
0x1b5: {  	s0 =	stileid.u32;
	[bflag:$0x2] =	sbarrier.arrive $0xFFFF  }
0x1b6: {  	p0 =	sne.s32 s0, $0x0;
	s0 =	rddreg [dreg:$0x3]  }
0x1b7: {  	s0 =	sadd.s32 @!p0 $0x100000, s0  }
0x1b8: {  	[sflag:s0] =	ssyncadd.tile.s32 @!p0 $0x1;
	_ =	shalt  }
.Lfunc_end2:
_tile_overlayer_lowered:
.L_overlay_start_2:
0x1b9: {  	(tag) =	ssettag $0x2  }
0x1ba: {  	s0 =	rddreg [dreg:$0x0];
	s2 =	stileid.u32  }
0x1bb: {  	s1 =	rddreg [dreg:$0x1];
	p0 =	sne.s32 s2, $0x0  }
0x1bc: {  	s3 =	rddreg [dreg:$0x2];
	[bflag:$0x3] =	sbarrier.arrive $0xFFFF;
	s2 =	simm.s32 @!p0 $0x1C04  }
0x1bd: {  	[timem:s3], [sflag:s2] =	dma.local @!p0 [hbm:s0], s1  }
0x1be: {  	s0 =	simm.s32 @!p0 $0x4  }
0x1bf: {  	_ =	swait.ge @!p0 [sflag:s0], s1  }
0x1c0: {  	s1 =	ssub.s32 @!p0 $0x0, s1;
	[sflag:s0] =	ssyncset.done @!p0 $0x0  }
0x1c1: {  	[sflag:s0] =	ssyncadd.s32 @!p0 s1  }
0x1c2: {  	[bflag:$0x3] =	sbarrier.arrive $0xFFFF  }
0x1c3: {  	_ =	shalt  }

</sc_bundles>
